<compile_context>
chip_gen: v7x
topology: tpu7x:2x2x1
jax: 0.10.2.dev20260603
libtpu: 0.0.44.dev20260713+nightly
codegen_flags: <defaults>
</compile_context>

<pallas_src>
import functools

import jax
import jax.numpy as jnp
from jax import lax
from jax.experimental import pallas as pl
from jax.experimental.pallas import tpu as pltpu
from jax.experimental.pallas import tpu_sc as plsc

_B = 16384
_D = 32
_NE = 1000000
_NR = 1000
_NC = 2
_NS = 16
_NW = _NC * _NS
_BW = _B // _NW
_CHUNK = 128
_HALF = 256


def _rsqrt(x):
    i = plsc.bitcast(x, jnp.int32)
    i = jnp.int32(0x5F3759DF) - lax.shift_right_logical(i, 1)
    y = plsc.bitcast(i, jnp.float32)
    for _ in range(3):
        y = y * (1.5 - 0.5 * x * y * y)
    return y


def _body(head_hbm, rel_hbm, tail_hbm, etab_hbm, rtab_hbm, out_hbm,
          hidx, tidx, ridx, hrows, trows, rrows, scores, sem):
    wid = lax.axis_index("s") * _NC + lax.axis_index("c")
    base = wid * _BW

    pltpu.sync_copy(head_hbm.at[pl.ds(base, _BW)], hidx)
    pltpu.sync_copy(tail_hbm.at[pl.ds(base, _BW)], tidx)
    pltpu.sync_copy(rel_hbm.at[pl.ds(base, _BW)], ridx)

    lane = lax.iota(jnp.int32, 16)

    for h in range(_BW // _HALF):
        cps = []
        for c in range(_HALF // _CHUNK):
            isl = pl.ds(h * _HALF + c * _CHUNK, _CHUNK)
            dsl = pl.ds(c * _CHUNK, _CHUNK)
            cps.append(pltpu.async_copy(etab_hbm.at[hidx.at[isl]],
                                        hrows.at[dsl], sem))
            cps.append(pltpu.async_copy(etab_hbm.at[tidx.at[isl]],
                                        trows.at[dsl], sem))
            cps.append(pltpu.async_copy(rtab_hbm.at[ridx.at[isl]],
                                        rrows.at[dsl], sem))
        for cp in cps:
            cp.wait()

        def block(b, carry):
            rvec = b * 16 + lane
            sl = pl.ds(h * _HALF + b * 16, 16)
            z = jnp.zeros((16,), jnp.float32)
            hh = tt = rr = hr = tr = ht = z
            for j in range(_D):
                col = jnp.full((16,), j, jnp.int32)
                hj = plsc.load_gather(hrows, [rvec, col])
                tj = plsc.load_gather(trows, [rvec, col])
                rj = plsc.load_gather(rrows, [rvec, col])
                hh = hh + hj * hj
                tt = tt + tj * tj
                rr = rr + rj * rj
                hr = hr + hj * rj
                tr = tr + tj * rj
                ht = ht + hj * tj
            one = jnp.ones((16,), jnp.float32)
            sh = jnp.where(hh > 1.0, _rsqrt(hh), one)
            st = jnp.where(tt > 1.0, _rsqrt(tt), one)
            s = (sh * sh * hh + st * st * tt + rr
                 + 2.0 * (sh * hr) - 2.0 * (st * tr) - 2.0 * (sh * (st * ht)))
            s = jnp.maximum(s, 0.0)
            score = jnp.where(s > 0.0, -(s * _rsqrt(s)), z)
            scores[sl] = score
            return carry

        lax.fori_loop(0, _HALF // 16, block, 0)

    pltpu.sync_copy(scores, out_hbm.at[pl.ds(base, _BW)])


_transe_sc = functools.partial(
    pl.kernel,
    out_type=jax.ShapeDtypeStruct((_B,), jnp.float32),
    mesh=plsc.VectorSubcoreMesh(core_axis_name="c", subcore_axis_name="s"),
    compiler_params=pltpu.CompilerParams(
        needs_layout_passes=False, use_tc_tiling_on_sc=True),
    scratch_types=[
        pltpu.VMEM((_BW,), jnp.int32),
        pltpu.VMEM((_BW,), jnp.int32),
        pltpu.VMEM((_BW,), jnp.int32),
        pltpu.VMEM((_HALF, 128), jnp.float32),
        pltpu.VMEM((_HALF, 128), jnp.float32),
        pltpu.VMEM((_HALF, 128), jnp.float32),
        pltpu.VMEM((_BW,), jnp.float32),
        pltpu.SemaphoreType.DMA,
    ],
)(_body)


def kernel(head_ids, rel_ids, tail_ids, entity_table, relation_table):
    etab = jnp.pad(entity_table, ((0, 0), (0, 128 - _D)))
    rtab = jnp.pad(relation_table, ((0, 0), (0, 128 - _D)))
    return _transe_sc(head_ids.astype(jnp.int32), rel_ids.astype(jnp.int32),
                      tail_ids.astype(jnp.int32), etab, rtab)

# --- scband reference (transcript-rebuilt; emitter-appended) ---
"""Pipeline reference for scband-trans-e-38895223832655 (READ-ONLY COPY).

The authoritative reference and input builder live on the scoring server;
editing this copy changes nothing except your own understanding.
"""

import jax, jax.numpy as jnp
import numpy as np

NUM_ENTITIES = 1000000
NUM_RELATIONS = 1000
EMBED_DIM = 32
BATCH = 16384
P = 2
SCALE = 1.0


def setup_inputs(seed: int = 0) -> dict:
    key = jax.random.key(seed)
    k1, k2, k3, k4, k5 = jax.random.split(key, 5)
    head_ids = jax.random.randint(k1, (BATCH,), 0, NUM_ENTITIES)
    rel_ids = jax.random.randint(k2, (BATCH,), 0, NUM_RELATIONS)
    tail_ids = jax.random.randint(k3, (BATCH,), 0, NUM_ENTITIES)
    # xavier_uniform init like torch
    bound_e = float(np.sqrt(6.0 / (NUM_ENTITIES + EMBED_DIM)))
    bound_r = float(np.sqrt(6.0 / (NUM_RELATIONS + EMBED_DIM)))
    entity_table = jax.random.uniform(k4, (NUM_ENTITIES, EMBED_DIM), minval=-bound_e, maxval=bound_e, dtype=jnp.float32)
    relation_table = jax.random.uniform(k5, (NUM_RELATIONS, EMBED_DIM), minval=-bound_r, maxval=bound_r, dtype=jnp.float32)
    return {
        "head_ids": head_ids,
        "rel_ids": rel_ids,
        "tail_ids": tail_ids,
        "entity_table": entity_table,
        "relation_table": relation_table,
    }


def _renorm(e):
    # emulate nn.Embedding(max_norm=1): rows with L2 norm > 1 scaled down to norm 1
    n = jnp.linalg.norm(e, axis=-1, keepdims=True)
    return jnp.where(n > 1.0, e / jnp.maximum(n, 1e-12), e)


def reference(head_ids, rel_ids, tail_ids, entity_table, relation_table):
    h = _renorm(jnp.take(entity_table, head_ids, axis=0))
    t = _renorm(jnp.take(entity_table, tail_ids, axis=0))
    r = jnp.take(relation_table, rel_ids, axis=0)
    # embedding_score: -||h + r - t||_p
    score = -jnp.linalg.norm(h + r - t, ord=P, axis=-1)
    return score

if __name__ == "__main__":
    import jax
    _d = setup_inputs()
    print(jax.jit(kernel)(*tuple(_d.values())))

</pallas_src>

<mosaic_0001>
#map = affine_map<(d0, d1) -> (0)>
#map1 = affine_map<(d0, d1) -> (0, 0)>
module attributes {stable_mosaic.version = 14 : i64} {
  func.func @_body(%arg0: i32, %arg1: i32, %arg2: memref<16384xi32, #tpu.memory_space<hbm>>, %arg3: memref<16384xi32, #tpu.memory_space<hbm>>, %arg4: memref<16384xi32, #tpu.memory_space<hbm>>, %arg5: memref<1000000x128xf32, #tpu.memory_space<hbm>>, %arg6: memref<1000x128xf32, #tpu.memory_space<hbm>>, %arg7: memref<16384xf32, #tpu.memory_space<hbm>>, %arg8: memref<512xi32, #tpu.memory_space<vmem>>, %arg9: memref<512xi32, #tpu.memory_space<vmem>>, %arg10: memref<512xi32, #tpu.memory_space<vmem>>, %arg11: memref<256x128xf32, #tpu.memory_space<vmem>>, %arg12: memref<256x128xf32, #tpu.memory_space<vmem>>, %arg13: memref<256x128xf32, #tpu.memory_space<vmem>>, %arg14: memref<512xf32, #tpu.memory_space<vmem>>, %arg15: memref<!tpu.dma_semaphore, #tpu.memory_space<semaphore_mem>>) attributes {dimension_semantics = [#tpu.dimension_semantics<core_parallel>, #tpu.dimension_semantics<subcore_parallel>], iteration_bounds = array<i64: 2, 16>, scalar_prefetch = 0 : i64, scratch_operands = 8 : i64, tpu.core_type = #tpu.core_type<sc_vector_subcore>, window_params = [{transform_indices = #map}, {transform_indices = #map}, {transform_indices = #map}, {transform_indices = #map1}, {transform_indices = #map1}, {transform_indices = #map}]} {
    %mul3A = arith.constant 2 : i32
    %mul3A_0 = arith.muli %arg1, %mul3A : i32
    %add3A = arith.addi %mul3A_0, %arg0 : i32
    %mul3A_1 = arith.constant 512 : i32
    %mul3A_2 = arith.muli %add3A, %mul3A_1 : i32
    "tpu.region"() ({
      %run_scoped3A = tpu.sem_alloc : memref<!tpu.dma_semaphore, #tpu.memory_space<semaphore_mem>>
      %dma_start3A_204 = tpu.memref_slice %arg2[%mul3A_2] : memref<16384xi32, #tpu.memory_space<hbm>> -> memref<512xi32, #tpu.memory_space<hbm>>
      %dma_start3A_205 = tpu.memref_slice %arg2[%mul3A_2] : memref<16384xi32, #tpu.memory_space<hbm>> -> memref<512xi32, #tpu.memory_space<hbm>>
      tpu.enqueue_dma source(%dma_start3A_205 : memref<512xi32, #tpu.memory_space<hbm>>) target(%arg8 : memref<512xi32, #tpu.memory_space<vmem>>) target_semaphore(%run_scoped3A : memref<!tpu.dma_semaphore, #tpu.memory_space<semaphore_mem>>)
      %dma_wait3A_206 = tpu.memref_slice %arg2[%mul3A_2] : memref<16384xi32, #tpu.memory_space<hbm>> -> memref<512xi32, #tpu.memory_space<hbm>>
      %dma_wait3A_207 = tpu.memref_slice %arg2[%mul3A_2] : memref<16384xi32, #tpu.memory_space<hbm>> -> memref<512xi32, #tpu.memory_space<hbm>>
      tpu.wait_dma2 semaphore(%run_scoped3A : memref<!tpu.dma_semaphore, #tpu.memory_space<semaphore_mem>>) src(%dma_wait3A_207 : memref<512xi32, #tpu.memory_space<hbm>>) dst(%arg8 : memref<512xi32, #tpu.memory_space<vmem>>)
      tpu.yield
    }) : () -> ()
    "tpu.region"() ({
      %run_scoped3A = tpu.sem_alloc : memref<!tpu.dma_semaphore, #tpu.memory_space<semaphore_mem>>
      %dma_start3A_204 = tpu.memref_slice %arg4[%mul3A_2] : memref<16384xi32, #tpu.memory_space<hbm>> -> memref<512xi32, #tpu.memory_space<hbm>>
      %dma_start3A_205 = tpu.memref_slice %arg4[%mul3A_2] : memref<16384xi32, #tpu.memory_space<hbm>> -> memref<512xi32, #tpu.memory_space<hbm>>
      tpu.enqueue_dma source(%dma_start3A_205 : memref<512xi32, #tpu.memory_space<hbm>>) target(%arg9 : memref<512xi32, #tpu.memory_space<vmem>>) target_semaphore(%run_scoped3A : memref<!tpu.dma_semaphore, #tpu.memory_space<semaphore_mem>>)
      %dma_wait3A_206 = tpu.memref_slice %arg4[%mul3A_2] : memref<16384xi32, #tpu.memory_space<hbm>> -> memref<512xi32, #tpu.memory_space<hbm>>
      %dma_wait3A_207 = tpu.memref_slice %arg4[%mul3A_2] : memref<16384xi32, #tpu.memory_space<hbm>> -> memref<512xi32, #tpu.memory_space<hbm>>
      tpu.wait_dma2 semaphore(%run_scoped3A : memref<!tpu.dma_semaphore, #tpu.memory_space<semaphore_mem>>) src(%dma_wait3A_207 : memref<512xi32, #tpu.memory_space<hbm>>) dst(%arg9 : memref<512xi32, #tpu.memory_space<vmem>>)
      tpu.yield
    }) : () -> ()
    "tpu.region"() ({
      %run_scoped3A = tpu.sem_alloc : memref<!tpu.dma_semaphore, #tpu.memory_space<semaphore_mem>>
      %dma_start3A_204 = tpu.memref_slice %arg3[%mul3A_2] : memref<16384xi32, #tpu.memory_space<hbm>> -> memref<512xi32, #tpu.memory_space<hbm>>
      %dma_start3A_205 = tpu.memref_slice %arg3[%mul3A_2] : memref<16384xi32, #tpu.memory_space<hbm>> -> memref<512xi32, #tpu.memory_space<hbm>>
      tpu.enqueue_dma source(%dma_start3A_205 : memref<512xi32, #tpu.memory_space<hbm>>) target(%arg10 : memref<512xi32, #tpu.memory_space<vmem>>) target_semaphore(%run_scoped3A : memref<!tpu.dma_semaphore, #tpu.memory_space<semaphore_mem>>)
      %dma_wait3A_206 = tpu.memref_slice %arg3[%mul3A_2] : memref<16384xi32, #tpu.memory_space<hbm>> -> memref<512xi32, #tpu.memory_space<hbm>>
      %dma_wait3A_207 = tpu.memref_slice %arg3[%mul3A_2] : memref<16384xi32, #tpu.memory_space<hbm>> -> memref<512xi32, #tpu.memory_space<hbm>>
      tpu.wait_dma2 semaphore(%run_scoped3A : memref<!tpu.dma_semaphore, #tpu.memory_space<semaphore_mem>>) src(%dma_wait3A_207 : memref<512xi32, #tpu.memory_space<hbm>>) dst(%arg10 : memref<512xi32, #tpu.memory_space<vmem>>)
      tpu.yield
    }) : () -> ()
    %iota3A = tpu.iota {dimensions = array<i32: 0>} : vector<16xi32>
    %dma_start3A = arith.constant 0 : i32
    %dma_start3A_3 = arith.constant 0 : i32
    %dma_start3A_4 = tpu.memref_slice %arg11[%dma_start3A, %dma_start3A_3] : memref<256x128xf32, #tpu.memory_space<vmem>> -> memref<128x128xf32, #tpu.memory_space<vmem>>
    %dma_start3A_5 = arith.constant 0 : i32
    %dma_start3A_6 = tpu.memref_slice %arg8[%dma_start3A_5] : memref<512xi32, #tpu.memory_space<vmem>> -> memref<128xi32, #tpu.memory_space<vmem>>
    %dma_start3A_7 = arith.constant 0 : i32
    %dma_start3A_8 = arith.constant 0 : i32
    %dma_start3A_9 = tpu.memref_slice %arg5[%dma_start3A_7, %dma_start3A_8] : memref<1000000x128xf32, #tpu.memory_space<hbm>> -> memref<1000000x128xf32, #tpu.memory_space<hbm>>
    tpu.enqueue_indirect_dma source(%dma_start3A_9 : memref<1000000x128xf32, #tpu.memory_space<hbm>>) target(%dma_start3A_4 : memref<128x128xf32, #tpu.memory_space<vmem>>) offsets(%dma_start3A_6 : memref<128xi32, #tpu.memory_space<vmem>>) semaphore(%arg15 : memref<!tpu.dma_semaphore, #tpu.memory_space<semaphore_mem>>)
    %dma_start3A_10 = arith.constant 0 : i32
    %dma_start3A_11 = arith.constant 0 : i32
    %dma_start3A_12 = tpu.memref_slice %arg12[%dma_start3A_10, %dma_start3A_11] : memref<256x128xf32, #tpu.memory_space<vmem>> -> memref<128x128xf32, #tpu.memory_space<vmem>>
    %dma_start3A_13 = arith.constant 0 : i32
    %dma_start3A_14 = tpu.memref_slice %arg9[%dma_start3A_13] : memref<512xi32, #tpu.memory_space<vmem>> -> memref<128xi32, #tpu.memory_space<vmem>>
    %dma_start3A_15 = arith.constant 0 : i32
    %dma_start3A_16 = arith.constant 0 : i32
    %dma_start3A_17 = tpu.memref_slice %arg5[%dma_start3A_15, %dma_start3A_16] : memref<1000000x128xf32, #tpu.memory_space<hbm>> -> memref<1000000x128xf32, #tpu.memory_space<hbm>>
    tpu.enqueue_indirect_dma source(%dma_start3A_17 : memref<1000000x128xf32, #tpu.memory_space<hbm>>) target(%dma_start3A_12 : memref<128x128xf32, #tpu.memory_space<vmem>>) offsets(%dma_start3A_14 : memref<128xi32, #tpu.memory_space<vmem>>) semaphore(%arg15 : memref<!tpu.dma_semaphore, #tpu.memory_space<semaphore_mem>>)
    %dma_start3A_18 = arith.constant 0 : i32
    %dma_start3A_19 = arith.constant 0 : i32
    %dma_start3A_20 = tpu.memref_slice %arg13[%dma_start3A_18, %dma_start3A_19] : memref<256x128xf32, #tpu.memory_space<vmem>> -> memref<128x128xf32, #tpu.memory_space<vmem>>
    %dma_start3A_21 = arith.constant 0 : i32
    %dma_start3A_22 = tpu.memref_slice %arg10[%dma_start3A_21] : memref<512xi32, #tpu.memory_space<vmem>> -> memref<128xi32, #tpu.memory_space<vmem>>
    %dma_start3A_23 = arith.constant 0 : i32
    %dma_start3A_24 = arith.constant 0 : i32
    %dma_start3A_25 = tpu.memref_slice %arg6[%dma_start3A_23, %dma_start3A_24] : memref<1000x128xf32, #tpu.memory_space<hbm>> -> memref<1000x128xf32, #tpu.memory_space<hbm>>
    tpu.enqueue_indirect_dma source(%dma_start3A_25 : memref<1000x128xf32, #tpu.memory_space<hbm>>) target(%dma_start3A_20 : memref<128x128xf32, #tpu.memory_space<vmem>>) offsets(%dma_start3A_22 : memref<128xi32, #tpu.memory_space<vmem>>) semaphore(%arg15 : memref<!tpu.dma_semaphore, #tpu.memory_space<semaphore_mem>>)
    %dma_start3A_26 = arith.constant 128 : i32
    %dma_start3A_27 = arith.constant 0 : i32
    %dma_start3A_28 = tpu.memref_slice %arg11[%dma_start3A_26, %dma_start3A_27] : memref<256x128xf32, #tpu.memory_space<vmem>> -> memref<128x128xf32, #tpu.memory_space<vmem>>
    %dma_start3A_29 = arith.constant 128 : i32
    %dma_start3A_30 = tpu.memref_slice %arg8[%dma_start3A_29] : memref<512xi32, #tpu.memory_space<vmem>> -> memref<128xi32, #tpu.memory_space<vmem>>
    %dma_start3A_31 = arith.constant 0 : i32
    %dma_start3A_32 = arith.constant 0 : i32
    %dma_start3A_33 = tpu.memref_slice %arg5[%dma_start3A_31, %dma_start3A_32] : memref<1000000x128xf32, #tpu.memory_space<hbm>> -> memref<1000000x128xf32, #tpu.memory_space<hbm>>
    tpu.enqueue_indirect_dma source(%dma_start3A_33 : memref<1000000x128xf32, #tpu.memory_space<hbm>>) target(%dma_start3A_28 : memref<128x128xf32, #tpu.memory_space<vmem>>) offsets(%dma_start3A_30 : memref<128xi32, #tpu.memory_space<vmem>>) semaphore(%arg15 : memref<!tpu.dma_semaphore, #tpu.memory_space<semaphore_mem>>)
    %dma_start3A_34 = arith.constant 128 : i32
    %dma_start3A_35 = arith.constant 0 : i32
    %dma_start3A_36 = tpu.memref_slice %arg12[%dma_start3A_34, %dma_start3A_35] : memref<256x128xf32, #tpu.memory_space<vmem>> -> memref<128x128xf32, #tpu.memory_space<vmem>>
    %dma_start3A_37 = arith.constant 128 : i32
    %dma_start3A_38 = tpu.memref_slice %arg9[%dma_start3A_37] : memref<512xi32, #tpu.memory_space<vmem>> -> memref<128xi32, #tpu.memory_space<vmem>>
    %dma_start3A_39 = arith.constant 0 : i32
    %dma_start3A_40 = arith.constant 0 : i32
    %dma_start3A_41 = tpu.memref_slice %arg5[%dma_start3A_39, %dma_start3A_40] : memref<1000000x128xf32, #tpu.memory_space<hbm>> -> memref<1000000x128xf32, #tpu.memory_space<hbm>>
    tpu.enqueue_indirect_dma source(%dma_start3A_41 : memref<1000000x128xf32, #tpu.memory_space<hbm>>) target(%dma_start3A_36 : memref<128x128xf32, #tpu.memory_space<vmem>>) offsets(%dma_start3A_38 : memref<128xi32, #tpu.memory_space<vmem>>) semaphore(%arg15 : memref<!tpu.dma_semaphore, #tpu.memory_space<semaphore_mem>>)
    %dma_start3A_42 = arith.constant 128 : i32
    %dma_start3A_43 = arith.constant 0 : i32
    %dma_start3A_44 = tpu.memref_slice %arg13[%dma_start3A_42, %dma_start3A_43] : memref<256x128xf32, #tpu.memory_space<vmem>> -> memref<128x128xf32, #tpu.memory_space<vmem>>
    %dma_start3A_45 = arith.constant 128 : i32
    %dma_start3A_46 = tpu.memref_slice %arg10[%dma_start3A_45] : memref<512xi32, #tpu.memory_space<vmem>> -> memref<128xi32, #tpu.memory_space<vmem>>
    %dma_start3A_47 = arith.constant 0 : i32
    %dma_start3A_48 = arith.constant 0 : i32
    %dma_start3A_49 = tpu.memref_slice %arg6[%dma_start3A_47, %dma_start3A_48] : memref<1000x128xf32, #tpu.memory_space<hbm>> -> memref<1000x128xf32, #tpu.memory_space<hbm>>
    tpu.enqueue_indirect_dma source(%dma_start3A_49 : memref<1000x128xf32, #tpu.memory_space<hbm>>) target(%dma_start3A_44 : memref<128x128xf32, #tpu.memory_space<vmem>>) offsets(%dma_start3A_46 : memref<128xi32, #tpu.memory_space<vmem>>) semaphore(%arg15 : memref<!tpu.dma_semaphore, #tpu.memory_space<semaphore_mem>>)
    %dma_wait3A = arith.constant 0 : i32
    %dma_wait3A_50 = arith.constant 0 : i32
    %dma_wait3A_51 = tpu.memref_slice %arg11[%dma_wait3A, %dma_wait3A_50] : memref<256x128xf32, #tpu.memory_space<vmem>> -> memref<128x128xf32, #tpu.memory_space<vmem>>
    %dma_wait3A_52 = arith.constant 0 : i32
    %dma_wait3A_53 = tpu.memref_slice %arg8[%dma_wait3A_52] : memref<512xi32, #tpu.memory_space<vmem>> -> memref<128xi32, #tpu.memory_space<vmem>>
    %dma_wait3A_54 = arith.constant 0 : i32
    %dma_wait3A_55 = arith.constant 0 : i32
    %dma_wait3A_56 = tpu.memref_slice %arg5[%dma_wait3A_54, %dma_wait3A_55] : memref<1000000x128xf32, #tpu.memory_space<hbm>> -> memref<1000000x128xf32, #tpu.memory_space<hbm>>
    tpu.wait_indirect_dma semaphore(%arg15 : memref<!tpu.dma_semaphore, #tpu.memory_space<semaphore_mem>>) src(%dma_wait3A_56 : memref<1000000x128xf32, #tpu.memory_space<hbm>>) dst(%dma_wait3A_51 : memref<128x128xf32, #tpu.memory_space<vmem>>)
    %dma_wait3A_57 = arith.constant 0 : i32
    %dma_wait3A_58 = arith.constant 0 : i32
    %dma_wait3A_59 = tpu.memref_slice %arg12[%dma_wait3A_57, %dma_wait3A_58] : memref<256x128xf32, #tpu.memory_space<vmem>> -> memref<128x128xf32, #tpu.memory_space<vmem>>
    %dma_wait3A_60 = arith.constant 0 : i32
    %dma_wait3A_61 = tpu.memref_slice %arg9[%dma_wait3A_60] : memref<512xi32, #tpu.memory_space<vmem>> -> memref<128xi32, #tpu.memory_space<vmem>>
    %dma_wait3A_62 = arith.constant 0 : i32
    %dma_wait3A_63 = arith.constant 0 : i32
    %dma_wait3A_64 = tpu.memref_slice %arg5[%dma_wait3A_62, %dma_wait3A_63] : memref<1000000x128xf32, #tpu.memory_space<hbm>> -> memref<1000000x128xf32, #tpu.memory_space<hbm>>
    tpu.wait_indirect_dma semaphore(%arg15 : memref<!tpu.dma_semaphore, #tpu.memory_space<semaphore_mem>>) src(%dma_wait3A_64 : memref<1000000x128xf32, #tpu.memory_space<hbm>>) dst(%dma_wait3A_59 : memref<128x128xf32, #tpu.memory_space<vmem>>)
    %dma_wait3A_65 = arith.constant 0 : i32
    %dma_wait3A_66 = arith.constant 0 : i32
    %dma_wait3A_67 = tpu.memref_slice %arg13[%dma_wait3A_65, %dma_wait3A_66] : memref<256x128xf32, #tpu.memory_space<vmem>> -> memref<128x128xf32, #tpu.memory_space<vmem>>
    %dma_wait3A_68 = arith.constant 0 : i32
    %dma_wait3A_69 = tpu.memref_slice %arg10[%dma_wait3A_68] : memref<512xi32, #tpu.memory_space<vmem>> -> memref<128xi32, #tpu.memory_space<vmem>>
    %dma_wait3A_70 = arith.constant 0 : i32
    %dma_wait3A_71 = arith.constant 0 : i32
    %dma_wait3A_72 = tpu.memref_slice %arg6[%dma_wait3A_70, %dma_wait3A_71] : memref<1000x128xf32, #tpu.memory_space<hbm>> -> memref<1000x128xf32, #tpu.memory_space<hbm>>
    tpu.wait_indirect_dma semaphore(%arg15 : memref<!tpu.dma_semaphore, #tpu.memory_space<semaphore_mem>>) src(%dma_wait3A_72 : memref<1000x128xf32, #tpu.memory_space<hbm>>) dst(%dma_wait3A_67 : memref<128x128xf32, #tpu.memory_space<vmem>>)
    %dma_wait3A_73 = arith.constant 128 : i32
    %dma_wait3A_74 = arith.constant 0 : i32
    %dma_wait3A_75 = tpu.memref_slice %arg11[%dma_wait3A_73, %dma_wait3A_74] : memref<256x128xf32, #tpu.memory_space<vmem>> -> memref<128x128xf32, #tpu.memory_space<vmem>>
    %dma_wait3A_76 = arith.constant 128 : i32
    %dma_wait3A_77 = tpu.memref_slice %arg8[%dma_wait3A_76] : memref<512xi32, #tpu.memory_space<vmem>> -> memref<128xi32, #tpu.memory_space<vmem>>
    %dma_wait3A_78 = arith.constant 0 : i32
    %dma_wait3A_79 = arith.constant 0 : i32
    %dma_wait3A_80 = tpu.memref_slice %arg5[%dma_wait3A_78, %dma_wait3A_79] : memref<1000000x128xf32, #tpu.memory_space<hbm>> -> memref<1000000x128xf32, #tpu.memory_space<hbm>>
    tpu.wait_indirect_dma semaphore(%arg15 : memref<!tpu.dma_semaphore, #tpu.memory_space<semaphore_mem>>) src(%dma_wait3A_80 : memref<1000000x128xf32, #tpu.memory_space<hbm>>) dst(%dma_wait3A_75 : memref<128x128xf32, #tpu.memory_space<vmem>>)
    %dma_wait3A_81 = arith.constant 128 : i32
    %dma_wait3A_82 = arith.constant 0 : i32
    %dma_wait3A_83 = tpu.memref_slice %arg12[%dma_wait3A_81, %dma_wait3A_82] : memref<256x128xf32, #tpu.memory_space<vmem>> -> memref<128x128xf32, #tpu.memory_space<vmem>>
    %dma_wait3A_84 = arith.constant 128 : i32
    %dma_wait3A_85 = tpu.memref_slice %arg9[%dma_wait3A_84] : memref<512xi32, #tpu.memory_space<vmem>> -> memref<128xi32, #tpu.memory_space<vmem>>
    %dma_wait3A_86 = arith.constant 0 : i32
    %dma_wait3A_87 = arith.constant 0 : i32
    %dma_wait3A_88 = tpu.memref_slice %arg5[%dma_wait3A_86, %dma_wait3A_87] : memref<1000000x128xf32, #tpu.memory_space<hbm>> -> memref<1000000x128xf32, #tpu.memory_space<hbm>>
    tpu.wait_indirect_dma semaphore(%arg15 : memref<!tpu.dma_semaphore, #tpu.memory_space<semaphore_mem>>) src(%dma_wait3A_88 : memref<1000000x128xf32, #tpu.memory_space<hbm>>) dst(%dma_wait3A_83 : memref<128x128xf32, #tpu.memory_space<vmem>>)
    %dma_wait3A_89 = arith.constant 128 : i32
    %dma_wait3A_90 = arith.constant 0 : i32
    %dma_wait3A_91 = tpu.memref_slice %arg13[%dma_wait3A_89, %dma_wait3A_90] : memref<256x128xf32, #tpu.memory_space<vmem>> -> memref<128x128xf32, #tpu.memory_space<vmem>>
    %dma_wait3A_92 = arith.constant 128 : i32
    %dma_wait3A_93 = tpu.memref_slice %arg10[%dma_wait3A_92] : memref<512xi32, #tpu.memory_space<vmem>> -> memref<128xi32, #tpu.memory_space<vmem>>
    %dma_wait3A_94 = arith.constant 0 : i32
    %dma_wait3A_95 = arith.constant 0 : i32
    %dma_wait3A_96 = tpu.memref_slice %arg6[%dma_wait3A_94, %dma_wait3A_95] : memref<1000x128xf32, #tpu.memory_space<hbm>> -> memref<1000x128xf32, #tpu.memory_space<hbm>>
    tpu.wait_indirect_dma semaphore(%arg15 : memref<!tpu.dma_semaphore, #tpu.memory_space<semaphore_mem>>) src(%dma_wait3A_96 : memref<1000x128xf32, #tpu.memory_space<hbm>>) dst(%dma_wait3A_91 : memref<128x128xf32, #tpu.memory_space<vmem>>)
    %scan3A = arith.constant 0 : i32
    %scan3A_97 = arith.constant 0 : i32
    %scan3A_98 = arith.constant 16 : i32
    %scan3A_99 = arith.addi %scan3A_97, %scan3A_98 : i32
    %scan3A_100 = arith.constant 1 : i32
    scf.for %scan3A_204 = %scan3A_97 to %scan3A_99 step %scan3A_100  : i32 {
      %mul3A_205 = arith.constant 16 : i32
      %mul3A_206 = arith.muli %scan3A_204, %mul3A_205 : i32
      %add3A_207 = vector.broadcast %mul3A_206 : i32 to vector<16xi32>
      %add3A_208 = arith.addi %add3A_207, %iota3A : vector<16xi32>
      %mul3A_209 = arith.constant 16 : i32
      %mul3A_210 = arith.muli %scan3A_204, %mul3A_209 : i32
      %add3A_211 = arith.constant 0 : i32
      %add3A_212 = arith.addi %add3A_211, %mul3A_210 : i32
      %broadcast_in_dim3A = arith.constant 0.000000e+00 : f32
      %broadcast_in_dim3A_213 = vector.broadcast %broadcast_in_dim3A : f32 to vector<16xf32>
      %broadcast_in_dim3A_214 = arith.constant 0 : i32
      %broadcast_in_dim3A_215 = vector.broadcast %broadcast_in_dim3A_214 : i32 to vector<16xi32>
      %gather3A = tpu.vector_load_idx %arg11[%add3A_208, %broadcast_in_dim3A_215] : memref<256x128xf32, #tpu.memory_space<vmem>>[vector<16xi32>, vector<16xi32>], vector<16xf32>,
      %gather3A_216 = tpu.vector_load_idx %arg12[%add3A_208, %broadcast_in_dim3A_215] : memref<256x128xf32, #tpu.memory_space<vmem>>[vector<16xi32>, vector<16xi32>], vector<16xf32>,
      %gather3A_217 = tpu.vector_load_idx %arg13[%add3A_208, %broadcast_in_dim3A_215] : memref<256x128xf32, #tpu.memory_space<vmem>>[vector<16xi32>, vector<16xi32>], vector<16xf32>,
      %mul3A_218 = arith.mulf %gather3A, %gather3A : vector<16xf32>
      %add3A_219 = arith.addf %broadcast_in_dim3A_213, %mul3A_218 : vector<16xf32>
      %mul3A_220 = arith.mulf %gather3A_216, %gather3A_216 : vector<16xf32>
      %add3A_221 = arith.addf %broadcast_in_dim3A_213, %mul3A_220 : vector<16xf32>
      %mul3A_222 = arith.mulf %gather3A_217, %gather3A_217 : vector<16xf32>
      %add3A_223 = arith.addf %broadcast_in_dim3A_213, %mul3A_222 : vector<16xf32>
      %mul3A_224 = arith.mulf %gather3A, %gather3A_217 : vector<16xf32>
      %add3A_225 = arith.addf %broadcast_in_dim3A_213, %mul3A_224 : vector<16xf32>
      %mul3A_226 = arith.mulf %gather3A_216, %gather3A_217 : vector<16xf32>
      %add3A_227 = arith.addf %broadcast_in_dim3A_213, %mul3A_226 : vector<16xf32>
      %mul3A_228 = arith.mulf %gather3A, %gather3A_216 : vector<16xf32>
      %add3A_229 = arith.addf %broadcast_in_dim3A_213, %mul3A_228 : vector<16xf32>
      %broadcast_in_dim3A_230 = arith.constant 1 : i32
      %broadcast_in_dim3A_231 = vector.broadcast %broadcast_in_dim3A_230 : i32 to vector<16xi32>
      %gather3A_232 = tpu.vector_load_idx %arg11[%add3A_208, %broadcast_in_dim3A_231] : memref<256x128xf32, #tpu.memory_space<vmem>>[vector<16xi32>, vector<16xi32>], vector<16xf32>,
      %gather3A_233 = tpu.vector_load_idx %arg12[%add3A_208, %broadcast_in_dim3A_231] : memref<256x128xf32, #tpu.memory_space<vmem>>[vector<16xi32>, vector<16xi32>], vector<16xf32>,
      %gather3A_234 = tpu.vector_load_idx %arg13[%add3A_208, %broadcast_in_dim3A_231] : memref<256x128xf32, #tpu.memory_space<vmem>>[vector<16xi32>, vector<16xi32>], vector<16xf32>,
      %mul3A_235 = arith.mulf %gather3A_232, %gather3A_232 : vector<16xf32>
      %add3A_236 = arith.addf %add3A_219, %mul3A_235 : vector<16xf32>
      %mul3A_237 = arith.mulf %gather3A_233, %gather3A_233 : vector<16xf32>
      %add3A_238 = arith.addf %add3A_221, %mul3A_237 : vector<16xf32>
      %mul3A_239 = arith.mulf %gather3A_234, %gather3A_234 : vector<16xf32>
      %add3A_240 = arith.addf %add3A_223, %mul3A_239 : vector<16xf32>
      %mul3A_241 = arith.mulf %gather3A_232, %gather3A_234 : vector<16xf32>
      %add3A_242 = arith.addf %add3A_225, %mul3A_241 : vector<16xf32>
      %mul3A_243 = arith.mulf %gather3A_233, %gather3A_234 : vector<16xf32>
      %add3A_244 = arith.addf %add3A_227, %mul3A_243 : vector<16xf32>
      %mul3A_245 = arith.mulf %gather3A_232, %gather3A_233 : vector<16xf32>
      %add3A_246 = arith.addf %add3A_229, %mul3A_245 : vector<16xf32>
      %broadcast_in_dim3A_247 = arith.constant 2 : i32
      %broadcast_in_dim3A_248 = vector.broadcast %broadcast_in_dim3A_247 : i32 to vector<16xi32>
      %gather3A_249 = tpu.vector_load_idx %arg11[%add3A_208, %broadcast_in_dim3A_248] : memref<256x128xf32, #tpu.memory_space<vmem>>[vector<16xi32>, vector<16xi32>], vector<16xf32>,
      %gather3A_250 = tpu.vector_load_idx %arg12[%add3A_208, %broadcast_in_dim3A_248] : memref<256x128xf32, #tpu.memory_space<vmem>>[vector<16xi32>, vector<16xi32>], vector<16xf32>,
      %gather3A_251 = tpu.vector_load_idx %arg13[%add3A_208, %broadcast_in_dim3A_248] : memref<256x128xf32, #tpu.memory_space<vmem>>[vector<16xi32>, vector<16xi32>], vector<16xf32>,
      %mul3A_252 = arith.mulf %gather3A_249, %gather3A_249 : vector<16xf32>
      %add3A_253 = arith.addf %add3A_236, %mul3A_252 : vector<16xf32>
      %mul3A_254 = arith.mulf %gather3A_250, %gather3A_250 : vector<16xf32>
      %add3A_255 = arith.addf %add3A_238, %mul3A_254 : vector<16xf32>
      %mul3A_256 = arith.mulf %gather3A_251, %gather3A_251 : vector<16xf32>
      %add3A_257 = arith.addf %add3A_240, %mul3A_256 : vector<16xf32>
      %mul3A_258 = arith.mulf %gather3A_249, %gather3A_251 : vector<16xf32>
      %add3A_259 = arith.addf %add3A_242, %mul3A_258 : vector<16xf32>
      %mul3A_260 = arith.mulf %gather3A_250, %gather3A_251 : vector<16xf32>
      %add3A_261 = arith.addf %add3A_244, %mul3A_260 : vector<16xf32>
      %mul3A_262 = arith.mulf %gather3A_249, %gather3A_250 : vector<16xf32>
      %add3A_263 = arith.addf %add3A_246, %mul3A_262 : vector<16xf32>
      %broadcast_in_dim3A_264 = arith.constant 3 : i32
      %broadcast_in_dim3A_265 = vector.broadcast %broadcast_in_dim3A_264 : i32 to vector<16xi32>
      %gather3A_266 = tpu.vector_load_idx %arg11[%add3A_208, %broadcast_in_dim3A_265] : memref<256x128xf32, #tpu.memory_space<vmem>>[vector<16xi32>, vector<16xi32>], vector<16xf32>,
      %gather3A_267 = tpu.vector_load_idx %arg12[%add3A_208, %broadcast_in_dim3A_265] : memref<256x128xf32, #tpu.memory_space<vmem>>[vector<16xi32>, vector<16xi32>], vector<16xf32>,
      %gather3A_268 = tpu.vector_load_idx %arg13[%add3A_208, %broadcast_in_dim3A_265] : memref<256x128xf32, #tpu.memory_space<vmem>>[vector<16xi32>, vector<16xi32>], vector<16xf32>,
      %mul3A_269 = arith.mulf %gather3A_266, %gather3A_266 : vector<16xf32>
      %add3A_270 = arith.addf %add3A_253, %mul3A_269 : vector<16xf32>
      %mul3A_271 = arith.mulf %gather3A_267, %gather3A_267 : vector<16xf32>
      %add3A_272 = arith.addf %add3A_255, %mul3A_271 : vector<16xf32>
      %mul3A_273 = arith.mulf %gather3A_268, %gather3A_268 : vector<16xf32>
      %add3A_274 = arith.addf %add3A_257, %mul3A_273 : vector<16xf32>
      %mul3A_275 = arith.mulf %gather3A_266, %gather3A_268 : vector<16xf32>
      %add3A_276 = arith.addf %add3A_259, %mul3A_275 : vector<16xf32>
      %mul3A_277 = arith.mulf %gather3A_267, %gather3A_268 : vector<16xf32>
      %add3A_278 = arith.addf %add3A_261, %mul3A_277 : vector<16xf32>
      %mul3A_279 = arith.mulf %gather3A_266, %gather3A_267 : vector<16xf32>
      %add3A_280 = arith.addf %add3A_263, %mul3A_279 : vector<16xf32>
      %broadcast_in_dim3A_281 = arith.constant 4 : i32
      %broadcast_in_dim3A_282 = vector.broadcast %broadcast_in_dim3A_281 : i32 to vector<16xi32>
      %gather3A_283 = tpu.vector_load_idx %arg11[%add3A_208, %broadcast_in_dim3A_282] : memref<256x128xf32, #tpu.memory_space<vmem>>[vector<16xi32>, vector<16xi32>], vector<16xf32>,
      %gather3A_284 = tpu.vector_load_idx %arg12[%add3A_208, %broadcast_in_dim3A_282] : memref<256x128xf32, #tpu.memory_space<vmem>>[vector<16xi32>, vector<16xi32>], vector<16xf32>,
      %gather3A_285 = tpu.vector_load_idx %arg13[%add3A_208, %broadcast_in_dim3A_282] : memref<256x128xf32, #tpu.memory_space<vmem>>[vector<16xi32>, vector<16xi32>], vector<16xf32>,
      %mul3A_286 = arith.mulf %gather3A_283, %gather3A_283 : vector<16xf32>
      %add3A_287 = arith.addf %add3A_270, %mul3A_286 : vector<16xf32>
      %mul3A_288 = arith.mulf %gather3A_284, %gather3A_284 : vector<16xf32>
      %add3A_289 = arith.addf %add3A_272, %mul3A_288 : vector<16xf32>
      %mul3A_290 = arith.mulf %gather3A_285, %gather3A_285 : vector<16xf32>
      %add3A_291 = arith.addf %add3A_274, %mul3A_290 : vector<16xf32>
      %mul3A_292 = arith.mulf %gather3A_283, %gather3A_285 : vector<16xf32>
      %add3A_293 = arith.addf %add3A_276, %mul3A_292 : vector<16xf32>
      %mul3A_294 = arith.mulf %gather3A_284, %gather3A_285 : vector<16xf32>
      %add3A_295 = arith.addf %add3A_278, %mul3A_294 : vector<16xf32>
      %mul3A_296 = arith.mulf %gather3A_283, %gather3A_284 : vector<16xf32>
      %add3A_297 = arith.addf %add3A_280, %mul3A_296 : vector<16xf32>
      %broadcast_in_dim3A_298 = arith.constant 5 : i32
      %broadcast_in_dim3A_299 = vector.broadcast %broadcast_in_dim3A_298 : i32 to vector<16xi32>
      %gather3A_300 = tpu.vector_load_idx %arg11[%add3A_208, %broadcast_in_dim3A_299] : memref<256x128xf32, #tpu.memory_space<vmem>>[vector<16xi32>, vector<16xi32>], vector<16xf32>,
      %gather3A_301 = tpu.vector_load_idx %arg12[%add3A_208, %broadcast_in_dim3A_299] : memref<256x128xf32, #tpu.memory_space<vmem>>[vector<16xi32>, vector<16xi32>], vector<16xf32>,
      %gather3A_302 = tpu.vector_load_idx %arg13[%add3A_208, %broadcast_in_dim3A_299] : memref<256x128xf32, #tpu.memory_space<vmem>>[vector<16xi32>, vector<16xi32>], vector<16xf32>,
      %mul3A_303 = arith.mulf %gather3A_300, %gather3A_300 : vector<16xf32>
      %add3A_304 = arith.addf %add3A_287, %mul3A_303 : vector<16xf32>
      %mul3A_305 = arith.mulf %gather3A_301, %gather3A_301 : vector<16xf32>
      %add3A_306 = arith.addf %add3A_289, %mul3A_305 : vector<16xf32>
      %mul3A_307 = arith.mulf %gather3A_302, %gather3A_302 : vector<16xf32>
      %add3A_308 = arith.addf %add3A_291, %mul3A_307 : vector<16xf32>
      %mul3A_309 = arith.mulf %gather3A_300, %gather3A_302 : vector<16xf32>
      %add3A_310 = arith.addf %add3A_293, %mul3A_309 : vector<16xf32>
      %mul3A_311 = arith.mulf %gather3A_301, %gather3A_302 : vector<16xf32>
      %add3A_312 = arith.addf %add3A_295, %mul3A_311 : vector<16xf32>
      %mul3A_313 = arith.mulf %gather3A_300, %gather3A_301 : vector<16xf32>
      %add3A_314 = arith.addf %add3A_297, %mul3A_313 : vector<16xf32>
      %broadcast_in_dim3A_315 = arith.constant 6 : i32
      %broadcast_in_dim3A_316 = vector.broadcast %broadcast_in_dim3A_315 : i32 to vector<16xi32>
      %gather3A_317 = tpu.vector_load_idx %arg11[%add3A_208, %broadcast_in_dim3A_316] : memref<256x128xf32, #tpu.memory_space<vmem>>[vector<16xi32>, vector<16xi32>], vector<16xf32>,
      %gather3A_318 = tpu.vector_load_idx %arg12[%add3A_208, %broadcast_in_dim3A_316] : memref<256x128xf32, #tpu.memory_space<vmem>>[vector<16xi32>, vector<16xi32>], vector<16xf32>,
      %gather3A_319 = tpu.vector_load_idx %arg13[%add3A_208, %broadcast_in_dim3A_316] : memref<256x128xf32, #tpu.memory_space<vmem>>[vector<16xi32>, vector<16xi32>], vector<16xf32>,
      %mul3A_320 = arith.mulf %gather3A_317, %gather3A_317 : vector<16xf32>
      %add3A_321 = arith.addf %add3A_304, %mul3A_320 : vector<16xf32>
      %mul3A_322 = arith.mulf %gather3A_318, %gather3A_318 : vector<16xf32>
      %add3A_323 = arith.addf %add3A_306, %mul3A_322 : vector<16xf32>
      %mul3A_324 = arith.mulf %gather3A_319, %gather3A_319 : vector<16xf32>
      %add3A_325 = arith.addf %add3A_308, %mul3A_324 : vector<16xf32>
      %mul3A_326 = arith.mulf %gather3A_317, %gather3A_319 : vector<16xf32>
      %add3A_327 = arith.addf %add3A_310, %mul3A_326 : vector<16xf32>
      %mul3A_328 = arith.mulf %gather3A_318, %gather3A_319 : vector<16xf32>
      %add3A_329 = arith.addf %add3A_312, %mul3A_328 : vector<16xf32>
      %mul3A_330 = arith.mulf %gather3A_317, %gather3A_318 : vector<16xf32>
      %add3A_331 = arith.addf %add3A_314, %mul3A_330 : vector<16xf32>
      %broadcast_in_dim3A_332 = arith.constant 7 : i32
      %broadcast_in_dim3A_333 = vector.broadcast %broadcast_in_dim3A_332 : i32 to vector<16xi32>
      %gather3A_334 = tpu.vector_load_idx %arg11[%add3A_208, %broadcast_in_dim3A_333] : memref<256x128xf32, #tpu.memory_space<vmem>>[vector<16xi32>, vector<16xi32>], vector<16xf32>,
      %gather3A_335 = tpu.vector_load_idx %arg12[%add3A_208, %broadcast_in_dim3A_333] : memref<256x128xf32, #tpu.memory_space<vmem>>[vector<16xi32>, vector<16xi32>], vector<16xf32>,
      %gather3A_336 = tpu.vector_load_idx %arg13[%add3A_208, %broadcast_in_dim3A_333] : memref<256x128xf32, #tpu.memory_space<vmem>>[vector<16xi32>, vector<16xi32>], vector<16xf32>,
      %mul3A_337 = arith.mulf %gather3A_334, %gather3A_334 : vector<16xf32>
      %add3A_338 = arith.addf %add3A_321, %mul3A_337 : vector<16xf32>
      %mul3A_339 = arith.mulf %gather3A_335, %gather3A_335 : vector<16xf32>
      %add3A_340 = arith.addf %add3A_323, %mul3A_339 : vector<16xf32>
      %mul3A_341 = arith.mulf %gather3A_336, %gather3A_336 : vector<16xf32>
      %add3A_342 = arith.addf %add3A_325, %mul3A_341 : vector<16xf32>
      %mul3A_343 = arith.mulf %gather3A_334, %gather3A_336 : vector<16xf32>
      %add3A_344 = arith.addf %add3A_327, %mul3A_343 : vector<16xf32>
      %mul3A_345 = arith.mulf %gather3A_335, %gather3A_336 : vector<16xf32>
      %add3A_346 = arith.addf %add3A_329, %mul3A_345 : vector<16xf32>
      %mul3A_347 = arith.mulf %gather3A_334, %gather3A_335 : vector<16xf32>
      %add3A_348 = arith.addf %add3A_331, %mul3A_347 : vector<16xf32>
      %broadcast_in_dim3A_349 = arith.constant 8 : i32
      %broadcast_in_dim3A_350 = vector.broadcast %broadcast_in_dim3A_349 : i32 to vector<16xi32>
      %gather3A_351 = tpu.vector_load_idx %arg11[%add3A_208, %broadcast_in_dim3A_350] : memref<256x128xf32, #tpu.memory_space<vmem>>[vector<16xi32>, vector<16xi32>], vector<16xf32>,
      %gather3A_352 = tpu.vector_load_idx %arg12[%add3A_208, %broadcast_in_dim3A_350] : memref<256x128xf32, #tpu.memory_space<vmem>>[vector<16xi32>, vector<16xi32>], vector<16xf32>,
      %gather3A_353 = tpu.vector_load_idx %arg13[%add3A_208, %broadcast_in_dim3A_350] : memref<256x128xf32, #tpu.memory_space<vmem>>[vector<16xi32>, vector<16xi32>], vector<16xf32>,
      %mul3A_354 = arith.mulf %gather3A_351, %gather3A_351 : vector<16xf32>
      %add3A_355 = arith.addf %add3A_338, %mul3A_354 : vector<16xf32>
      %mul3A_356 = arith.mulf %gather3A_352, %gather3A_352 : vector<16xf32>
      %add3A_357 = arith.addf %add3A_340, %mul3A_356 : vector<16xf32>
      %mul3A_358 = arith.mulf %gather3A_353, %gather3A_353 : vector<16xf32>
      %add3A_359 = arith.addf %add3A_342, %mul3A_358 : vector<16xf32>
      %mul3A_360 = arith.mulf %gather3A_351, %gather3A_353 : vector<16xf32>
      %add3A_361 = arith.addf %add3A_344, %mul3A_360 : vector<16xf32>
      %mul3A_362 = arith.mulf %gather3A_352, %gather3A_353 : vector<16xf32>
      %add3A_363 = arith.addf %add3A_346, %mul3A_362 : vector<16xf32>
      %mul3A_364 = arith.mulf %gather3A_351, %gather3A_352 : vector<16xf32>
      %add3A_365 = arith.addf %add3A_348, %mul3A_364 : vector<16xf32>
      %broadcast_in_dim3A_366 = arith.constant 9 : i32
      %broadcast_in_dim3A_367 = vector.broadcast %broadcast_in_dim3A_366 : i32 to vector<16xi32>
      %gather3A_368 = tpu.vector_load_idx %arg11[%add3A_208, %broadcast_in_dim3A_367] : memref<256x128xf32, #tpu.memory_space<vmem>>[vector<16xi32>, vector<16xi32>], vector<16xf32>,
      %gather3A_369 = tpu.vector_load_idx %arg12[%add3A_208, %broadcast_in_dim3A_367] : memref<256x128xf32, #tpu.memory_space<vmem>>[vector<16xi32>, vector<16xi32>], vector<16xf32>,
      %gather3A_370 = tpu.vector_load_idx %arg13[%add3A_208, %broadcast_in_dim3A_367] : memref<256x128xf32, #tpu.memory_space<vmem>>[vector<16xi32>, vector<16xi32>], vector<16xf32>,
      %mul3A_371 = arith.mulf %gather3A_368, %gather3A_368 : vector<16xf32>
      %add3A_372 = arith.addf %add3A_355, %mul3A_371 : vector<16xf32>
      %mul3A_373 = arith.mulf %gather3A_369, %gather3A_369 : vector<16xf32>
      %add3A_374 = arith.addf %add3A_357, %mul3A_373 : vector<16xf32>
      %mul3A_375 = arith.mulf %gather3A_370, %gather3A_370 : vector<16xf32>
      %add3A_376 = arith.addf %add3A_359, %mul3A_375 : vector<16xf32>
      %mul3A_377 = arith.mulf %gather3A_368, %gather3A_370 : vector<16xf32>
      %add3A_378 = arith.addf %add3A_361, %mul3A_377 : vector<16xf32>
      %mul3A_379 = arith.mulf %gather3A_369, %gather3A_370 : vector<16xf32>
      %add3A_380 = arith.addf %add3A_363, %mul3A_379 : vector<16xf32>
      %mul3A_381 = arith.mulf %gather3A_368, %gather3A_369 : vector<16xf32>
      %add3A_382 = arith.addf %add3A_365, %mul3A_381 : vector<16xf32>
      %broadcast_in_dim3A_383 = arith.constant 10 : i32
      %broadcast_in_dim3A_384 = vector.broadcast %broadcast_in_dim3A_383 : i32 to vector<16xi32>
      %gather3A_385 = tpu.vector_load_idx %arg11[%add3A_208, %broadcast_in_dim3A_384] : memref<256x128xf32, #tpu.memory_space<vmem>>[vector<16xi32>, vector<16xi32>], vector<16xf32>,
      %gather3A_386 = tpu.vector_load_idx %arg12[%add3A_208, %broadcast_in_dim3A_384] : memref<256x128xf32, #tpu.memory_space<vmem>>[vector<16xi32>, vector<16xi32>], vector<16xf32>,
      %gather3A_387 = tpu.vector_load_idx %arg13[%add3A_208, %broadcast_in_dim3A_384] : memref<256x128xf32, #tpu.memory_space<vmem>>[vector<16xi32>, vector<16xi32>], vector<16xf32>,
      %mul3A_388 = arith.mulf %gather3A_385, %gather3A_385 : vector<16xf32>
      %add3A_389 = arith.addf %add3A_372, %mul3A_388 : vector<16xf32>
      %mul3A_390 = arith.mulf %gather3A_386, %gather3A_386 : vector<16xf32>
      %add3A_391 = arith.addf %add3A_374, %mul3A_390 : vector<16xf32>
      %mul3A_392 = arith.mulf %gather3A_387, %gather3A_387 : vector<16xf32>
      %add3A_393 = arith.addf %add3A_376, %mul3A_392 : vector<16xf32>
      %mul3A_394 = arith.mulf %gather3A_385, %gather3A_387 : vector<16xf32>
      %add3A_395 = arith.addf %add3A_378, %mul3A_394 : vector<16xf32>
      %mul3A_396 = arith.mulf %gather3A_386, %gather3A_387 : vector<16xf32>
      %add3A_397 = arith.addf %add3A_380, %mul3A_396 : vector<16xf32>
      %mul3A_398 = arith.mulf %gather3A_385, %gather3A_386 : vector<16xf32>
      %add3A_399 = arith.addf %add3A_382, %mul3A_398 : vector<16xf32>
      %broadcast_in_dim3A_400 = arith.constant 11 : i32
      %broadcast_in_dim3A_401 = vector.broadcast %broadcast_in_dim3A_400 : i32 to vector<16xi32>
      %gather3A_402 = tpu.vector_load_idx %arg11[%add3A_208, %broadcast_in_dim3A_401] : memref<256x128xf32, #tpu.memory_space<vmem>>[vector<16xi32>, vector<16xi32>], vector<16xf32>,
      %gather3A_403 = tpu.vector_load_idx %arg12[%add3A_208, %broadcast_in_dim3A_401] : memref<256x128xf32, #tpu.memory_space<vmem>>[vector<16xi32>, vector<16xi32>], vector<16xf32>,
      %gather3A_404 = tpu.vector_load_idx %arg13[%add3A_208, %broadcast_in_dim3A_401] : memref<256x128xf32, #tpu.memory_space<vmem>>[vector<16xi32>, vector<16xi32>], vector<16xf32>,
      %mul3A_405 = arith.mulf %gather3A_402, %gather3A_402 : vector<16xf32>
      %add3A_406 = arith.addf %add3A_389, %mul3A_405 : vector<16xf32>
      %mul3A_407 = arith.mulf %gather3A_403, %gather3A_403 : vector<16xf32>
      %add3A_408 = arith.addf %add3A_391, %mul3A_407 : vector<16xf32>
      %mul3A_409 = arith.mulf %gather3A_404, %gather3A_404 : vector<16xf32>
      %add3A_410 = arith.addf %add3A_393, %mul3A_409 : vector<16xf32>
      %mul3A_411 = arith.mulf %gather3A_402, %gather3A_404 : vector<16xf32>
      %add3A_412 = arith.addf %add3A_395, %mul3A_411 : vector<16xf32>
      %mul3A_413 = arith.mulf %gather3A_403, %gather3A_404 : vector<16xf32>
      %add3A_414 = arith.addf %add3A_397, %mul3A_413 : vector<16xf32>
      %mul3A_415 = arith.mulf %gather3A_402, %gather3A_403 : vector<16xf32>
      %add3A_416 = arith.addf %add3A_399, %mul3A_415 : vector<16xf32>
      %broadcast_in_dim3A_417 = arith.constant 12 : i32
      %broadcast_in_dim3A_418 = vector.broadcast %broadcast_in_dim3A_417 : i32 to vector<16xi32>
      %gather3A_419 = tpu.vector_load_idx %arg11[%add3A_208, %broadcast_in_dim3A_418] : memref<256x128xf32, #tpu.memory_space<vmem>>[vector<16xi32>, vector<16xi32>], vector<16xf32>,
      %gather3A_420 = tpu.vector_load_idx %arg12[%add3A_208, %broadcast_in_dim3A_418] : memref<256x128xf32, #tpu.memory_space<vmem>>[vector<16xi32>, vector<16xi32>], vector<16xf32>,
      %gather3A_421 = tpu.vector_load_idx %arg13[%add3A_208, %broadcast_in_dim3A_418] : memref<256x128xf32, #tpu.memory_space<vmem>>[vector<16xi32>, vector<16xi32>], vector<16xf32>,
      %mul3A_422 = arith.mulf %gather3A_419, %gather3A_419 : vector<16xf32>
      %add3A_423 = arith.addf %add3A_406, %mul3A_422 : vector<16xf32>
      %mul3A_424 = arith.mulf %gather3A_420, %gather3A_420 : vector<16xf32>
      %add3A_425 = arith.addf %add3A_408, %mul3A_424 : vector<16xf32>
      %mul3A_426 = arith.mulf %gather3A_421, %gather3A_421 : vector<16xf32>
      %add3A_427 = arith.addf %add3A_410, %mul3A_426 : vector<16xf32>
      %mul3A_428 = arith.mulf %gather3A_419, %gather3A_421 : vector<16xf32>
      %add3A_429 = arith.addf %add3A_412, %mul3A_428 : vector<16xf32>
      %mul3A_430 = arith.mulf %gather3A_420, %gather3A_421 : vector<16xf32>
      %add3A_431 = arith.addf %add3A_414, %mul3A_430 : vector<16xf32>
      %mul3A_432 = arith.mulf %gather3A_419, %gather3A_420 : vector<16xf32>
      %add3A_433 = arith.addf %add3A_416, %mul3A_432 : vector<16xf32>
      %broadcast_in_dim3A_434 = arith.constant 13 : i32
      %broadcast_in_dim3A_435 = vector.broadcast %broadcast_in_dim3A_434 : i32 to vector<16xi32>
      %gather3A_436 = tpu.vector_load_idx %arg11[%add3A_208, %broadcast_in_dim3A_435] : memref<256x128xf32, #tpu.memory_space<vmem>>[vector<16xi32>, vector<16xi32>], vector<16xf32>,
      %gather3A_437 = tpu.vector_load_idx %arg12[%add3A_208, %broadcast_in_dim3A_435] : memref<256x128xf32, #tpu.memory_space<vmem>>[vector<16xi32>, vector<16xi32>], vector<16xf32>,
      %gather3A_438 = tpu.vector_load_idx %arg13[%add3A_208, %broadcast_in_dim3A_435] : memref<256x128xf32, #tpu.memory_space<vmem>>[vector<16xi32>, vector<16xi32>], vector<16xf32>,
      %mul3A_439 = arith.mulf %gather3A_436, %gather3A_436 : vector<16xf32>
      %add3A_440 = arith.addf %add3A_423, %mul3A_439 : vector<16xf32>
      %mul3A_441 = arith.mulf %gather3A_437, %gather3A_437 : vector<16xf32>
      %add3A_442 = arith.addf %add3A_425, %mul3A_441 : vector<16xf32>
      %mul3A_443 = arith.mulf %gather3A_438, %gather3A_438 : vector<16xf32>
      %add3A_444 = arith.addf %add3A_427, %mul3A_443 : vector<16xf32>
      %mul3A_445 = arith.mulf %gather3A_436, %gather3A_438 : vector<16xf32>
      %add3A_446 = arith.addf %add3A_429, %mul3A_445 : vector<16xf32>
      %mul3A_447 = arith.mulf %gather3A_437, %gather3A_438 : vector<16xf32>
      %add3A_448 = arith.addf %add3A_431, %mul3A_447 : vector<16xf32>
      %mul3A_449 = arith.mulf %gather3A_436, %gather3A_437 : vector<16xf32>
      %add3A_450 = arith.addf %add3A_433, %mul3A_449 : vector<16xf32>
      %broadcast_in_dim3A_451 = arith.constant 14 : i32
      %broadcast_in_dim3A_452 = vector.broadcast %broadcast_in_dim3A_451 : i32 to vector<16xi32>
      %gather3A_453 = tpu.vector_load_idx %arg11[%add3A_208, %broadcast_in_dim3A_452] : memref<256x128xf32, #tpu.memory_space<vmem>>[vector<16xi32>, vector<16xi32>], vector<16xf32>,
      %gather3A_454 = tpu.vector_load_idx %arg12[%add3A_208, %broadcast_in_dim3A_452] : memref<256x128xf32, #tpu.memory_space<vmem>>[vector<16xi32>, vector<16xi32>], vector<16xf32>,
      %gather3A_455 = tpu.vector_load_idx %arg13[%add3A_208, %broadcast_in_dim3A_452] : memref<256x128xf32, #tpu.memory_space<vmem>>[vector<16xi32>, vector<16xi32>], vector<16xf32>,
      %mul3A_456 = arith.mulf %gather3A_453, %gather3A_453 : vector<16xf32>
      %add3A_457 = arith.addf %add3A_440, %mul3A_456 : vector<16xf32>
      %mul3A_458 = arith.mulf %gather3A_454, %gather3A_454 : vector<16xf32>
      %add3A_459 = arith.addf %add3A_442, %mul3A_458 : vector<16xf32>
      %mul3A_460 = arith.mulf %gather3A_455, %gather3A_455 : vector<16xf32>
      %add3A_461 = arith.addf %add3A_444, %mul3A_460 : vector<16xf32>
      %mul3A_462 = arith.mulf %gather3A_453, %gather3A_455 : vector<16xf32>
      %add3A_463 = arith.addf %add3A_446, %mul3A_462 : vector<16xf32>
      %mul3A_464 = arith.mulf %gather3A_454, %gather3A_455 : vector<16xf32>
      %add3A_465 = arith.addf %add3A_448, %mul3A_464 : vector<16xf32>
      %mul3A_466 = arith.mulf %gather3A_453, %gather3A_454 : vector<16xf32>
      %add3A_467 = arith.addf %add3A_450, %mul3A_466 : vector<16xf32>
      %broadcast_in_dim3A_468 = arith.constant 15 : i32
      %broadcast_in_dim3A_469 = vector.broadcast %broadcast_in_dim3A_468 : i32 to vector<16xi32>
      %gather3A_470 = tpu.vector_load_idx %arg11[%add3A_208, %broadcast_in_dim3A_469] : memref<256x128xf32, #tpu.memory_space<vmem>>[vector<16xi32>, vector<16xi32>], vector<16xf32>,
      %gather3A_471 = tpu.vector_load_idx %arg12[%add3A_208, %broadcast_in_dim3A_469] : memref<256x128xf32, #tpu.memory_space<vmem>>[vector<16xi32>, vector<16xi32>], vector<16xf32>,
      %gather3A_472 = tpu.vector_load_idx %arg13[%add3A_208, %broadcast_in_dim3A_469] : memref<256x128xf32, #tpu.memory_space<vmem>>[vector<16xi32>, vector<16xi32>], vector<16xf32>,
      %mul3A_473 = arith.mulf %gather3A_470, %gather3A_470 : vector<16xf32>
      %add3A_474 = arith.addf %add3A_457, %mul3A_473 : vector<16xf32>
      %mul3A_475 = arith.mulf %gather3A_471, %gather3A_471 : vector<16xf32>
      %add3A_476 = arith.addf %add3A_459, %mul3A_475 : vector<16xf32>
      %mul3A_477 = arith.mulf %gather3A_472, %gather3A_472 : vector<16xf32>
      %add3A_478 = arith.addf %add3A_461, %mul3A_477 : vector<16xf32>
      %mul3A_479 = arith.mulf %gather3A_470, %gather3A_472 : vector<16xf32>
      %add3A_480 = arith.addf %add3A_463, %mul3A_479 : vector<16xf32>
      %mul3A_481 = arith.mulf %gather3A_471, %gather3A_472 : vector<16xf32>
      %add3A_482 = arith.addf %add3A_465, %mul3A_481 : vector<16xf32>
      %mul3A_483 = arith.mulf %gather3A_470, %gather3A_471 : vector<16xf32>
      %add3A_484 = arith.addf %add3A_467, %mul3A_483 : vector<16xf32>
      %broadcast_in_dim3A_485 = arith.constant 16 : i32
      %broadcast_in_dim3A_486 = vector.broadcast %broadcast_in_dim3A_485 : i32 to vector<16xi32>
      %gather3A_487 = tpu.vector_load_idx %arg11[%add3A_208, %broadcast_in_dim3A_486] : memref<256x128xf32, #tpu.memory_space<vmem>>[vector<16xi32>, vector<16xi32>], vector<16xf32>,
      %gather3A_488 = tpu.vector_load_idx %arg12[%add3A_208, %broadcast_in_dim3A_486] : memref<256x128xf32, #tpu.memory_space<vmem>>[vector<16xi32>, vector<16xi32>], vector<16xf32>,
      %gather3A_489 = tpu.vector_load_idx %arg13[%add3A_208, %broadcast_in_dim3A_486] : memref<256x128xf32, #tpu.memory_space<vmem>>[vector<16xi32>, vector<16xi32>], vector<16xf32>,
      %mul3A_490 = arith.mulf %gather3A_487, %gather3A_487 : vector<16xf32>
      %add3A_491 = arith.addf %add3A_474, %mul3A_490 : vector<16xf32>
      %mul3A_492 = arith.mulf %gather3A_488, %gather3A_488 : vector<16xf32>
      %add3A_493 = arith.addf %add3A_476, %mul3A_492 : vector<16xf32>
      %mul3A_494 = arith.mulf %gather3A_489, %gather3A_489 : vector<16xf32>
      %add3A_495 = arith.addf %add3A_478, %mul3A_494 : vector<16xf32>
      %mul3A_496 = arith.mulf %gather3A_487, %gather3A_489 : vector<16xf32>
      %add3A_497 = arith.addf %add3A_480, %mul3A_496 : vector<16xf32>
      %mul3A_498 = arith.mulf %gather3A_488, %gather3A_489 : vector<16xf32>
      %add3A_499 = arith.addf %add3A_482, %mul3A_498 : vector<16xf32>
      %mul3A_500 = arith.mulf %gather3A_487, %gather3A_488 : vector<16xf32>
      %add3A_501 = arith.addf %add3A_484, %mul3A_500 : vector<16xf32>
      %broadcast_in_dim3A_502 = arith.constant 17 : i32
      %broadcast_in_dim3A_503 = vector.broadcast %broadcast_in_dim3A_502 : i32 to vector<16xi32>
      %gather3A_504 = tpu.vector_load_idx %arg11[%add3A_208, %broadcast_in_dim3A_503] : memref<256x128xf32, #tpu.memory_space<vmem>>[vector<16xi32>, vector<16xi32>], vector<16xf32>,
      %gather3A_505 = tpu.vector_load_idx %arg12[%add3A_208, %broadcast_in_dim3A_503] : memref<256x128xf32, #tpu.memory_space<vmem>>[vector<16xi32>, vector<16xi32>], vector<16xf32>,
      %gather3A_506 = tpu.vector_load_idx %arg13[%add3A_208, %broadcast_in_dim3A_503] : memref<256x128xf32, #tpu.memory_space<vmem>>[vector<16xi32>, vector<16xi32>], vector<16xf32>,
      %mul3A_507 = arith.mulf %gather3A_504, %gather3A_504 : vector<16xf32>
      %add3A_508 = arith.addf %add3A_491, %mul3A_507 : vector<16xf32>
      %mul3A_509 = arith.mulf %gather3A_505, %gather3A_505 : vector<16xf32>
      %add3A_510 = arith.addf %add3A_493, %mul3A_509 : vector<16xf32>
      %mul3A_511 = arith.mulf %gather3A_506, %gather3A_506 : vector<16xf32>
      %add3A_512 = arith.addf %add3A_495, %mul3A_511 : vector<16xf32>
      %mul3A_513 = arith.mulf %gather3A_504, %gather3A_506 : vector<16xf32>
      %add3A_514 = arith.addf %add3A_497, %mul3A_513 : vector<16xf32>
      %mul3A_515 = arith.mulf %gather3A_505, %gather3A_506 : vector<16xf32>
      %add3A_516 = arith.addf %add3A_499, %mul3A_515 : vector<16xf32>
      %mul3A_517 = arith.mulf %gather3A_504, %gather3A_505 : vector<16xf32>
      %add3A_518 = arith.addf %add3A_501, %mul3A_517 : vector<16xf32>
      %broadcast_in_dim3A_519 = arith.constant 18 : i32
      %broadcast_in_dim3A_520 = vector.broadcast %broadcast_in_dim3A_519 : i32 to vector<16xi32>
      %gather3A_521 = tpu.vector_load_idx %arg11[%add3A_208, %broadcast_in_dim3A_520] : memref<256x128xf32, #tpu.memory_space<vmem>>[vector<16xi32>, vector<16xi32>], vector<16xf32>,
      %gather3A_522 = tpu.vector_load_idx %arg12[%add3A_208, %broadcast_in_dim3A_520] : memref<256x128xf32, #tpu.memory_space<vmem>>[vector<16xi32>, vector<16xi32>], vector<16xf32>,
      %gather3A_523 = tpu.vector_load_idx %arg13[%add3A_208, %broadcast_in_dim3A_520] : memref<256x128xf32, #tpu.memory_space<vmem>>[vector<16xi32>, vector<16xi32>], vector<16xf32>,
      %mul3A_524 = arith.mulf %gather3A_521, %gather3A_521 : vector<16xf32>
      %add3A_525 = arith.addf %add3A_508, %mul3A_524 : vector<16xf32>
      %mul3A_526 = arith.mulf %gather3A_522, %gather3A_522 : vector<16xf32>
      %add3A_527 = arith.addf %add3A_510, %mul3A_526 : vector<16xf32>
      %mul3A_528 = arith.mulf %gather3A_523, %gather3A_523 : vector<16xf32>
      %add3A_529 = arith.addf %add3A_512, %mul3A_528 : vector<16xf32>
      %mul3A_530 = arith.mulf %gather3A_521, %gather3A_523 : vector<16xf32>
      %add3A_531 = arith.addf %add3A_514, %mul3A_530 : vector<16xf32>
      %mul3A_532 = arith.mulf %gather3A_522, %gather3A_523 : vector<16xf32>
      %add3A_533 = arith.addf %add3A_516, %mul3A_532 : vector<16xf32>
      %mul3A_534 = arith.mulf %gather3A_521, %gather3A_522 : vector<16xf32>
      %add3A_535 = arith.addf %add3A_518, %mul3A_534 : vector<16xf32>
      %broadcast_in_dim3A_536 = arith.constant 19 : i32
      %broadcast_in_dim3A_537 = vector.broadcast %broadcast_in_dim3A_536 : i32 to vector<16xi32>
      %gather3A_538 = tpu.vector_load_idx %arg11[%add3A_208, %broadcast_in_dim3A_537] : memref<256x128xf32, #tpu.memory_space<vmem>>[vector<16xi32>, vector<16xi32>], vector<16xf32>,
      %gather3A_539 = tpu.vector_load_idx %arg12[%add3A_208, %broadcast_in_dim3A_537] : memref<256x128xf32, #tpu.memory_space<vmem>>[vector<16xi32>, vector<16xi32>], vector<16xf32>,
      %gather3A_540 = tpu.vector_load_idx %arg13[%add3A_208, %broadcast_in_dim3A_537] : memref<256x128xf32, #tpu.memory_space<vmem>>[vector<16xi32>, vector<16xi32>], vector<16xf32>,
      %mul3A_541 = arith.mulf %gather3A_538, %gather3A_538 : vector<16xf32>
      %add3A_542 = arith.addf %add3A_525, %mul3A_541 : vector<16xf32>
      %mul3A_543 = arith.mulf %gather3A_539, %gather3A_539 : vector<16xf32>
      %add3A_544 = arith.addf %add3A_527, %mul3A_543 : vector<16xf32>
      %mul3A_545 = arith.mulf %gather3A_540, %gather3A_540 : vector<16xf32>
      %add3A_546 = arith.addf %add3A_529, %mul3A_545 : vector<16xf32>
      %mul3A_547 = arith.mulf %gather3A_538, %gather3A_540 : vector<16xf32>
      %add3A_548 = arith.addf %add3A_531, %mul3A_547 : vector<16xf32>
      %mul3A_549 = arith.mulf %gather3A_539, %gather3A_540 : vector<16xf32>
      %add3A_550 = arith.addf %add3A_533, %mul3A_549 : vector<16xf32>
      %mul3A_551 = arith.mulf %gather3A_538, %gather3A_539 : vector<16xf32>
      %add3A_552 = arith.addf %add3A_535, %mul3A_551 : vector<16xf32>
      %broadcast_in_dim3A_553 = arith.constant 20 : i32
      %broadcast_in_dim3A_554 = vector.broadcast %broadcast_in_dim3A_553 : i32 to vector<16xi32>
      %gather3A_555 = tpu.vector_load_idx %arg11[%add3A_208, %broadcast_in_dim3A_554] : memref<256x128xf32, #tpu.memory_space<vmem>>[vector<16xi32>, vector<16xi32>], vector<16xf32>,
      %gather3A_556 = tpu.vector_load_idx %arg12[%add3A_208, %broadcast_in_dim3A_554] : memref<256x128xf32, #tpu.memory_space<vmem>>[vector<16xi32>, vector<16xi32>], vector<16xf32>,
      %gather3A_557 = tpu.vector_load_idx %arg13[%add3A_208, %broadcast_in_dim3A_554] : memref<256x128xf32, #tpu.memory_space<vmem>>[vector<16xi32>, vector<16xi32>], vector<16xf32>,
      %mul3A_558 = arith.mulf %gather3A_555, %gather3A_555 : vector<16xf32>
      %add3A_559 = arith.addf %add3A_542, %mul3A_558 : vector<16xf32>
      %mul3A_560 = arith.mulf %gather3A_556, %gather3A_556 : vector<16xf32>
      %add3A_561 = arith.addf %add3A_544, %mul3A_560 : vector<16xf32>
      %mul3A_562 = arith.mulf %gather3A_557, %gather3A_557 : vector<16xf32>
      %add3A_563 = arith.addf %add3A_546, %mul3A_562 : vector<16xf32>
      %mul3A_564 = arith.mulf %gather3A_555, %gather3A_557 : vector<16xf32>
      %add3A_565 = arith.addf %add3A_548, %mul3A_564 : vector<16xf32>
      %mul3A_566 = arith.mulf %gather3A_556, %gather3A_557 : vector<16xf32>
      %add3A_567 = arith.addf %add3A_550, %mul3A_566 : vector<16xf32>
      %mul3A_568 = arith.mulf %gather3A_555, %gather3A_556 : vector<16xf32>
      %add3A_569 = arith.addf %add3A_552, %mul3A_568 : vector<16xf32>
      %broadcast_in_dim3A_570 = arith.constant 21 : i32
      %broadcast_in_dim3A_571 = vector.broadcast %broadcast_in_dim3A_570 : i32 to vector<16xi32>
      %gather3A_572 = tpu.vector_load_idx %arg11[%add3A_208, %broadcast_in_dim3A_571] : memref<256x128xf32, #tpu.memory_space<vmem>>[vector<16xi32>, vector<16xi32>], vector<16xf32>,
      %gather3A_573 = tpu.vector_load_idx %arg12[%add3A_208, %broadcast_in_dim3A_571] : memref<256x128xf32, #tpu.memory_space<vmem>>[vector<16xi32>, vector<16xi32>], vector<16xf32>,
      %gather3A_574 = tpu.vector_load_idx %arg13[%add3A_208, %broadcast_in_dim3A_571] : memref<256x128xf32, #tpu.memory_space<vmem>>[vector<16xi32>, vector<16xi32>], vector<16xf32>,
      %mul3A_575 = arith.mulf %gather3A_572, %gather3A_572 : vector<16xf32>
      %add3A_576 = arith.addf %add3A_559, %mul3A_575 : vector<16xf32>
      %mul3A_577 = arith.mulf %gather3A_573, %gather3A_573 : vector<16xf32>
      %add3A_578 = arith.addf %add3A_561, %mul3A_577 : vector<16xf32>
      %mul3A_579 = arith.mulf %gather3A_574, %gather3A_574 : vector<16xf32>
      %add3A_580 = arith.addf %add3A_563, %mul3A_579 : vector<16xf32>
      %mul3A_581 = arith.mulf %gather3A_572, %gather3A_574 : vector<16xf32>
      %add3A_582 = arith.addf %add3A_565, %mul3A_581 : vector<16xf32>
      %mul3A_583 = arith.mulf %gather3A_573, %gather3A_574 : vector<16xf32>
      %add3A_584 = arith.addf %add3A_567, %mul3A_583 : vector<16xf32>
      %mul3A_585 = arith.mulf %gather3A_572, %gather3A_573 : vector<16xf32>
      %add3A_586 = arith.addf %add3A_569, %mul3A_585 : vector<16xf32>
      %broadcast_in_dim3A_587 = arith.constant 22 : i32
      %broadcast_in_dim3A_588 = vector.broadcast %broadcast_in_dim3A_587 : i32 to vector<16xi32>
      %gather3A_589 = tpu.vector_load_idx %arg11[%add3A_208, %broadcast_in_dim3A_588] : memref<256x128xf32, #tpu.memory_space<vmem>>[vector<16xi32>, vector<16xi32>], vector<16xf32>,
      %gather3A_590 = tpu.vector_load_idx %arg12[%add3A_208, %broadcast_in_dim3A_588] : memref<256x128xf32, #tpu.memory_space<vmem>>[vector<16xi32>, vector<16xi32>], vector<16xf32>,
      %gather3A_591 = tpu.vector_load_idx %arg13[%add3A_208, %broadcast_in_dim3A_588] : memref<256x128xf32, #tpu.memory_space<vmem>>[vector<16xi32>, vector<16xi32>], vector<16xf32>,
      %mul3A_592 = arith.mulf %gather3A_589, %gather3A_589 : vector<16xf32>
      %add3A_593 = arith.addf %add3A_576, %mul3A_592 : vector<16xf32>
      %mul3A_594 = arith.mulf %gather3A_590, %gather3A_590 : vector<16xf32>
      %add3A_595 = arith.addf %add3A_578, %mul3A_594 : vector<16xf32>
      %mul3A_596 = arith.mulf %gather3A_591, %gather3A_591 : vector<16xf32>
      %add3A_597 = arith.addf %add3A_580, %mul3A_596 : vector<16xf32>
      %mul3A_598 = arith.mulf %gather3A_589, %gather3A_591 : vector<16xf32>
      %add3A_599 = arith.addf %add3A_582, %mul3A_598 : vector<16xf32>
      %mul3A_600 = arith.mulf %gather3A_590, %gather3A_591 : vector<16xf32>
      %add3A_601 = arith.addf %add3A_584, %mul3A_600 : vector<16xf32>
      %mul3A_602 = arith.mulf %gather3A_589, %gather3A_590 : vector<16xf32>
      %add3A_603 = arith.addf %add3A_586, %mul3A_602 : vector<16xf32>
      %broadcast_in_dim3A_604 = arith.constant 23 : i32
      %broadcast_in_dim3A_605 = vector.broadcast %broadcast_in_dim3A_604 : i32 to vector<16xi32>
      %gather3A_606 = tpu.vector_load_idx %arg11[%add3A_208, %broadcast_in_dim3A_605] : memref<256x128xf32, #tpu.memory_space<vmem>>[vector<16xi32>, vector<16xi32>], vector<16xf32>,
      %gather3A_607 = tpu.vector_load_idx %arg12[%add3A_208, %broadcast_in_dim3A_605] : memref<256x128xf32, #tpu.memory_space<vmem>>[vector<16xi32>, vector<16xi32>], vector<16xf32>,
      %gather3A_608 = tpu.vector_load_idx %arg13[%add3A_208, %broadcast_in_dim3A_605] : memref<256x128xf32, #tpu.memory_space<vmem>>[vector<16xi32>, vector<16xi32>], vector<16xf32>,
      %mul3A_609 = arith.mulf %gather3A_606, %gather3A_606 : vector<16xf32>
      %add3A_610 = arith.addf %add3A_593, %mul3A_609 : vector<16xf32>
      %mul3A_611 = arith.mulf %gather3A_607, %gather3A_607 : vector<16xf32>
      %add3A_612 = arith.addf %add3A_595, %mul3A_611 : vector<16xf32>
      %mul3A_613 = arith.mulf %gather3A_608, %gather3A_608 : vector<16xf32>
      %add3A_614 = arith.addf %add3A_597, %mul3A_613 : vector<16xf32>
      %mul3A_615 = arith.mulf %gather3A_606, %gather3A_608 : vector<16xf32>
      %add3A_616 = arith.addf %add3A_599, %mul3A_615 : vector<16xf32>
      %mul3A_617 = arith.mulf %gather3A_607, %gather3A_608 : vector<16xf32>
      %add3A_618 = arith.addf %add3A_601, %mul3A_617 : vector<16xf32>
      %mul3A_619 = arith.mulf %gather3A_606, %gather3A_607 : vector<16xf32>
      %add3A_620 = arith.addf %add3A_603, %mul3A_619 : vector<16xf32>
      %broadcast_in_dim3A_621 = arith.constant 24 : i32
      %broadcast_in_dim3A_622 = vector.broadcast %broadcast_in_dim3A_621 : i32 to vector<16xi32>
      %gather3A_623 = tpu.vector_load_idx %arg11[%add3A_208, %broadcast_in_dim3A_622] : memref<256x128xf32, #tpu.memory_space<vmem>>[vector<16xi32>, vector<16xi32>], vector<16xf32>,
      %gather3A_624 = tpu.vector_load_idx %arg12[%add3A_208, %broadcast_in_dim3A_622] : memref<256x128xf32, #tpu.memory_space<vmem>>[vector<16xi32>, vector<16xi32>], vector<16xf32>,
      %gather3A_625 = tpu.vector_load_idx %arg13[%add3A_208, %broadcast_in_dim3A_622] : memref<256x128xf32, #tpu.memory_space<vmem>>[vector<16xi32>, vector<16xi32>], vector<16xf32>,
      %mul3A_626 = arith.mulf %gather3A_623, %gather3A_623 : vector<16xf32>
      %add3A_627 = arith.addf %add3A_610, %mul3A_626 : vector<16xf32>
      %mul3A_628 = arith.mulf %gather3A_624, %gather3A_624 : vector<16xf32>
      %add3A_629 = arith.addf %add3A_612, %mul3A_628 : vector<16xf32>
      %mul3A_630 = arith.mulf %gather3A_625, %gather3A_625 : vector<16xf32>
      %add3A_631 = arith.addf %add3A_614, %mul3A_630 : vector<16xf32>
      %mul3A_632 = arith.mulf %gather3A_623, %gather3A_625 : vector<16xf32>
      %add3A_633 = arith.addf %add3A_616, %mul3A_632 : vector<16xf32>
      %mul3A_634 = arith.mulf %gather3A_624, %gather3A_625 : vector<16xf32>
      %add3A_635 = arith.addf %add3A_618, %mul3A_634 : vector<16xf32>
      %mul3A_636 = arith.mulf %gather3A_623, %gather3A_624 : vector<16xf32>
      %add3A_637 = arith.addf %add3A_620, %mul3A_636 : vector<16xf32>
      %broadcast_in_dim3A_638 = arith.constant 25 : i32
      %broadcast_in_dim3A_639 = vector.broadcast %broadcast_in_dim3A_638 : i32 to vector<16xi32>
      %gather3A_640 = tpu.vector_load_idx %arg11[%add3A_208, %broadcast_in_dim3A_639] : memref<256x128xf32, #tpu.memory_space<vmem>>[vector<16xi32>, vector<16xi32>], vector<16xf32>,
      %gather3A_641 = tpu.vector_load_idx %arg12[%add3A_208, %broadcast_in_dim3A_639] : memref<256x128xf32, #tpu.memory_space<vmem>>[vector<16xi32>, vector<16xi32>], vector<16xf32>,
      %gather3A_642 = tpu.vector_load_idx %arg13[%add3A_208, %broadcast_in_dim3A_639] : memref<256x128xf32, #tpu.memory_space<vmem>>[vector<16xi32>, vector<16xi32>], vector<16xf32>,
      %mul3A_643 = arith.mulf %gather3A_640, %gather3A_640 : vector<16xf32>
      %add3A_644 = arith.addf %add3A_627, %mul3A_643 : vector<16xf32>
      %mul3A_645 = arith.mulf %gather3A_641, %gather3A_641 : vector<16xf32>
      %add3A_646 = arith.addf %add3A_629, %mul3A_645 : vector<16xf32>
      %mul3A_647 = arith.mulf %gather3A_642, %gather3A_642 : vector<16xf32>
      %add3A_648 = arith.addf %add3A_631, %mul3A_647 : vector<16xf32>
      %mul3A_649 = arith.mulf %gather3A_640, %gather3A_642 : vector<16xf32>
      %add3A_650 = arith.addf %add3A_633, %mul3A_649 : vector<16xf32>
      %mul3A_651 = arith.mulf %gather3A_641, %gather3A_642 : vector<16xf32>
      %add3A_652 = arith.addf %add3A_635, %mul3A_651 : vector<16xf32>
      %mul3A_653 = arith.mulf %gather3A_640, %gather3A_641 : vector<16xf32>
      %add3A_654 = arith.addf %add3A_637, %mul3A_653 : vector<16xf32>
      %broadcast_in_dim3A_655 = arith.constant 26 : i32
      %broadcast_in_dim3A_656 = vector.broadcast %broadcast_in_dim3A_655 : i32 to vector<16xi32>
      %gather3A_657 = tpu.vector_load_idx %arg11[%add3A_208, %broadcast_in_dim3A_656] : memref<256x128xf32, #tpu.memory_space<vmem>>[vector<16xi32>, vector<16xi32>], vector<16xf32>,
      %gather3A_658 = tpu.vector_load_idx %arg12[%add3A_208, %broadcast_in_dim3A_656] : memref<256x128xf32, #tpu.memory_space<vmem>>[vector<16xi32>, vector<16xi32>], vector<16xf32>,
      %gather3A_659 = tpu.vector_load_idx %arg13[%add3A_208, %broadcast_in_dim3A_656] : memref<256x128xf32, #tpu.memory_space<vmem>>[vector<16xi32>, vector<16xi32>], vector<16xf32>,
      %mul3A_660 = arith.mulf %gather3A_657, %gather3A_657 : vector<16xf32>
      %add3A_661 = arith.addf %add3A_644, %mul3A_660 : vector<16xf32>
      %mul3A_662 = arith.mulf %gather3A_658, %gather3A_658 : vector<16xf32>
      %add3A_663 = arith.addf %add3A_646, %mul3A_662 : vector<16xf32>
      %mul3A_664 = arith.mulf %gather3A_659, %gather3A_659 : vector<16xf32>
      %add3A_665 = arith.addf %add3A_648, %mul3A_664 : vector<16xf32>
      %mul3A_666 = arith.mulf %gather3A_657, %gather3A_659 : vector<16xf32>
      %add3A_667 = arith.addf %add3A_650, %mul3A_666 : vector<16xf32>
      %mul3A_668 = arith.mulf %gather3A_658, %gather3A_659 : vector<16xf32>
      %add3A_669 = arith.addf %add3A_652, %mul3A_668 : vector<16xf32>
      %mul3A_670 = arith.mulf %gather3A_657, %gather3A_658 : vector<16xf32>
      %add3A_671 = arith.addf %add3A_654, %mul3A_670 : vector<16xf32>
      %broadcast_in_dim3A_672 = arith.constant 27 : i32
      %broadcast_in_dim3A_673 = vector.broadcast %broadcast_in_dim3A_672 : i32 to vector<16xi32>
      %gather3A_674 = tpu.vector_load_idx %arg11[%add3A_208, %broadcast_in_dim3A_673] : memref<256x128xf32, #tpu.memory_space<vmem>>[vector<16xi32>, vector<16xi32>], vector<16xf32>,
      %gather3A_675 = tpu.vector_load_idx %arg12[%add3A_208, %broadcast_in_dim3A_673] : memref<256x128xf32, #tpu.memory_space<vmem>>[vector<16xi32>, vector<16xi32>], vector<16xf32>,
      %gather3A_676 = tpu.vector_load_idx %arg13[%add3A_208, %broadcast_in_dim3A_673] : memref<256x128xf32, #tpu.memory_space<vmem>>[vector<16xi32>, vector<16xi32>], vector<16xf32>,
      %mul3A_677 = arith.mulf %gather3A_674, %gather3A_674 : vector<16xf32>
      %add3A_678 = arith.addf %add3A_661, %mul3A_677 : vector<16xf32>
      %mul3A_679 = arith.mulf %gather3A_675, %gather3A_675 : vector<16xf32>
      %add3A_680 = arith.addf %add3A_663, %mul3A_679 : vector<16xf32>
      %mul3A_681 = arith.mulf %gather3A_676, %gather3A_676 : vector<16xf32>
      %add3A_682 = arith.addf %add3A_665, %mul3A_681 : vector<16xf32>
      %mul3A_683 = arith.mulf %gather3A_674, %gather3A_676 : vector<16xf32>
      %add3A_684 = arith.addf %add3A_667, %mul3A_683 : vector<16xf32>
      %mul3A_685 = arith.mulf %gather3A_675, %gather3A_676 : vector<16xf32>
      %add3A_686 = arith.addf %add3A_669, %mul3A_685 : vector<16xf32>
      %mul3A_687 = arith.mulf %gather3A_674, %gather3A_675 : vector<16xf32>
      %add3A_688 = arith.addf %add3A_671, %mul3A_687 : vector<16xf32>
      %broadcast_in_dim3A_689 = arith.constant 28 : i32
      %broadcast_in_dim3A_690 = vector.broadcast %broadcast_in_dim3A_689 : i32 to vector<16xi32>
      %gather3A_691 = tpu.vector_load_idx %arg11[%add3A_208, %broadcast_in_dim3A_690] : memref<256x128xf32, #tpu.memory_space<vmem>>[vector<16xi32>, vector<16xi32>], vector<16xf32>,
      %gather3A_692 = tpu.vector_load_idx %arg12[%add3A_208, %broadcast_in_dim3A_690] : memref<256x128xf32, #tpu.memory_space<vmem>>[vector<16xi32>, vector<16xi32>], vector<16xf32>,
      %gather3A_693 = tpu.vector_load_idx %arg13[%add3A_208, %broadcast_in_dim3A_690] : memref<256x128xf32, #tpu.memory_space<vmem>>[vector<16xi32>, vector<16xi32>], vector<16xf32>,
      %mul3A_694 = arith.mulf %gather3A_691, %gather3A_691 : vector<16xf32>
      %add3A_695 = arith.addf %add3A_678, %mul3A_694 : vector<16xf32>
      %mul3A_696 = arith.mulf %gather3A_692, %gather3A_692 : vector<16xf32>
      %add3A_697 = arith.addf %add3A_680, %mul3A_696 : vector<16xf32>
      %mul3A_698 = arith.mulf %gather3A_693, %gather3A_693 : vector<16xf32>
      %add3A_699 = arith.addf %add3A_682, %mul3A_698 : vector<16xf32>
      %mul3A_700 = arith.mulf %gather3A_691, %gather3A_693 : vector<16xf32>
      %add3A_701 = arith.addf %add3A_684, %mul3A_700 : vector<16xf32>
      %mul3A_702 = arith.mulf %gather3A_692, %gather3A_693 : vector<16xf32>
      %add3A_703 = arith.addf %add3A_686, %mul3A_702 : vector<16xf32>
      %mul3A_704 = arith.mulf %gather3A_691, %gather3A_692 : vector<16xf32>
      %add3A_705 = arith.addf %add3A_688, %mul3A_704 : vector<16xf32>
      %broadcast_in_dim3A_706 = arith.constant 29 : i32
      %broadcast_in_dim3A_707 = vector.broadcast %broadcast_in_dim3A_706 : i32 to vector<16xi32>
      %gather3A_708 = tpu.vector_load_idx %arg11[%add3A_208, %broadcast_in_dim3A_707] : memref<256x128xf32, #tpu.memory_space<vmem>>[vector<16xi32>, vector<16xi32>], vector<16xf32>,
      %gather3A_709 = tpu.vector_load_idx %arg12[%add3A_208, %broadcast_in_dim3A_707] : memref<256x128xf32, #tpu.memory_space<vmem>>[vector<16xi32>, vector<16xi32>], vector<16xf32>,
      %gather3A_710 = tpu.vector_load_idx %arg13[%add3A_208, %broadcast_in_dim3A_707] : memref<256x128xf32, #tpu.memory_space<vmem>>[vector<16xi32>, vector<16xi32>], vector<16xf32>,
      %mul3A_711 = arith.mulf %gather3A_708, %gather3A_708 : vector<16xf32>
      %add3A_712 = arith.addf %add3A_695, %mul3A_711 : vector<16xf32>
      %mul3A_713 = arith.mulf %gather3A_709, %gather3A_709 : vector<16xf32>
      %add3A_714 = arith.addf %add3A_697, %mul3A_713 : vector<16xf32>
      %mul3A_715 = arith.mulf %gather3A_710, %gather3A_710 : vector<16xf32>
      %add3A_716 = arith.addf %add3A_699, %mul3A_715 : vector<16xf32>
      %mul3A_717 = arith.mulf %gather3A_708, %gather3A_710 : vector<16xf32>
      %add3A_718 = arith.addf %add3A_701, %mul3A_717 : vector<16xf32>
      %mul3A_719 = arith.mulf %gather3A_709, %gather3A_710 : vector<16xf32>
      %add3A_720 = arith.addf %add3A_703, %mul3A_719 : vector<16xf32>
      %mul3A_721 = arith.mulf %gather3A_708, %gather3A_709 : vector<16xf32>
      %add3A_722 = arith.addf %add3A_705, %mul3A_721 : vector<16xf32>
      %broadcast_in_dim3A_723 = arith.constant 30 : i32
      %broadcast_in_dim3A_724 = vector.broadcast %broadcast_in_dim3A_723 : i32 to vector<16xi32>
      %gather3A_725 = tpu.vector_load_idx %arg11[%add3A_208, %broadcast_in_dim3A_724] : memref<256x128xf32, #tpu.memory_space<vmem>>[vector<16xi32>, vector<16xi32>], vector<16xf32>,
      %gather3A_726 = tpu.vector_load_idx %arg12[%add3A_208, %broadcast_in_dim3A_724] : memref<256x128xf32, #tpu.memory_space<vmem>>[vector<16xi32>, vector<16xi32>], vector<16xf32>,
      %gather3A_727 = tpu.vector_load_idx %arg13[%add3A_208, %broadcast_in_dim3A_724] : memref<256x128xf32, #tpu.memory_space<vmem>>[vector<16xi32>, vector<16xi32>], vector<16xf32>,
      %mul3A_728 = arith.mulf %gather3A_725, %gather3A_725 : vector<16xf32>
      %add3A_729 = arith.addf %add3A_712, %mul3A_728 : vector<16xf32>
      %mul3A_730 = arith.mulf %gather3A_726, %gather3A_726 : vector<16xf32>
      %add3A_731 = arith.addf %add3A_714, %mul3A_730 : vector<16xf32>
      %mul3A_732 = arith.mulf %gather3A_727, %gather3A_727 : vector<16xf32>
      %add3A_733 = arith.addf %add3A_716, %mul3A_732 : vector<16xf32>
      %mul3A_734 = arith.mulf %gather3A_725, %gather3A_727 : vector<16xf32>
      %add3A_735 = arith.addf %add3A_718, %mul3A_734 : vector<16xf32>
      %mul3A_736 = arith.mulf %gather3A_726, %gather3A_727 : vector<16xf32>
      %add3A_737 = arith.addf %add3A_720, %mul3A_736 : vector<16xf32>
      %mul3A_738 = arith.mulf %gather3A_725, %gather3A_726 : vector<16xf32>
      %add3A_739 = arith.addf %add3A_722, %mul3A_738 : vector<16xf32>
      %broadcast_in_dim3A_740 = arith.constant 31 : i32
      %broadcast_in_dim3A_741 = vector.broadcast %broadcast_in_dim3A_740 : i32 to vector<16xi32>
      %gather3A_742 = tpu.vector_load_idx %arg11[%add3A_208, %broadcast_in_dim3A_741] : memref<256x128xf32, #tpu.memory_space<vmem>>[vector<16xi32>, vector<16xi32>], vector<16xf32>,
      %gather3A_743 = tpu.vector_load_idx %arg12[%add3A_208, %broadcast_in_dim3A_741] : memref<256x128xf32, #tpu.memory_space<vmem>>[vector<16xi32>, vector<16xi32>], vector<16xf32>,
      %gather3A_744 = tpu.vector_load_idx %arg13[%add3A_208, %broadcast_in_dim3A_741] : memref<256x128xf32, #tpu.memory_space<vmem>>[vector<16xi32>, vector<16xi32>], vector<16xf32>,
      %mul3A_745 = arith.mulf %gather3A_742, %gather3A_742 : vector<16xf32>
      %add3A_746 = arith.addf %add3A_729, %mul3A_745 : vector<16xf32>
      %mul3A_747 = arith.mulf %gather3A_743, %gather3A_743 : vector<16xf32>
      %add3A_748 = arith.addf %add3A_731, %mul3A_747 : vector<16xf32>
      %mul3A_749 = arith.mulf %gather3A_744, %gather3A_744 : vector<16xf32>
      %add3A_750 = arith.addf %add3A_733, %mul3A_749 : vector<16xf32>
      %mul3A_751 = arith.mulf %gather3A_742, %gather3A_744 : vector<16xf32>
      %add3A_752 = arith.addf %add3A_735, %mul3A_751 : vector<16xf32>
      %mul3A_753 = arith.mulf %gather3A_743, %gather3A_744 : vector<16xf32>
      %add3A_754 = arith.addf %add3A_737, %mul3A_753 : vector<16xf32>
      %mul3A_755 = arith.mulf %gather3A_742, %gather3A_743 : vector<16xf32>
      %add3A_756 = arith.addf %add3A_739, %mul3A_755 : vector<16xf32>
      %broadcast_in_dim3A_757 = arith.constant 1.000000e+00 : f32
      %broadcast_in_dim3A_758 = vector.broadcast %broadcast_in_dim3A_757 : f32 to vector<16xf32>
      %gt3A = arith.constant 1.000000e+00 : f32
      %gt3A_759 = vector.broadcast %gt3A : f32 to vector<16xf32>
      %gt3A_760 = arith.cmpf ogt, %add3A_746, %gt3A_759 : vector<16xf32>
      %bitcast3A = vector.bitcast %add3A_746 : vector<16xf32> to vector<16xi32>
      %shift_right_logical3A = arith.constant 1 : i32
      %shift_right_logical3A_761 = vector.broadcast %shift_right_logical3A : i32 to vector<16xi32>
      %shift_right_logical3A_762 = arith.shrui %bitcast3A, %shift_right_logical3A_761 : vector<16xi32>
      %sub3A = arith.constant 1597463007 : i32
      %sub3A_763 = vector.broadcast %sub3A : i32 to vector<16xi32>
      %sub3A_764 = arith.subi %sub3A_763, %shift_right_logical3A_762 : vector<16xi32>
      %bitcast3A_765 = vector.bitcast %sub3A_764 : vector<16xi32> to vector<16xf32>
      %mul3A_766 = arith.constant 5.000000e-01 : f32
      %mul3A_767 = vector.broadcast %mul3A_766 : f32 to vector<16xf32>
      %mul3A_768 = arith.mulf %mul3A_767, %add3A_746 : vector<16xf32>
      %mul3A_769 = arith.mulf %mul3A_768, %bitcast3A_765 : vector<16xf32>
      %mul3A_770 = arith.mulf %mul3A_769, %bitcast3A_765 : vector<16xf32>
      %sub3A_771 = arith.constant 1.500000e+00 : f32
      %sub3A_772 = vector.broadcast %sub3A_771 : f32 to vector<16xf32>
      %sub3A_773 = arith.subf %sub3A_772, %mul3A_770 : vector<16xf32>
      %mul3A_774 = arith.mulf %bitcast3A_765, %sub3A_773 : vector<16xf32>
      %mul3A_775 = arith.constant 5.000000e-01 : f32
      %mul3A_776 = vector.broadcast %mul3A_775 : f32 to vector<16xf32>
      %mul3A_777 = arith.mulf %mul3A_776, %add3A_746 : vector<16xf32>
      %mul3A_778 = arith.mulf %mul3A_777, %mul3A_774 : vector<16xf32>
      %mul3A_779 = arith.mulf %mul3A_778, %mul3A_774 : vector<16xf32>
      %sub3A_780 = arith.constant 1.500000e+00 : f32
      %sub3A_781 = vector.broadcast %sub3A_780 : f32 to vector<16xf32>
      %sub3A_782 = arith.subf %sub3A_781, %mul3A_779 : vector<16xf32>
      %mul3A_783 = arith.mulf %mul3A_774, %sub3A_782 : vector<16xf32>
      %mul3A_784 = arith.constant 5.000000e-01 : f32
      %mul3A_785 = vector.broadcast %mul3A_784 : f32 to vector<16xf32>
      %mul3A_786 = arith.mulf %mul3A_785, %add3A_746 : vector<16xf32>
      %mul3A_787 = arith.mulf %mul3A_786, %mul3A_783 : vector<16xf32>
      %mul3A_788 = arith.mulf %mul3A_787, %mul3A_783 : vector<16xf32>
      %sub3A_789 = arith.constant 1.500000e+00 : f32
      %sub3A_790 = vector.broadcast %sub3A_789 : f32 to vector<16xf32>
      %sub3A_791 = arith.subf %sub3A_790, %mul3A_788 : vector<16xf32>
      %mul3A_792 = arith.mulf %mul3A_783, %sub3A_791 : vector<16xf32>
      %select_n3A = arith.select %gt3A_760, %mul3A_792, %broadcast_in_dim3A_758 : vector<16xi1>, vector<16xf32>
      %gt3A_793 = arith.constant 1.000000e+00 : f32
      %gt3A_794 = vector.broadcast %gt3A_793 : f32 to vector<16xf32>
      %gt3A_795 = arith.cmpf ogt, %add3A_748, %gt3A_794 : vector<16xf32>
      %bitcast3A_796 = vector.bitcast %add3A_748 : vector<16xf32> to vector<16xi32>
      %shift_right_logical3A_797 = arith.constant 1 : i32
      %shift_right_logical3A_798 = vector.broadcast %shift_right_logical3A_797 : i32 to vector<16xi32>
      %shift_right_logical3A_799 = arith.shrui %bitcast3A_796, %shift_right_logical3A_798 : vector<16xi32>
      %sub3A_800 = arith.constant 1597463007 : i32
      %sub3A_801 = vector.broadcast %sub3A_800 : i32 to vector<16xi32>
      %sub3A_802 = arith.subi %sub3A_801, %shift_right_logical3A_799 : vector<16xi32>
      %bitcast3A_803 = vector.bitcast %sub3A_802 : vector<16xi32> to vector<16xf32>
      %mul3A_804 = arith.constant 5.000000e-01 : f32
      %mul3A_805 = vector.broadcast %mul3A_804 : f32 to vector<16xf32>
      %mul3A_806 = arith.mulf %mul3A_805, %add3A_748 : vector<16xf32>
      %mul3A_807 = arith.mulf %mul3A_806, %bitcast3A_803 : vector<16xf32>
      %mul3A_808 = arith.mulf %mul3A_807, %bitcast3A_803 : vector<16xf32>
      %sub3A_809 = arith.constant 1.500000e+00 : f32
      %sub3A_810 = vector.broadcast %sub3A_809 : f32 to vector<16xf32>
      %sub3A_811 = arith.subf %sub3A_810, %mul3A_808 : vector<16xf32>
      %mul3A_812 = arith.mulf %bitcast3A_803, %sub3A_811 : vector<16xf32>
      %mul3A_813 = arith.constant 5.000000e-01 : f32
      %mul3A_814 = vector.broadcast %mul3A_813 : f32 to vector<16xf32>
      %mul3A_815 = arith.mulf %mul3A_814, %add3A_748 : vector<16xf32>
      %mul3A_816 = arith.mulf %mul3A_815, %mul3A_812 : vector<16xf32>
      %mul3A_817 = arith.mulf %mul3A_816, %mul3A_812 : vector<16xf32>
      %sub3A_818 = arith.constant 1.500000e+00 : f32
      %sub3A_819 = vector.broadcast %sub3A_818 : f32 to vector<16xf32>
      %sub3A_820 = arith.subf %sub3A_819, %mul3A_817 : vector<16xf32>
      %mul3A_821 = arith.mulf %mul3A_812, %sub3A_820 : vector<16xf32>
      %mul3A_822 = arith.constant 5.000000e-01 : f32
      %mul3A_823 = vector.broadcast %mul3A_822 : f32 to vector<16xf32>
      %mul3A_824 = arith.mulf %mul3A_823, %add3A_748 : vector<16xf32>
      %mul3A_825 = arith.mulf %mul3A_824, %mul3A_821 : vector<16xf32>
      %mul3A_826 = arith.mulf %mul3A_825, %mul3A_821 : vector<16xf32>
      %sub3A_827 = arith.constant 1.500000e+00 : f32
      %sub3A_828 = vector.broadcast %sub3A_827 : f32 to vector<16xf32>
      %sub3A_829 = arith.subf %sub3A_828, %mul3A_826 : vector<16xf32>
      %mul3A_830 = arith.mulf %mul3A_821, %sub3A_829 : vector<16xf32>
      %select_n3A_831 = arith.select %gt3A_795, %mul3A_830, %broadcast_in_dim3A_758 : vector<16xi1>, vector<16xf32>
      %mul3A_832 = arith.mulf %select_n3A, %select_n3A : vector<16xf32>
      %mul3A_833 = arith.mulf %mul3A_832, %add3A_746 : vector<16xf32>
      %mul3A_834 = arith.mulf %select_n3A_831, %select_n3A_831 : vector<16xf32>
      %mul3A_835 = arith.mulf %mul3A_834, %add3A_748 : vector<16xf32>
      %add3A_836 = arith.addf %mul3A_833, %mul3A_835 : vector<16xf32>
      %add3A_837 = arith.addf %add3A_836, %add3A_750 : vector<16xf32>
      %mul3A_838 = arith.mulf %select_n3A, %add3A_752 : vector<16xf32>
      %mul3A_839 = arith.constant 2.000000e+00 : f32
      %mul3A_840 = vector.broadcast %mul3A_839 : f32 to vector<16xf32>
      %mul3A_841 = arith.mulf %mul3A_840, %mul3A_838 : vector<16xf32>
      %add3A_842 = arith.addf %add3A_837, %mul3A_841 : vector<16xf32>
      %mul3A_843 = arith.mulf %select_n3A_831, %add3A_754 : vector<16xf32>
      %mul3A_844 = arith.constant 2.000000e+00 : f32
      %mul3A_845 = vector.broadcast %mul3A_844 : f32 to vector<16xf32>
      %mul3A_846 = arith.mulf %mul3A_845, %mul3A_843 : vector<16xf32>
      %sub3A_847 = arith.subf %add3A_842, %mul3A_846 : vector<16xf32>
      %mul3A_848 = arith.mulf %select_n3A_831, %add3A_756 : vector<16xf32>
      %mul3A_849 = arith.mulf %select_n3A, %mul3A_848 : vector<16xf32>
      %mul3A_850 = arith.constant 2.000000e+00 : f32
      %mul3A_851 = vector.broadcast %mul3A_850 : f32 to vector<16xf32>
      %mul3A_852 = arith.mulf %mul3A_851, %mul3A_849 : vector<16xf32>
      %sub3A_853 = arith.subf %sub3A_847, %mul3A_852 : vector<16xf32>
      %max3A = arith.constant 0.000000e+00 : f32
      %max3A_854 = vector.broadcast %max3A : f32 to vector<16xf32>
      %max3A_855 = arith.maximumf %sub3A_853, %max3A_854 : vector<16xf32>
      %gt3A_856 = arith.constant 0.000000e+00 : f32
      %gt3A_857 = vector.broadcast %gt3A_856 : f32 to vector<16xf32>
      %gt3A_858 = arith.cmpf ogt, %max3A_855, %gt3A_857 : vector<16xf32>
      %bitcast3A_859 = vector.bitcast %max3A_855 : vector<16xf32> to vector<16xi32>
      %shift_right_logical3A_860 = arith.constant 1 : i32
      %shift_right_logical3A_861 = vector.broadcast %shift_right_logical3A_860 : i32 to vector<16xi32>
      %shift_right_logical3A_862 = arith.shrui %bitcast3A_859, %shift_right_logical3A_861 : vector<16xi32>
      %sub3A_863 = arith.constant 1597463007 : i32
      %sub3A_864 = vector.broadcast %sub3A_863 : i32 to vector<16xi32>
      %sub3A_865 = arith.subi %sub3A_864, %shift_right_logical3A_862 : vector<16xi32>
      %bitcast3A_866 = vector.bitcast %sub3A_865 : vector<16xi32> to vector<16xf32>
      %mul3A_867 = arith.constant 5.000000e-01 : f32
      %mul3A_868 = vector.broadcast %mul3A_867 : f32 to vector<16xf32>
      %mul3A_869 = arith.mulf %mul3A_868, %max3A_855 : vector<16xf32>
      %mul3A_870 = arith.mulf %mul3A_869, %bitcast3A_866 : vector<16xf32>
      %mul3A_871 = arith.mulf %mul3A_870, %bitcast3A_866 : vector<16xf32>
      %sub3A_872 = arith.constant 1.500000e+00 : f32
      %sub3A_873 = vector.broadcast %sub3A_872 : f32 to vector<16xf32>
      %sub3A_874 = arith.subf %sub3A_873, %mul3A_871 : vector<16xf32>
      %mul3A_875 = arith.mulf %bitcast3A_866, %sub3A_874 : vector<16xf32>
      %mul3A_876 = arith.constant 5.000000e-01 : f32
      %mul3A_877 = vector.broadcast %mul3A_876 : f32 to vector<16xf32>
      %mul3A_878 = arith.mulf %mul3A_877, %max3A_855 : vector<16xf32>
      %mul3A_879 = arith.mulf %mul3A_878, %mul3A_875 : vector<16xf32>
      %mul3A_880 = arith.mulf %mul3A_879, %mul3A_875 : vector<16xf32>
      %sub3A_881 = arith.constant 1.500000e+00 : f32
      %sub3A_882 = vector.broadcast %sub3A_881 : f32 to vector<16xf32>
      %sub3A_883 = arith.subf %sub3A_882, %mul3A_880 : vector<16xf32>
      %mul3A_884 = arith.mulf %mul3A_875, %sub3A_883 : vector<16xf32>
      %mul3A_885 = arith.constant 5.000000e-01 : f32
      %mul3A_886 = vector.broadcast %mul3A_885 : f32 to vector<16xf32>
      %mul3A_887 = arith.mulf %mul3A_886, %max3A_855 : vector<16xf32>
      %mul3A_888 = arith.mulf %mul3A_887, %mul3A_884 : vector<16xf32>
      %mul3A_889 = arith.mulf %mul3A_888, %mul3A_884 : vector<16xf32>
      %sub3A_890 = arith.constant 1.500000e+00 : f32
      %sub3A_891 = vector.broadcast %sub3A_890 : f32 to vector<16xf32>
      %sub3A_892 = arith.subf %sub3A_891, %mul3A_889 : vector<16xf32>
      %mul3A_893 = arith.mulf %mul3A_884, %sub3A_892 : vector<16xf32>
      %mul3A_894 = arith.mulf %max3A_855, %mul3A_893 : vector<16xf32>
      %neg3A = arith.constant 0.000000e+00 : f32
      %neg3A_895 = vector.broadcast %neg3A : f32 to vector<16xf32>
      %neg3A_896 = arith.subf %neg3A_895, %mul3A_894 : vector<16xf32>
      %select_n3A_897 = arith.select %gt3A_858, %neg3A_896, %broadcast_in_dim3A_213 : vector<16xi1>, vector<16xf32>
      %swap3A = arith.index_cast %add3A_212 : i32 to index
      %swap3A_898 = tpu.vector_load %arg14[%swap3A] {strides = array<i32>} : memref<512xf32, #tpu.memory_space<vmem>>, vector<16xf32>,
      tpu.vector_store %arg14[%swap3A], %select_n3A_897 {strides = array<i32>} : memref<512xf32, #tpu.memory_space<vmem>>, vector<16xf32>,
    }
    %scan3A_101 = arith.constant 16 : i32
    %dma_start3A_102 = arith.constant 0 : i32
    %dma_start3A_103 = arith.constant 0 : i32
    %dma_start3A_104 = tpu.memref_slice %arg11[%dma_start3A_102, %dma_start3A_103] : memref<256x128xf32, #tpu.memory_space<vmem>> -> memref<128x128xf32, #tpu.memory_space<vmem>>
    %dma_start3A_105 = arith.constant 256 : i32
    %dma_start3A_106 = tpu.memref_slice %arg8[%dma_start3A_105] : memref<512xi32, #tpu.memory_space<vmem>> -> memref<128xi32, #tpu.memory_space<vmem>>
    %dma_start3A_107 = arith.constant 0 : i32
    %dma_start3A_108 = arith.constant 0 : i32
    %dma_start3A_109 = tpu.memref_slice %arg5[%dma_start3A_107, %dma_start3A_108] : memref<1000000x128xf32, #tpu.memory_space<hbm>> -> memref<1000000x128xf32, #tpu.memory_space<hbm>>
    tpu.enqueue_indirect_dma source(%dma_start3A_109 : memref<1000000x128xf32, #tpu.memory_space<hbm>>) target(%dma_start3A_104 : memref<128x128xf32, #tpu.memory_space<vmem>>) offsets(%dma_start3A_106 : memref<128xi32, #tpu.memory_space<vmem>>) semaphore(%arg15 : memref<!tpu.dma_semaphore, #tpu.memory_space<semaphore_mem>>)
    %dma_start3A_110 = arith.constant 0 : i32
    %dma_start3A_111 = arith.constant 0 : i32
    %dma_start3A_112 = tpu.memref_slice %arg12[%dma_start3A_110, %dma_start3A_111] : memref<256x128xf32, #tpu.memory_space<vmem>> -> memref<128x128xf32, #tpu.memory_space<vmem>>
    %dma_start3A_113 = arith.constant 256 : i32
    %dma_start3A_114 = tpu.memref_slice %arg9[%dma_start3A_113] : memref<512xi32, #tpu.memory_space<vmem>> -> memref<128xi32, #tpu.memory_space<vmem>>
    %dma_start3A_115 = arith.constant 0 : i32
    %dma_start3A_116 = arith.constant 0 : i32
    %dma_start3A_117 = tpu.memref_slice %arg5[%dma_start3A_115, %dma_start3A_116] : memref<1000000x128xf32, #tpu.memory_space<hbm>> -> memref<1000000x128xf32, #tpu.memory_space<hbm>>
    tpu.enqueue_indirect_dma source(%dma_start3A_117 : memref<1000000x128xf32, #tpu.memory_space<hbm>>) target(%dma_start3A_112 : memref<128x128xf32, #tpu.memory_space<vmem>>) offsets(%dma_start3A_114 : memref<128xi32, #tpu.memory_space<vmem>>) semaphore(%arg15 : memref<!tpu.dma_semaphore, #tpu.memory_space<semaphore_mem>>)
    %dma_start3A_118 = arith.constant 0 : i32
    %dma_start3A_119 = arith.constant 0 : i32
    %dma_start3A_120 = tpu.memref_slice %arg13[%dma_start3A_118, %dma_start3A_119] : memref<256x128xf32, #tpu.memory_space<vmem>> -> memref<128x128xf32, #tpu.memory_space<vmem>>
    %dma_start3A_121 = arith.constant 256 : i32
    %dma_start3A_122 = tpu.memref_slice %arg10[%dma_start3A_121] : memref<512xi32, #tpu.memory_space<vmem>> -> memref<128xi32, #tpu.memory_space<vmem>>
    %dma_start3A_123 = arith.constant 0 : i32
    %dma_start3A_124 = arith.constant 0 : i32
    %dma_start3A_125 = tpu.memref_slice %arg6[%dma_start3A_123, %dma_start3A_124] : memref<1000x128xf32, #tpu.memory_space<hbm>> -> memref<1000x128xf32, #tpu.memory_space<hbm>>
    tpu.enqueue_indirect_dma source(%dma_start3A_125 : memref<1000x128xf32, #tpu.memory_space<hbm>>) target(%dma_start3A_120 : memref<128x128xf32, #tpu.memory_space<vmem>>) offsets(%dma_start3A_122 : memref<128xi32, #tpu.memory_space<vmem>>) semaphore(%arg15 : memref<!tpu.dma_semaphore, #tpu.memory_space<semaphore_mem>>)
    %dma_start3A_126 = arith.constant 128 : i32
    %dma_start3A_127 = arith.constant 0 : i32
    %dma_start3A_128 = tpu.memref_slice %arg11[%dma_start3A_126, %dma_start3A_127] : memref<256x128xf32, #tpu.memory_space<vmem>> -> memref<128x128xf32, #tpu.memory_space<vmem>>
    %dma_start3A_129 = arith.constant 384 : i32
    %dma_start3A_130 = tpu.memref_slice %arg8[%dma_start3A_129] : memref<512xi32, #tpu.memory_space<vmem>> -> memref<128xi32, #tpu.memory_space<vmem>>
    %dma_start3A_131 = arith.constant 0 : i32
    %dma_start3A_132 = arith.constant 0 : i32
    %dma_start3A_133 = tpu.memref_slice %arg5[%dma_start3A_131, %dma_start3A_132] : memref<1000000x128xf32, #tpu.memory_space<hbm>> -> memref<1000000x128xf32, #tpu.memory_space<hbm>>
    tpu.enqueue_indirect_dma source(%dma_start3A_133 : memref<1000000x128xf32, #tpu.memory_space<hbm>>) target(%dma_start3A_128 : memref<128x128xf32, #tpu.memory_space<vmem>>) offsets(%dma_start3A_130 : memref<128xi32, #tpu.memory_space<vmem>>) semaphore(%arg15 : memref<!tpu.dma_semaphore, #tpu.memory_space<semaphore_mem>>)
    %dma_start3A_134 = arith.constant 128 : i32
    %dma_start3A_135 = arith.constant 0 : i32
    %dma_start3A_136 = tpu.memref_slice %arg12[%dma_start3A_134, %dma_start3A_135] : memref<256x128xf32, #tpu.memory_space<vmem>> -> memref<128x128xf32, #tpu.memory_space<vmem>>
    %dma_start3A_137 = arith.constant 384 : i32
    %dma_start3A_138 = tpu.memref_slice %arg9[%dma_start3A_137] : memref<512xi32, #tpu.memory_space<vmem>> -> memref<128xi32, #tpu.memory_space<vmem>>
    %dma_start3A_139 = arith.constant 0 : i32
    %dma_start3A_140 = arith.constant 0 : i32
    %dma_start3A_141 = tpu.memref_slice %arg5[%dma_start3A_139, %dma_start3A_140] : memref<1000000x128xf32, #tpu.memory_space<hbm>> -> memref<1000000x128xf32, #tpu.memory_space<hbm>>
    tpu.enqueue_indirect_dma source(%dma_start3A_141 : memref<1000000x128xf32, #tpu.memory_space<hbm>>) target(%dma_start3A_136 : memref<128x128xf32, #tpu.memory_space<vmem>>) offsets(%dma_start3A_138 : memref<128xi32, #tpu.memory_space<vmem>>) semaphore(%arg15 : memref<!tpu.dma_semaphore, #tpu.memory_space<semaphore_mem>>)
    %dma_start3A_142 = arith.constant 128 : i32
    %dma_start3A_143 = arith.constant 0 : i32
    %dma_start3A_144 = tpu.memref_slice %arg13[%dma_start3A_142, %dma_start3A_143] : memref<256x128xf32, #tpu.memory_space<vmem>> -> memref<128x128xf32, #tpu.memory_space<vmem>>
    %dma_start3A_145 = arith.constant 384 : i32
    %dma_start3A_146 = tpu.memref_slice %arg10[%dma_start3A_145] : memref<512xi32, #tpu.memory_space<vmem>> -> memref<128xi32, #tpu.memory_space<vmem>>
    %dma_start3A_147 = arith.constant 0 : i32
    %dma_start3A_148 = arith.constant 0 : i32
    %dma_start3A_149 = tpu.memref_slice %arg6[%dma_start3A_147, %dma_start3A_148] : memref<1000x128xf32, #tpu.memory_space<hbm>> -> memref<1000x128xf32, #tpu.memory_space<hbm>>
    tpu.enqueue_indirect_dma source(%dma_start3A_149 : memref<1000x128xf32, #tpu.memory_space<hbm>>) target(%dma_start3A_144 : memref<128x128xf32, #tpu.memory_space<vmem>>) offsets(%dma_start3A_146 : memref<128xi32, #tpu.memory_space<vmem>>) semaphore(%arg15 : memref<!tpu.dma_semaphore, #tpu.memory_space<semaphore_mem>>)
    %dma_wait3A_150 = arith.constant 0 : i32
    %dma_wait3A_151 = arith.constant 0 : i32
    %dma_wait3A_152 = tpu.memref_slice %arg11[%dma_wait3A_150, %dma_wait3A_151] : memref<256x128xf32, #tpu.memory_space<vmem>> -> memref<128x128xf32, #tpu.memory_space<vmem>>
    %dma_wait3A_153 = arith.constant 256 : i32
    %dma_wait3A_154 = tpu.memref_slice %arg8[%dma_wait3A_153] : memref<512xi32, #tpu.memory_space<vmem>> -> memref<128xi32, #tpu.memory_space<vmem>>
    %dma_wait3A_155 = arith.constant 0 : i32
    %dma_wait3A_156 = arith.constant 0 : i32
    %dma_wait3A_157 = tpu.memref_slice %arg5[%dma_wait3A_155, %dma_wait3A_156] : memref<1000000x128xf32, #tpu.memory_space<hbm>> -> memref<1000000x128xf32, #tpu.memory_space<hbm>>
    tpu.wait_indirect_dma semaphore(%arg15 : memref<!tpu.dma_semaphore, #tpu.memory_space<semaphore_mem>>) src(%dma_wait3A_157 : memref<1000000x128xf32, #tpu.memory_space<hbm>>) dst(%dma_wait3A_152 : memref<128x128xf32, #tpu.memory_space<vmem>>)
    %dma_wait3A_158 = arith.constant 0 : i32
    %dma_wait3A_159 = arith.constant 0 : i32
    %dma_wait3A_160 = tpu.memref_slice %arg12[%dma_wait3A_158, %dma_wait3A_159] : memref<256x128xf32, #tpu.memory_space<vmem>> -> memref<128x128xf32, #tpu.memory_space<vmem>>
    %dma_wait3A_161 = arith.constant 256 : i32
    %dma_wait3A_162 = tpu.memref_slice %arg9[%dma_wait3A_161] : memref<512xi32, #tpu.memory_space<vmem>> -> memref<128xi32, #tpu.memory_space<vmem>>
    %dma_wait3A_163 = arith.constant 0 : i32
    %dma_wait3A_164 = arith.constant 0 : i32
    %dma_wait3A_165 = tpu.memref_slice %arg5[%dma_wait3A_163, %dma_wait3A_164] : memref<1000000x128xf32, #tpu.memory_space<hbm>> -> memref<1000000x128xf32, #tpu.memory_space<hbm>>
    tpu.wait_indirect_dma semaphore(%arg15 : memref<!tpu.dma_semaphore, #tpu.memory_space<semaphore_mem>>) src(%dma_wait3A_165 : memref<1000000x128xf32, #tpu.memory_space<hbm>>) dst(%dma_wait3A_160 : memref<128x128xf32, #tpu.memory_space<vmem>>)
    %dma_wait3A_166 = arith.constant 0 : i32
    %dma_wait3A_167 = arith.constant 0 : i32
    %dma_wait3A_168 = tpu.memref_slice %arg13[%dma_wait3A_166, %dma_wait3A_167] : memref<256x128xf32, #tpu.memory_space<vmem>> -> memref<128x128xf32, #tpu.memory_space<vmem>>
    %dma_wait3A_169 = arith.constant 256 : i32
    %dma_wait3A_170 = tpu.memref_slice %arg10[%dma_wait3A_169] : memref<512xi32, #tpu.memory_space<vmem>> -> memref<128xi32, #tpu.memory_space<vmem>>
    %dma_wait3A_171 = arith.constant 0 : i32
    %dma_wait3A_172 = arith.constant 0 : i32
    %dma_wait3A_173 = tpu.memref_slice %arg6[%dma_wait3A_171, %dma_wait3A_172] : memref<1000x128xf32, #tpu.memory_space<hbm>> -> memref<1000x128xf32, #tpu.memory_space<hbm>>
    tpu.wait_indirect_dma semaphore(%arg15 : memref<!tpu.dma_semaphore, #tpu.memory_space<semaphore_mem>>) src(%dma_wait3A_173 : memref<1000x128xf32, #tpu.memory_space<hbm>>) dst(%dma_wait3A_168 : memref<128x128xf32, #tpu.memory_space<vmem>>)
    %dma_wait3A_174 = arith.constant 128 : i32
    %dma_wait3A_175 = arith.constant 0 : i32
    %dma_wait3A_176 = tpu.memref_slice %arg11[%dma_wait3A_174, %dma_wait3A_175] : memref<256x128xf32, #tpu.memory_space<vmem>> -> memref<128x128xf32, #tpu.memory_space<vmem>>
    %dma_wait3A_177 = arith.constant 384 : i32
    %dma_wait3A_178 = tpu.memref_slice %arg8[%dma_wait3A_177] : memref<512xi32, #tpu.memory_space<vmem>> -> memref<128xi32, #tpu.memory_space<vmem>>
    %dma_wait3A_179 = arith.constant 0 : i32
    %dma_wait3A_180 = arith.constant 0 : i32
    %dma_wait3A_181 = tpu.memref_slice %arg5[%dma_wait3A_179, %dma_wait3A_180] : memref<1000000x128xf32, #tpu.memory_space<hbm>> -> memref<1000000x128xf32, #tpu.memory_space<hbm>>
    tpu.wait_indirect_dma semaphore(%arg15 : memref<!tpu.dma_semaphore, #tpu.memory_space<semaphore_mem>>) src(%dma_wait3A_181 : memref<1000000x128xf32, #tpu.memory_space<hbm>>) dst(%dma_wait3A_176 : memref<128x128xf32, #tpu.memory_space<vmem>>)
    %dma_wait3A_182 = arith.constant 128 : i32
    %dma_wait3A_183 = arith.constant 0 : i32
    %dma_wait3A_184 = tpu.memref_slice %arg12[%dma_wait3A_182, %dma_wait3A_183] : memref<256x128xf32, #tpu.memory_space<vmem>> -> memref<128x128xf32, #tpu.memory_space<vmem>>
    %dma_wait3A_185 = arith.constant 384 : i32
    %dma_wait3A_186 = tpu.memref_slice %arg9[%dma_wait3A_185] : memref<512xi32, #tpu.memory_space<vmem>> -> memref<128xi32, #tpu.memory_space<vmem>>
    %dma_wait3A_187 = arith.constant 0 : i32
    %dma_wait3A_188 = arith.constant 0 : i32
    %dma_wait3A_189 = tpu.memref_slice %arg5[%dma_wait3A_187, %dma_wait3A_188] : memref<1000000x128xf32, #tpu.memory_space<hbm>> -> memref<1000000x128xf32, #tpu.memory_space<hbm>>
    tpu.wait_indirect_dma semaphore(%arg15 : memref<!tpu.dma_semaphore, #tpu.memory_space<semaphore_mem>>) src(%dma_wait3A_189 : memref<1000000x128xf32, #tpu.memory_space<hbm>>) dst(%dma_wait3A_184 : memref<128x128xf32, #tpu.memory_space<vmem>>)
    %dma_wait3A_190 = arith.constant 128 : i32
    %dma_wait3A_191 = arith.constant 0 : i32
    %dma_wait3A_192 = tpu.memref_slice %arg13[%dma_wait3A_190, %dma_wait3A_191] : memref<256x128xf32, #tpu.memory_space<vmem>> -> memref<128x128xf32, #tpu.memory_space<vmem>>
    %dma_wait3A_193 = arith.constant 384 : i32
    %dma_wait3A_194 = tpu.memref_slice %arg10[%dma_wait3A_193] : memref<512xi32, #tpu.memory_space<vmem>> -> memref<128xi32, #tpu.memory_space<vmem>>
    %dma_wait3A_195 = arith.constant 0 : i32
    %dma_wait3A_196 = arith.constant 0 : i32
    %dma_wait3A_197 = tpu.memref_slice %arg6[%dma_wait3A_195, %dma_wait3A_196] : memref<1000x128xf32, #tpu.memory_space<hbm>> -> memref<1000x128xf32, #tpu.memory_space<hbm>>
    tpu.wait_indirect_dma semaphore(%arg15 : memref<!tpu.dma_semaphore, #tpu.memory_space<semaphore_mem>>) src(%dma_wait3A_197 : memref<1000x128xf32, #tpu.memory_space<hbm>>) dst(%dma_wait3A_192 : memref<128x128xf32, #tpu.memory_space<vmem>>)
    %scan3A_198 = arith.constant 0 : i32
    %scan3A_199 = arith.constant 0 : i32
    %scan3A_200 = arith.constant 16 : i32
    %scan3A_201 = arith.addi %scan3A_199, %scan3A_200 : i32
    %scan3A_202 = arith.constant 1 : i32
    scf.for %scan3A_204 = %scan3A_199 to %scan3A_201 step %scan3A_202  : i32 {
      %mul3A_205 = arith.constant 16 : i32
      %mul3A_206 = arith.muli %scan3A_204, %mul3A_205 : i32
      %add3A_207 = vector.broadcast %mul3A_206 : i32 to vector<16xi32>
      %add3A_208 = arith.addi %add3A_207, %iota3A : vector<16xi32>
      %mul3A_209 = arith.constant 16 : i32
      %mul3A_210 = arith.muli %scan3A_204, %mul3A_209 : i32
      %add3A_211 = arith.constant 256 : i32
      %add3A_212 = arith.addi %add3A_211, %mul3A_210 : i32
      %broadcast_in_dim3A = arith.constant 0.000000e+00 : f32
      %broadcast_in_dim3A_213 = vector.broadcast %broadcast_in_dim3A : f32 to vector<16xf32>
      %broadcast_in_dim3A_214 = arith.constant 0 : i32
      %broadcast_in_dim3A_215 = vector.broadcast %broadcast_in_dim3A_214 : i32 to vector<16xi32>
      %gather3A = tpu.vector_load_idx %arg11[%add3A_208, %broadcast_in_dim3A_215] : memref<256x128xf32, #tpu.memory_space<vmem>>[vector<16xi32>, vector<16xi32>], vector<16xf32>,
      %gather3A_216 = tpu.vector_load_idx %arg12[%add3A_208, %broadcast_in_dim3A_215] : memref<256x128xf32, #tpu.memory_space<vmem>>[vector<16xi32>, vector<16xi32>], vector<16xf32>,
      %gather3A_217 = tpu.vector_load_idx %arg13[%add3A_208, %broadcast_in_dim3A_215] : memref<256x128xf32, #tpu.memory_space<vmem>>[vector<16xi32>, vector<16xi32>], vector<16xf32>,
      %mul3A_218 = arith.mulf %gather3A, %gather3A : vector<16xf32>
      %add3A_219 = arith.addf %broadcast_in_dim3A_213, %mul3A_218 : vector<16xf32>
      %mul3A_220 = arith.mulf %gather3A_216, %gather3A_216 : vector<16xf32>
      %add3A_221 = arith.addf %broadcast_in_dim3A_213, %mul3A_220 : vector<16xf32>
      %mul3A_222 = arith.mulf %gather3A_217, %gather3A_217 : vector<16xf32>
      %add3A_223 = arith.addf %broadcast_in_dim3A_213, %mul3A_222 : vector<16xf32>
      %mul3A_224 = arith.mulf %gather3A, %gather3A_217 : vector<16xf32>
      %add3A_225 = arith.addf %broadcast_in_dim3A_213, %mul3A_224 : vector<16xf32>
      %mul3A_226 = arith.mulf %gather3A_216, %gather3A_217 : vector<16xf32>
      %add3A_227 = arith.addf %broadcast_in_dim3A_213, %mul3A_226 : vector<16xf32>
      %mul3A_228 = arith.mulf %gather3A, %gather3A_216 : vector<16xf32>
      %add3A_229 = arith.addf %broadcast_in_dim3A_213, %mul3A_228 : vector<16xf32>
      %broadcast_in_dim3A_230 = arith.constant 1 : i32
      %broadcast_in_dim3A_231 = vector.broadcast %broadcast_in_dim3A_230 : i32 to vector<16xi32>
      %gather3A_232 = tpu.vector_load_idx %arg11[%add3A_208, %broadcast_in_dim3A_231] : memref<256x128xf32, #tpu.memory_space<vmem>>[vector<16xi32>, vector<16xi32>], vector<16xf32>,
      %gather3A_233 = tpu.vector_load_idx %arg12[%add3A_208, %broadcast_in_dim3A_231] : memref<256x128xf32, #tpu.memory_space<vmem>>[vector<16xi32>, vector<16xi32>], vector<16xf32>,
      %gather3A_234 = tpu.vector_load_idx %arg13[%add3A_208, %broadcast_in_dim3A_231] : memref<256x128xf32, #tpu.memory_space<vmem>>[vector<16xi32>, vector<16xi32>], vector<16xf32>,
      %mul3A_235 = arith.mulf %gather3A_232, %gather3A_232 : vector<16xf32>
      %add3A_236 = arith.addf %add3A_219, %mul3A_235 : vector<16xf32>
      %mul3A_237 = arith.mulf %gather3A_233, %gather3A_233 : vector<16xf32>
      %add3A_238 = arith.addf %add3A_221, %mul3A_237 : vector<16xf32>
      %mul3A_239 = arith.mulf %gather3A_234, %gather3A_234 : vector<16xf32>
      %add3A_240 = arith.addf %add3A_223, %mul3A_239 : vector<16xf32>
      %mul3A_241 = arith.mulf %gather3A_232, %gather3A_234 : vector<16xf32>
      %add3A_242 = arith.addf %add3A_225, %mul3A_241 : vector<16xf32>
      %mul3A_243 = arith.mulf %gather3A_233, %gather3A_234 : vector<16xf32>
      %add3A_244 = arith.addf %add3A_227, %mul3A_243 : vector<16xf32>
      %mul3A_245 = arith.mulf %gather3A_232, %gather3A_233 : vector<16xf32>
      %add3A_246 = arith.addf %add3A_229, %mul3A_245 : vector<16xf32>
      %broadcast_in_dim3A_247 = arith.constant 2 : i32
      %broadcast_in_dim3A_248 = vector.broadcast %broadcast_in_dim3A_247 : i32 to vector<16xi32>
      %gather3A_249 = tpu.vector_load_idx %arg11[%add3A_208, %broadcast_in_dim3A_248] : memref<256x128xf32, #tpu.memory_space<vmem>>[vector<16xi32>, vector<16xi32>], vector<16xf32>,
      %gather3A_250 = tpu.vector_load_idx %arg12[%add3A_208, %broadcast_in_dim3A_248] : memref<256x128xf32, #tpu.memory_space<vmem>>[vector<16xi32>, vector<16xi32>], vector<16xf32>,
      %gather3A_251 = tpu.vector_load_idx %arg13[%add3A_208, %broadcast_in_dim3A_248] : memref<256x128xf32, #tpu.memory_space<vmem>>[vector<16xi32>, vector<16xi32>], vector<16xf32>,
      %mul3A_252 = arith.mulf %gather3A_249, %gather3A_249 : vector<16xf32>
      %add3A_253 = arith.addf %add3A_236, %mul3A_252 : vector<16xf32>
      %mul3A_254 = arith.mulf %gather3A_250, %gather3A_250 : vector<16xf32>
      %add3A_255 = arith.addf %add3A_238, %mul3A_254 : vector<16xf32>
      %mul3A_256 = arith.mulf %gather3A_251, %gather3A_251 : vector<16xf32>
      %add3A_257 = arith.addf %add3A_240, %mul3A_256 : vector<16xf32>
      %mul3A_258 = arith.mulf %gather3A_249, %gather3A_251 : vector<16xf32>
      %add3A_259 = arith.addf %add3A_242, %mul3A_258 : vector<16xf32>
      %mul3A_260 = arith.mulf %gather3A_250, %gather3A_251 : vector<16xf32>
      %add3A_261 = arith.addf %add3A_244, %mul3A_260 : vector<16xf32>
      %mul3A_262 = arith.mulf %gather3A_249, %gather3A_250 : vector<16xf32>
      %add3A_263 = arith.addf %add3A_246, %mul3A_262 : vector<16xf32>
      %broadcast_in_dim3A_264 = arith.constant 3 : i32
      %broadcast_in_dim3A_265 = vector.broadcast %broadcast_in_dim3A_264 : i32 to vector<16xi32>
      %gather3A_266 = tpu.vector_load_idx %arg11[%add3A_208, %broadcast_in_dim3A_265] : memref<256x128xf32, #tpu.memory_space<vmem>>[vector<16xi32>, vector<16xi32>], vector<16xf32>,
      %gather3A_267 = tpu.vector_load_idx %arg12[%add3A_208, %broadcast_in_dim3A_265] : memref<256x128xf32, #tpu.memory_space<vmem>>[vector<16xi32>, vector<16xi32>], vector<16xf32>,
      %gather3A_268 = tpu.vector_load_idx %arg13[%add3A_208, %broadcast_in_dim3A_265] : memref<256x128xf32, #tpu.memory_space<vmem>>[vector<16xi32>, vector<16xi32>], vector<16xf32>,
      %mul3A_269 = arith.mulf %gather3A_266, %gather3A_266 : vector<16xf32>
      %add3A_270 = arith.addf %add3A_253, %mul3A_269 : vector<16xf32>
      %mul3A_271 = arith.mulf %gather3A_267, %gather3A_267 : vector<16xf32>
      %add3A_272 = arith.addf %add3A_255, %mul3A_271 : vector<16xf32>
      %mul3A_273 = arith.mulf %gather3A_268, %gather3A_268 : vector<16xf32>
      %add3A_274 = arith.addf %add3A_257, %mul3A_273 : vector<16xf32>
      %mul3A_275 = arith.mulf %gather3A_266, %gather3A_268 : vector<16xf32>
      %add3A_276 = arith.addf %add3A_259, %mul3A_275 : vector<16xf32>
      %mul3A_277 = arith.mulf %gather3A_267, %gather3A_268 : vector<16xf32>
      %add3A_278 = arith.addf %add3A_261, %mul3A_277 : vector<16xf32>
      %mul3A_279 = arith.mulf %gather3A_266, %gather3A_267 : vector<16xf32>
      %add3A_280 = arith.addf %add3A_263, %mul3A_279 : vector<16xf32>
      %broadcast_in_dim3A_281 = arith.constant 4 : i32
      %broadcast_in_dim3A_282 = vector.broadcast %broadcast_in_dim3A_281 : i32 to vector<16xi32>
      %gather3A_283 = tpu.vector_load_idx %arg11[%add3A_208, %broadcast_in_dim3A_282] : memref<256x128xf32, #tpu.memory_space<vmem>>[vector<16xi32>, vector<16xi32>], vector<16xf32>,
      %gather3A_284 = tpu.vector_load_idx %arg12[%add3A_208, %broadcast_in_dim3A_282] : memref<256x128xf32, #tpu.memory_space<vmem>>[vector<16xi32>, vector<16xi32>], vector<16xf32>,
      %gather3A_285 = tpu.vector_load_idx %arg13[%add3A_208, %broadcast_in_dim3A_282] : memref<256x128xf32, #tpu.memory_space<vmem>>[vector<16xi32>, vector<16xi32>], vector<16xf32>,
      %mul3A_286 = arith.mulf %gather3A_283, %gather3A_283 : vector<16xf32>
      %add3A_287 = arith.addf %add3A_270, %mul3A_286 : vector<16xf32>
      %mul3A_288 = arith.mulf %gather3A_284, %gather3A_284 : vector<16xf32>
      %add3A_289 = arith.addf %add3A_272, %mul3A_288 : vector<16xf32>
      %mul3A_290 = arith.mulf %gather3A_285, %gather3A_285 : vector<16xf32>
      %add3A_291 = arith.addf %add3A_274, %mul3A_290 : vector<16xf32>
      %mul3A_292 = arith.mulf %gather3A_283, %gather3A_285 : vector<16xf32>
      %add3A_293 = arith.addf %add3A_276, %mul3A_292 : vector<16xf32>
      %mul3A_294 = arith.mulf %gather3A_284, %gather3A_285 : vector<16xf32>
      %add3A_295 = arith.addf %add3A_278, %mul3A_294 : vector<16xf32>
      %mul3A_296 = arith.mulf %gather3A_283, %gather3A_284 : vector<16xf32>
      %add3A_297 = arith.addf %add3A_280, %mul3A_296 : vector<16xf32>
      %broadcast_in_dim3A_298 = arith.constant 5 : i32
      %broadcast_in_dim3A_299 = vector.broadcast %broadcast_in_dim3A_298 : i32 to vector<16xi32>
      %gather3A_300 = tpu.vector_load_idx %arg11[%add3A_208, %broadcast_in_dim3A_299] : memref<256x128xf32, #tpu.memory_space<vmem>>[vector<16xi32>, vector<16xi32>], vector<16xf32>,
      %gather3A_301 = tpu.vector_load_idx %arg12[%add3A_208, %broadcast_in_dim3A_299] : memref<256x128xf32, #tpu.memory_space<vmem>>[vector<16xi32>, vector<16xi32>], vector<16xf32>,
      %gather3A_302 = tpu.vector_load_idx %arg13[%add3A_208, %broadcast_in_dim3A_299] : memref<256x128xf32, #tpu.memory_space<vmem>>[vector<16xi32>, vector<16xi32>], vector<16xf32>,
      %mul3A_303 = arith.mulf %gather3A_300, %gather3A_300 : vector<16xf32>
      %add3A_304 = arith.addf %add3A_287, %mul3A_303 : vector<16xf32>
      %mul3A_305 = arith.mulf %gather3A_301, %gather3A_301 : vector<16xf32>
      %add3A_306 = arith.addf %add3A_289, %mul3A_305 : vector<16xf32>
      %mul3A_307 = arith.mulf %gather3A_302, %gather3A_302 : vector<16xf32>
      %add3A_308 = arith.addf %add3A_291, %mul3A_307 : vector<16xf32>
      %mul3A_309 = arith.mulf %gather3A_300, %gather3A_302 : vector<16xf32>
      %add3A_310 = arith.addf %add3A_293, %mul3A_309 : vector<16xf32>
      %mul3A_311 = arith.mulf %gather3A_301, %gather3A_302 : vector<16xf32>
      %add3A_312 = arith.addf %add3A_295, %mul3A_311 : vector<16xf32>
      %mul3A_313 = arith.mulf %gather3A_300, %gather3A_301 : vector<16xf32>
      %add3A_314 = arith.addf %add3A_297, %mul3A_313 : vector<16xf32>
      %broadcast_in_dim3A_315 = arith.constant 6 : i32
      %broadcast_in_dim3A_316 = vector.broadcast %broadcast_in_dim3A_315 : i32 to vector<16xi32>
      %gather3A_317 = tpu.vector_load_idx %arg11[%add3A_208, %broadcast_in_dim3A_316] : memref<256x128xf32, #tpu.memory_space<vmem>>[vector<16xi32>, vector<16xi32>], vector<16xf32>,
      %gather3A_318 = tpu.vector_load_idx %arg12[%add3A_208, %broadcast_in_dim3A_316] : memref<256x128xf32, #tpu.memory_space<vmem>>[vector<16xi32>, vector<16xi32>], vector<16xf32>,
      %gather3A_319 = tpu.vector_load_idx %arg13[%add3A_208, %broadcast_in_dim3A_316] : memref<256x128xf32, #tpu.memory_space<vmem>>[vector<16xi32>, vector<16xi32>], vector<16xf32>,
      %mul3A_320 = arith.mulf %gather3A_317, %gather3A_317 : vector<16xf32>
      %add3A_321 = arith.addf %add3A_304, %mul3A_320 : vector<16xf32>
      %mul3A_322 = arith.mulf %gather3A_318, %gather3A_318 : vector<16xf32>
      %add3A_323 = arith.addf %add3A_306, %mul3A_322 : vector<16xf32>
      %mul3A_324 = arith.mulf %gather3A_319, %gather3A_319 : vector<16xf32>
      %add3A_325 = arith.addf %add3A_308, %mul3A_324 : vector<16xf32>
      %mul3A_326 = arith.mulf %gather3A_317, %gather3A_319 : vector<16xf32>
      %add3A_327 = arith.addf %add3A_310, %mul3A_326 : vector<16xf32>
      %mul3A_328 = arith.mulf %gather3A_318, %gather3A_319 : vector<16xf32>
      %add3A_329 = arith.addf %add3A_312, %mul3A_328 : vector<16xf32>
      %mul3A_330 = arith.mulf %gather3A_317, %gather3A_318 : vector<16xf32>
      %add3A_331 = arith.addf %add3A_314, %mul3A_330 : vector<16xf32>
      %broadcast_in_dim3A_332 = arith.constant 7 : i32
      %broadcast_in_dim3A_333 = vector.broadcast %broadcast_in_dim3A_332 : i32 to vector<16xi32>
      %gather3A_334 = tpu.vector_load_idx %arg11[%add3A_208, %broadcast_in_dim3A_333] : memref<256x128xf32, #tpu.memory_space<vmem>>[vector<16xi32>, vector<16xi32>], vector<16xf32>,
      %gather3A_335 = tpu.vector_load_idx %arg12[%add3A_208, %broadcast_in_dim3A_333] : memref<256x128xf32, #tpu.memory_space<vmem>>[vector<16xi32>, vector<16xi32>], vector<16xf32>,
      %gather3A_336 = tpu.vector_load_idx %arg13[%add3A_208, %broadcast_in_dim3A_333] : memref<256x128xf32, #tpu.memory_space<vmem>>[vector<16xi32>, vector<16xi32>], vector<16xf32>,
      %mul3A_337 = arith.mulf %gather3A_334, %gather3A_334 : vector<16xf32>
      %add3A_338 = arith.addf %add3A_321, %mul3A_337 : vector<16xf32>
      %mul3A_339 = arith.mulf %gather3A_335, %gather3A_335 : vector<16xf32>
      %add3A_340 = arith.addf %add3A_323, %mul3A_339 : vector<16xf32>
      %mul3A_341 = arith.mulf %gather3A_336, %gather3A_336 : vector<16xf32>
      %add3A_342 = arith.addf %add3A_325, %mul3A_341 : vector<16xf32>
      %mul3A_343 = arith.mulf %gather3A_334, %gather3A_336 : vector<16xf32>
      %add3A_344 = arith.addf %add3A_327, %mul3A_343 : vector<16xf32>
      %mul3A_345 = arith.mulf %gather3A_335, %gather3A_336 : vector<16xf32>
      %add3A_346 = arith.addf %add3A_329, %mul3A_345 : vector<16xf32>
      %mul3A_347 = arith.mulf %gather3A_334, %gather3A_335 : vector<16xf32>
      %add3A_348 = arith.addf %add3A_331, %mul3A_347 : vector<16xf32>
      %broadcast_in_dim3A_349 = arith.constant 8 : i32
      %broadcast_in_dim3A_350 = vector.broadcast %broadcast_in_dim3A_349 : i32 to vector<16xi32>
      %gather3A_351 = tpu.vector_load_idx %arg11[%add3A_208, %broadcast_in_dim3A_350] : memref<256x128xf32, #tpu.memory_space<vmem>>[vector<16xi32>, vector<16xi32>], vector<16xf32>,
      %gather3A_352 = tpu.vector_load_idx %arg12[%add3A_208, %broadcast_in_dim3A_350] : memref<256x128xf32, #tpu.memory_space<vmem>>[vector<16xi32>, vector<16xi32>], vector<16xf32>,
      %gather3A_353 = tpu.vector_load_idx %arg13[%add3A_208, %broadcast_in_dim3A_350] : memref<256x128xf32, #tpu.memory_space<vmem>>[vector<16xi32>, vector<16xi32>], vector<16xf32>,
      %mul3A_354 = arith.mulf %gather3A_351, %gather3A_351 : vector<16xf32>
      %add3A_355 = arith.addf %add3A_338, %mul3A_354 : vector<16xf32>
      %mul3A_356 = arith.mulf %gather3A_352, %gather3A_352 : vector<16xf32>
      %add3A_357 = arith.addf %add3A_340, %mul3A_356 : vector<16xf32>
      %mul3A_358 = arith.mulf %gather3A_353, %gather3A_353 : vector<16xf32>
      %add3A_359 = arith.addf %add3A_342, %mul3A_358 : vector<16xf32>
      %mul3A_360 = arith.mulf %gather3A_351, %gather3A_353 : vector<16xf32>
      %add3A_361 = arith.addf %add3A_344, %mul3A_360 : vector<16xf32>
      %mul3A_362 = arith.mulf %gather3A_352, %gather3A_353 : vector<16xf32>
      %add3A_363 = arith.addf %add3A_346, %mul3A_362 : vector<16xf32>
      %mul3A_364 = arith.mulf %gather3A_351, %gather3A_352 : vector<16xf32>
      %add3A_365 = arith.addf %add3A_348, %mul3A_364 : vector<16xf32>
      %broadcast_in_dim3A_366 = arith.constant 9 : i32
      %broadcast_in_dim3A_367 = vector.broadcast %broadcast_in_dim3A_366 : i32 to vector<16xi32>
      %gather3A_368 = tpu.vector_load_idx %arg11[%add3A_208, %broadcast_in_dim3A_367] : memref<256x128xf32, #tpu.memory_space<vmem>>[vector<16xi32>, vector<16xi32>], vector<16xf32>,
      %gather3A_369 = tpu.vector_load_idx %arg12[%add3A_208, %broadcast_in_dim3A_367] : memref<256x128xf32, #tpu.memory_space<vmem>>[vector<16xi32>, vector<16xi32>], vector<16xf32>,
      %gather3A_370 = tpu.vector_load_idx %arg13[%add3A_208, %broadcast_in_dim3A_367] : memref<256x128xf32, #tpu.memory_space<vmem>>[vector<16xi32>, vector<16xi32>], vector<16xf32>,
      %mul3A_371 = arith.mulf %gather3A_368, %gather3A_368 : vector<16xf32>
      %add3A_372 = arith.addf %add3A_355, %mul3A_371 : vector<16xf32>
      %mul3A_373 = arith.mulf %gather3A_369, %gather3A_369 : vector<16xf32>
      %add3A_374 = arith.addf %add3A_357, %mul3A_373 : vector<16xf32>
      %mul3A_375 = arith.mulf %gather3A_370, %gather3A_370 : vector<16xf32>
      %add3A_376 = arith.addf %add3A_359, %mul3A_375 : vector<16xf32>
      %mul3A_377 = arith.mulf %gather3A_368, %gather3A_370 : vector<16xf32>
      %add3A_378 = arith.addf %add3A_361, %mul3A_377 : vector<16xf32>
      %mul3A_379 = arith.mulf %gather3A_369, %gather3A_370 : vector<16xf32>
      %add3A_380 = arith.addf %add3A_363, %mul3A_379 : vector<16xf32>
      %mul3A_381 = arith.mulf %gather3A_368, %gather3A_369 : vector<16xf32>
      %add3A_382 = arith.addf %add3A_365, %mul3A_381 : vector<16xf32>
      %broadcast_in_dim3A_383 = arith.constant 10 : i32
      %broadcast_in_dim3A_384 = vector.broadcast %broadcast_in_dim3A_383 : i32 to vector<16xi32>
      %gather3A_385 = tpu.vector_load_idx %arg11[%add3A_208, %broadcast_in_dim3A_384] : memref<256x128xf32, #tpu.memory_space<vmem>>[vector<16xi32>, vector<16xi32>], vector<16xf32>,
      %gather3A_386 = tpu.vector_load_idx %arg12[%add3A_208, %broadcast_in_dim3A_384] : memref<256x128xf32, #tpu.memory_space<vmem>>[vector<16xi32>, vector<16xi32>], vector<16xf32>,
      %gather3A_387 = tpu.vector_load_idx %arg13[%add3A_208, %broadcast_in_dim3A_384] : memref<256x128xf32, #tpu.memory_space<vmem>>[vector<16xi32>, vector<16xi32>], vector<16xf32>,
      %mul3A_388 = arith.mulf %gather3A_385, %gather3A_385 : vector<16xf32>
      %add3A_389 = arith.addf %add3A_372, %mul3A_388 : vector<16xf32>
      %mul3A_390 = arith.mulf %gather3A_386, %gather3A_386 : vector<16xf32>
      %add3A_391 = arith.addf %add3A_374, %mul3A_390 : vector<16xf32>
      %mul3A_392 = arith.mulf %gather3A_387, %gather3A_387 : vector<16xf32>
      %add3A_393 = arith.addf %add3A_376, %mul3A_392 : vector<16xf32>
      %mul3A_394 = arith.mulf %gather3A_385, %gather3A_387 : vector<16xf32>
      %add3A_395 = arith.addf %add3A_378, %mul3A_394 : vector<16xf32>
      %mul3A_396 = arith.mulf %gather3A_386, %gather3A_387 : vector<16xf32>
      %add3A_397 = arith.addf %add3A_380, %mul3A_396 : vector<16xf32>
      %mul3A_398 = arith.mulf %gather3A_385, %gather3A_386 : vector<16xf32>
      %add3A_399 = arith.addf %add3A_382, %mul3A_398 : vector<16xf32>
      %broadcast_in_dim3A_400 = arith.constant 11 : i32
      %broadcast_in_dim3A_401 = vector.broadcast %broadcast_in_dim3A_400 : i32 to vector<16xi32>
      %gather3A_402 = tpu.vector_load_idx %arg11[%add3A_208, %broadcast_in_dim3A_401] : memref<256x128xf32, #tpu.memory_space<vmem>>[vector<16xi32>, vector<16xi32>], vector<16xf32>,
      %gather3A_403 = tpu.vector_load_idx %arg12[%add3A_208, %broadcast_in_dim3A_401] : memref<256x128xf32, #tpu.memory_space<vmem>>[vector<16xi32>, vector<16xi32>], vector<16xf32>,
      %gather3A_404 = tpu.vector_load_idx %arg13[%add3A_208, %broadcast_in_dim3A_401] : memref<256x128xf32, #tpu.memory_space<vmem>>[vector<16xi32>, vector<16xi32>], vector<16xf32>,
      %mul3A_405 = arith.mulf %gather3A_402, %gather3A_402 : vector<16xf32>
      %add3A_406 = arith.addf %add3A_389, %mul3A_405 : vector<16xf32>
      %mul3A_407 = arith.mulf %gather3A_403, %gather3A_403 : vector<16xf32>
      %add3A_408 = arith.addf %add3A_391, %mul3A_407 : vector<16xf32>
      %mul3A_409 = arith.mulf %gather3A_404, %gather3A_404 : vector<16xf32>
      %add3A_410 = arith.addf %add3A_393, %mul3A_409 : vector<16xf32>
      %mul3A_411 = arith.mulf %gather3A_402, %gather3A_404 : vector<16xf32>
      %add3A_412 = arith.addf %add3A_395, %mul3A_411 : vector<16xf32>
      %mul3A_413 = arith.mulf %gather3A_403, %gather3A_404 : vector<16xf32>
      %add3A_414 = arith.addf %add3A_397, %mul3A_413 : vector<16xf32>
      %mul3A_415 = arith.mulf %gather3A_402, %gather3A_403 : vector<16xf32>
      %add3A_416 = arith.addf %add3A_399, %mul3A_415 : vector<16xf32>
      %broadcast_in_dim3A_417 = arith.constant 12 : i32
      %broadcast_in_dim3A_418 = vector.broadcast %broadcast_in_dim3A_417 : i32 to vector<16xi32>
      %gather3A_419 = tpu.vector_load_idx %arg11[%add3A_208, %broadcast_in_dim3A_418] : memref<256x128xf32, #tpu.memory_space<vmem>>[vector<16xi32>, vector<16xi32>], vector<16xf32>,
      %gather3A_420 = tpu.vector_load_idx %arg12[%add3A_208, %broadcast_in_dim3A_418] : memref<256x128xf32, #tpu.memory_space<vmem>>[vector<16xi32>, vector<16xi32>], vector<16xf32>,
      %gather3A_421 = tpu.vector_load_idx %arg13[%add3A_208, %broadcast_in_dim3A_418] : memref<256x128xf32, #tpu.memory_space<vmem>>[vector<16xi32>, vector<16xi32>], vector<16xf32>,
      %mul3A_422 = arith.mulf %gather3A_419, %gather3A_419 : vector<16xf32>
      %add3A_423 = arith.addf %add3A_406, %mul3A_422 : vector<16xf32>
      %mul3A_424 = arith.mulf %gather3A_420, %gather3A_420 : vector<16xf32>
      %add3A_425 = arith.addf %add3A_408, %mul3A_424 : vector<16xf32>
      %mul3A_426 = arith.mulf %gather3A_421, %gather3A_421 : vector<16xf32>
      %add3A_427 = arith.addf %add3A_410, %mul3A_426 : vector<16xf32>
      %mul3A_428 = arith.mulf %gather3A_419, %gather3A_421 : vector<16xf32>
      %add3A_429 = arith.addf %add3A_412, %mul3A_428 : vector<16xf32>
      %mul3A_430 = arith.mulf %gather3A_420, %gather3A_421 : vector<16xf32>
      %add3A_431 = arith.addf %add3A_414, %mul3A_430 : vector<16xf32>
      %mul3A_432 = arith.mulf %gather3A_419, %gather3A_420 : vector<16xf32>
      %add3A_433 = arith.addf %add3A_416, %mul3A_432 : vector<16xf32>
      %broadcast_in_dim3A_434 = arith.constant 13 : i32
      %broadcast_in_dim3A_435 = vector.broadcast %broadcast_in_dim3A_434 : i32 to vector<16xi32>
      %gather3A_436 = tpu.vector_load_idx %arg11[%add3A_208, %broadcast_in_dim3A_435] : memref<256x128xf32, #tpu.memory_space<vmem>>[vector<16xi32>, vector<16xi32>], vector<16xf32>,
      %gather3A_437 = tpu.vector_load_idx %arg12[%add3A_208, %broadcast_in_dim3A_435] : memref<256x128xf32, #tpu.memory_space<vmem>>[vector<16xi32>, vector<16xi32>], vector<16xf32>,
      %gather3A_438 = tpu.vector_load_idx %arg13[%add3A_208, %broadcast_in_dim3A_435] : memref<256x128xf32, #tpu.memory_space<vmem>>[vector<16xi32>, vector<16xi32>], vector<16xf32>,
      %mul3A_439 = arith.mulf %gather3A_436, %gather3A_436 : vector<16xf32>
      %add3A_440 = arith.addf %add3A_423, %mul3A_439 : vector<16xf32>
      %mul3A_441 = arith.mulf %gather3A_437, %gather3A_437 : vector<16xf32>
      %add3A_442 = arith.addf %add3A_425, %mul3A_441 : vector<16xf32>
      %mul3A_443 = arith.mulf %gather3A_438, %gather3A_438 : vector<16xf32>
      %add3A_444 = arith.addf %add3A_427, %mul3A_443 : vector<16xf32>
      %mul3A_445 = arith.mulf %gather3A_436, %gather3A_438 : vector<16xf32>
      %add3A_446 = arith.addf %add3A_429, %mul3A_445 : vector<16xf32>
      %mul3A_447 = arith.mulf %gather3A_437, %gather3A_438 : vector<16xf32>
      %add3A_448 = arith.addf %add3A_431, %mul3A_447 : vector<16xf32>
      %mul3A_449 = arith.mulf %gather3A_436, %gather3A_437 : vector<16xf32>
      %add3A_450 = arith.addf %add3A_433, %mul3A_449 : vector<16xf32>
      %broadcast_in_dim3A_451 = arith.constant 14 : i32
      %broadcast_in_dim3A_452 = vector.broadcast %broadcast_in_dim3A_451 : i32 to vector<16xi32>
      %gather3A_453 = tpu.vector_load_idx %arg11[%add3A_208, %broadcast_in_dim3A_452] : memref<256x128xf32, #tpu.memory_space<vmem>>[vector<16xi32>, vector<16xi32>], vector<16xf32>,
      %gather3A_454 = tpu.vector_load_idx %arg12[%add3A_208, %broadcast_in_dim3A_452] : memref<256x128xf32, #tpu.memory_space<vmem>>[vector<16xi32>, vector<16xi32>], vector<16xf32>,
      %gather3A_455 = tpu.vector_load_idx %arg13[%add3A_208, %broadcast_in_dim3A_452] : memref<256x128xf32, #tpu.memory_space<vmem>>[vector<16xi32>, vector<16xi32>], vector<16xf32>,
      %mul3A_456 = arith.mulf %gather3A_453, %gather3A_453 : vector<16xf32>
      %add3A_457 = arith.addf %add3A_440, %mul3A_456 : vector<16xf32>
      %mul3A_458 = arith.mulf %gather3A_454, %gather3A_454 : vector<16xf32>
      %add3A_459 = arith.addf %add3A_442, %mul3A_458 : vector<16xf32>
      %mul3A_460 = arith.mulf %gather3A_455, %gather3A_455 : vector<16xf32>
      %add3A_461 = arith.addf %add3A_444, %mul3A_460 : vector<16xf32>
      %mul3A_462 = arith.mulf %gather3A_453, %gather3A_455 : vector<16xf32>
      %add3A_463 = arith.addf %add3A_446, %mul3A_462 : vector<16xf32>
      %mul3A_464 = arith.mulf %gather3A_454, %gather3A_455 : vector<16xf32>
      %add3A_465 = arith.addf %add3A_448, %mul3A_464 : vector<16xf32>
      %mul3A_466 = arith.mulf %gather3A_453, %gather3A_454 : vector<16xf32>
      %add3A_467 = arith.addf %add3A_450, %mul3A_466 : vector<16xf32>
      %broadcast_in_dim3A_468 = arith.constant 15 : i32
      %broadcast_in_dim3A_469 = vector.broadcast %broadcast_in_dim3A_468 : i32 to vector<16xi32>
      %gather3A_470 = tpu.vector_load_idx %arg11[%add3A_208, %broadcast_in_dim3A_469] : memref<256x128xf32, #tpu.memory_space<vmem>>[vector<16xi32>, vector<16xi32>], vector<16xf32>,
      %gather3A_471 = tpu.vector_load_idx %arg12[%add3A_208, %broadcast_in_dim3A_469] : memref<256x128xf32, #tpu.memory_space<vmem>>[vector<16xi32>, vector<16xi32>], vector<16xf32>,
      %gather3A_472 = tpu.vector_load_idx %arg13[%add3A_208, %broadcast_in_dim3A_469] : memref<256x128xf32, #tpu.memory_space<vmem>>[vector<16xi32>, vector<16xi32>], vector<16xf32>,
      %mul3A_473 = arith.mulf %gather3A_470, %gather3A_470 : vector<16xf32>
      %add3A_474 = arith.addf %add3A_457, %mul3A_473 : vector<16xf32>
      %mul3A_475 = arith.mulf %gather3A_471, %gather3A_471 : vector<16xf32>
      %add3A_476 = arith.addf %add3A_459, %mul3A_475 : vector<16xf32>
      %mul3A_477 = arith.mulf %gather3A_472, %gather3A_472 : vector<16xf32>
      %add3A_478 = arith.addf %add3A_461, %mul3A_477 : vector<16xf32>
      %mul3A_479 = arith.mulf %gather3A_470, %gather3A_472 : vector<16xf32>
      %add3A_480 = arith.addf %add3A_463, %mul3A_479 : vector<16xf32>
      %mul3A_481 = arith.mulf %gather3A_471, %gather3A_472 : vector<16xf32>
      %add3A_482 = arith.addf %add3A_465, %mul3A_481 : vector<16xf32>
      %mul3A_483 = arith.mulf %gather3A_470, %gather3A_471 : vector<16xf32>
      %add3A_484 = arith.addf %add3A_467, %mul3A_483 : vector<16xf32>
      %broadcast_in_dim3A_485 = arith.constant 16 : i32
      %broadcast_in_dim3A_486 = vector.broadcast %broadcast_in_dim3A_485 : i32 to vector<16xi32>
      %gather3A_487 = tpu.vector_load_idx %arg11[%add3A_208, %broadcast_in_dim3A_486] : memref<256x128xf32, #tpu.memory_space<vmem>>[vector<16xi32>, vector<16xi32>], vector<16xf32>,
      %gather3A_488 = tpu.vector_load_idx %arg12[%add3A_208, %broadcast_in_dim3A_486] : memref<256x128xf32, #tpu.memory_space<vmem>>[vector<16xi32>, vector<16xi32>], vector<16xf32>,
      %gather3A_489 = tpu.vector_load_idx %arg13[%add3A_208, %broadcast_in_dim3A_486] : memref<256x128xf32, #tpu.memory_space<vmem>>[vector<16xi32>, vector<16xi32>], vector<16xf32>,
      %mul3A_490 = arith.mulf %gather3A_487, %gather3A_487 : vector<16xf32>
      %add3A_491 = arith.addf %add3A_474, %mul3A_490 : vector<16xf32>
      %mul3A_492 = arith.mulf %gather3A_488, %gather3A_488 : vector<16xf32>
      %add3A_493 = arith.addf %add3A_476, %mul3A_492 : vector<16xf32>
      %mul3A_494 = arith.mulf %gather3A_489, %gather3A_489 : vector<16xf32>
      %add3A_495 = arith.addf %add3A_478, %mul3A_494 : vector<16xf32>
      %mul3A_496 = arith.mulf %gather3A_487, %gather3A_489 : vector<16xf32>
      %add3A_497 = arith.addf %add3A_480, %mul3A_496 : vector<16xf32>
      %mul3A_498 = arith.mulf %gather3A_488, %gather3A_489 : vector<16xf32>
      %add3A_499 = arith.addf %add3A_482, %mul3A_498 : vector<16xf32>
      %mul3A_500 = arith.mulf %gather3A_487, %gather3A_488 : vector<16xf32>
      %add3A_501 = arith.addf %add3A_484, %mul3A_500 : vector<16xf32>
      %broadcast_in_dim3A_502 = arith.constant 17 : i32
      %broadcast_in_dim3A_503 = vector.broadcast %broadcast_in_dim3A_502 : i32 to vector<16xi32>
      %gather3A_504 = tpu.vector_load_idx %arg11[%add3A_208, %broadcast_in_dim3A_503] : memref<256x128xf32, #tpu.memory_space<vmem>>[vector<16xi32>, vector<16xi32>], vector<16xf32>,
      %gather3A_505 = tpu.vector_load_idx %arg12[%add3A_208, %broadcast_in_dim3A_503] : memref<256x128xf32, #tpu.memory_space<vmem>>[vector<16xi32>, vector<16xi32>], vector<16xf32>,
      %gather3A_506 = tpu.vector_load_idx %arg13[%add3A_208, %broadcast_in_dim3A_503] : memref<256x128xf32, #tpu.memory_space<vmem>>[vector<16xi32>, vector<16xi32>], vector<16xf32>,
      %mul3A_507 = arith.mulf %gather3A_504, %gather3A_504 : vector<16xf32>
      %add3A_508 = arith.addf %add3A_491, %mul3A_507 : vector<16xf32>
      %mul3A_509 = arith.mulf %gather3A_505, %gather3A_505 : vector<16xf32>
      %add3A_510 = arith.addf %add3A_493, %mul3A_509 : vector<16xf32>
      %mul3A_511 = arith.mulf %gather3A_506, %gather3A_506 : vector<16xf32>
      %add3A_512 = arith.addf %add3A_495, %mul3A_511 : vector<16xf32>
      %mul3A_513 = arith.mulf %gather3A_504, %gather3A_506 : vector<16xf32>
      %add3A_514 = arith.addf %add3A_497, %mul3A_513 : vector<16xf32>
      %mul3A_515 = arith.mulf %gather3A_505, %gather3A_506 : vector<16xf32>
      %add3A_516 = arith.addf %add3A_499, %mul3A_515 : vector<16xf32>
      %mul3A_517 = arith.mulf %gather3A_504, %gather3A_505 : vector<16xf32>
      %add3A_518 = arith.addf %add3A_501, %mul3A_517 : vector<16xf32>
      %broadcast_in_dim3A_519 = arith.constant 18 : i32
      %broadcast_in_dim3A_520 = vector.broadcast %broadcast_in_dim3A_519 : i32 to vector<16xi32>
      %gather3A_521 = tpu.vector_load_idx %arg11[%add3A_208, %broadcast_in_dim3A_520] : memref<256x128xf32, #tpu.memory_space<vmem>>[vector<16xi32>, vector<16xi32>], vector<16xf32>,
      %gather3A_522 = tpu.vector_load_idx %arg12[%add3A_208, %broadcast_in_dim3A_520] : memref<256x128xf32, #tpu.memory_space<vmem>>[vector<16xi32>, vector<16xi32>], vector<16xf32>,
      %gather3A_523 = tpu.vector_load_idx %arg13[%add3A_208, %broadcast_in_dim3A_520] : memref<256x128xf32, #tpu.memory_space<vmem>>[vector<16xi32>, vector<16xi32>], vector<16xf32>,
      %mul3A_524 = arith.mulf %gather3A_521, %gather3A_521 : vector<16xf32>
      %add3A_525 = arith.addf %add3A_508, %mul3A_524 : vector<16xf32>
      %mul3A_526 = arith.mulf %gather3A_522, %gather3A_522 : vector<16xf32>
      %add3A_527 = arith.addf %add3A_510, %mul3A_526 : vector<16xf32>
      %mul3A_528 = arith.mulf %gather3A_523, %gather3A_523 : vector<16xf32>
      %add3A_529 = arith.addf %add3A_512, %mul3A_528 : vector<16xf32>
      %mul3A_530 = arith.mulf %gather3A_521, %gather3A_523 : vector<16xf32>
      %add3A_531 = arith.addf %add3A_514, %mul3A_530 : vector<16xf32>
      %mul3A_532 = arith.mulf %gather3A_522, %gather3A_523 : vector<16xf32>
      %add3A_533 = arith.addf %add3A_516, %mul3A_532 : vector<16xf32>
      %mul3A_534 = arith.mulf %gather3A_521, %gather3A_522 : vector<16xf32>
      %add3A_535 = arith.addf %add3A_518, %mul3A_534 : vector<16xf32>
      %broadcast_in_dim3A_536 = arith.constant 19 : i32
      %broadcast_in_dim3A_537 = vector.broadcast %broadcast_in_dim3A_536 : i32 to vector<16xi32>
      %gather3A_538 = tpu.vector_load_idx %arg11[%add3A_208, %broadcast_in_dim3A_537] : memref<256x128xf32, #tpu.memory_space<vmem>>[vector<16xi32>, vector<16xi32>], vector<16xf32>,
      %gather3A_539 = tpu.vector_load_idx %arg12[%add3A_208, %broadcast_in_dim3A_537] : memref<256x128xf32, #tpu.memory_space<vmem>>[vector<16xi32>, vector<16xi32>], vector<16xf32>,
      %gather3A_540 = tpu.vector_load_idx %arg13[%add3A_208, %broadcast_in_dim3A_537] : memref<256x128xf32, #tpu.memory_space<vmem>>[vector<16xi32>, vector<16xi32>], vector<16xf32>,
      %mul3A_541 = arith.mulf %gather3A_538, %gather3A_538 : vector<16xf32>
      %add3A_542 = arith.addf %add3A_525, %mul3A_541 : vector<16xf32>
      %mul3A_543 = arith.mulf %gather3A_539, %gather3A_539 : vector<16xf32>
      %add3A_544 = arith.addf %add3A_527, %mul3A_543 : vector<16xf32>
      %mul3A_545 = arith.mulf %gather3A_540, %gather3A_540 : vector<16xf32>
      %add3A_546 = arith.addf %add3A_529, %mul3A_545 : vector<16xf32>
      %mul3A_547 = arith.mulf %gather3A_538, %gather3A_540 : vector<16xf32>
      %add3A_548 = arith.addf %add3A_531, %mul3A_547 : vector<16xf32>
      %mul3A_549 = arith.mulf %gather3A_539, %gather3A_540 : vector<16xf32>
      %add3A_550 = arith.addf %add3A_533, %mul3A_549 : vector<16xf32>
      %mul3A_551 = arith.mulf %gather3A_538, %gather3A_539 : vector<16xf32>
      %add3A_552 = arith.addf %add3A_535, %mul3A_551 : vector<16xf32>
      %broadcast_in_dim3A_553 = arith.constant 20 : i32
      %broadcast_in_dim3A_554 = vector.broadcast %broadcast_in_dim3A_553 : i32 to vector<16xi32>
      %gather3A_555 = tpu.vector_load_idx %arg11[%add3A_208, %broadcast_in_dim3A_554] : memref<256x128xf32, #tpu.memory_space<vmem>>[vector<16xi32>, vector<16xi32>], vector<16xf32>,
      %gather3A_556 = tpu.vector_load_idx %arg12[%add3A_208, %broadcast_in_dim3A_554] : memref<256x128xf32, #tpu.memory_space<vmem>>[vector<16xi32>, vector<16xi32>], vector<16xf32>,
      %gather3A_557 = tpu.vector_load_idx %arg13[%add3A_208, %broadcast_in_dim3A_554] : memref<256x128xf32, #tpu.memory_space<vmem>>[vector<16xi32>, vector<16xi32>], vector<16xf32>,
      %mul3A_558 = arith.mulf %gather3A_555, %gather3A_555 : vector<16xf32>
      %add3A_559 = arith.addf %add3A_542, %mul3A_558 : vector<16xf32>
      %mul3A_560 = arith.mulf %gather3A_556, %gather3A_556 : vector<16xf32>
      %add3A_561 = arith.addf %add3A_544, %mul3A_560 : vector<16xf32>
      %mul3A_562 = arith.mulf %gather3A_557, %gather3A_557 : vector<16xf32>
      %add3A_563 = arith.addf %add3A_546, %mul3A_562 : vector<16xf32>
      %mul3A_564 = arith.mulf %gather3A_555, %gather3A_557 : vector<16xf32>
      %add3A_565 = arith.addf %add3A_548, %mul3A_564 : vector<16xf32>
      %mul3A_566 = arith.mulf %gather3A_556, %gather3A_557 : vector<16xf32>
      %add3A_567 = arith.addf %add3A_550, %mul3A_566 : vector<16xf32>
      %mul3A_568 = arith.mulf %gather3A_555, %gather3A_556 : vector<16xf32>
      %add3A_569 = arith.addf %add3A_552, %mul3A_568 : vector<16xf32>
      %broadcast_in_dim3A_570 = arith.constant 21 : i32
      %broadcast_in_dim3A_571 = vector.broadcast %broadcast_in_dim3A_570 : i32 to vector<16xi32>
      %gather3A_572 = tpu.vector_load_idx %arg11[%add3A_208, %broadcast_in_dim3A_571] : memref<256x128xf32, #tpu.memory_space<vmem>>[vector<16xi32>, vector<16xi32>], vector<16xf32>,
      %gather3A_573 = tpu.vector_load_idx %arg12[%add3A_208, %broadcast_in_dim3A_571] : memref<256x128xf32, #tpu.memory_space<vmem>>[vector<16xi32>, vector<16xi32>], vector<16xf32>,
      %gather3A_574 = tpu.vector_load_idx %arg13[%add3A_208, %broadcast_in_dim3A_571] : memref<256x128xf32, #tpu.memory_space<vmem>>[vector<16xi32>, vector<16xi32>], vector<16xf32>,
      %mul3A_575 = arith.mulf %gather3A_572, %gather3A_572 : vector<16xf32>
      %add3A_576 = arith.addf %add3A_559, %mul3A_575 : vector<16xf32>
      %mul3A_577 = arith.mulf %gather3A_573, %gather3A_573 : vector<16xf32>
      %add3A_578 = arith.addf %add3A_561, %mul3A_577 : vector<16xf32>
      %mul3A_579 = arith.mulf %gather3A_574, %gather3A_574 : vector<16xf32>
      %add3A_580 = arith.addf %add3A_563, %mul3A_579 : vector<16xf32>
      %mul3A_581 = arith.mulf %gather3A_572, %gather3A_574 : vector<16xf32>
      %add3A_582 = arith.addf %add3A_565, %mul3A_581 : vector<16xf32>
      %mul3A_583 = arith.mulf %gather3A_573, %gather3A_574 : vector<16xf32>
      %add3A_584 = arith.addf %add3A_567, %mul3A_583 : vector<16xf32>
      %mul3A_585 = arith.mulf %gather3A_572, %gather3A_573 : vector<16xf32>
      %add3A_586 = arith.addf %add3A_569, %mul3A_585 : vector<16xf32>
      %broadcast_in_dim3A_587 = arith.constant 22 : i32
      %broadcast_in_dim3A_588 = vector.broadcast %broadcast_in_dim3A_587 : i32 to vector<16xi32>
      %gather3A_589 = tpu.vector_load_idx %arg11[%add3A_208, %broadcast_in_dim3A_588] : memref<256x128xf32, #tpu.memory_space<vmem>>[vector<16xi32>, vector<16xi32>], vector<16xf32>,
      %gather3A_590 = tpu.vector_load_idx %arg12[%add3A_208, %broadcast_in_dim3A_588] : memref<256x128xf32, #tpu.memory_space<vmem>>[vector<16xi32>, vector<16xi32>], vector<16xf32>,
      %gather3A_591 = tpu.vector_load_idx %arg13[%add3A_208, %broadcast_in_dim3A_588] : memref<256x128xf32, #tpu.memory_space<vmem>>[vector<16xi32>, vector<16xi32>], vector<16xf32>,
      %mul3A_592 = arith.mulf %gather3A_589, %gather3A_589 : vector<16xf32>
      %add3A_593 = arith.addf %add3A_576, %mul3A_592 : vector<16xf32>
      %mul3A_594 = arith.mulf %gather3A_590, %gather3A_590 : vector<16xf32>
      %add3A_595 = arith.addf %add3A_578, %mul3A_594 : vector<16xf32>
      %mul3A_596 = arith.mulf %gather3A_591, %gather3A_591 : vector<16xf32>
      %add3A_597 = arith.addf %add3A_580, %mul3A_596 : vector<16xf32>
      %mul3A_598 = arith.mulf %gather3A_589, %gather3A_591 : vector<16xf32>
      %add3A_599 = arith.addf %add3A_582, %mul3A_598 : vector<16xf32>
      %mul3A_600 = arith.mulf %gather3A_590, %gather3A_591 : vector<16xf32>
      %add3A_601 = arith.addf %add3A_584, %mul3A_600 : vector<16xf32>
      %mul3A_602 = arith.mulf %gather3A_589, %gather3A_590 : vector<16xf32>
      %add3A_603 = arith.addf %add3A_586, %mul3A_602 : vector<16xf32>
      %broadcast_in_dim3A_604 = arith.constant 23 : i32
      %broadcast_in_dim3A_605 = vector.broadcast %broadcast_in_dim3A_604 : i32 to vector<16xi32>
      %gather3A_606 = tpu.vector_load_idx %arg11[%add3A_208, %broadcast_in_dim3A_605] : memref<256x128xf32, #tpu.memory_space<vmem>>[vector<16xi32>, vector<16xi32>], vector<16xf32>,
      %gather3A_607 = tpu.vector_load_idx %arg12[%add3A_208, %broadcast_in_dim3A_605] : memref<256x128xf32, #tpu.memory_space<vmem>>[vector<16xi32>, vector<16xi32>], vector<16xf32>,
      %gather3A_608 = tpu.vector_load_idx %arg13[%add3A_208, %broadcast_in_dim3A_605] : memref<256x128xf32, #tpu.memory_space<vmem>>[vector<16xi32>, vector<16xi32>], vector<16xf32>,
      %mul3A_609 = arith.mulf %gather3A_606, %gather3A_606 : vector<16xf32>
      %add3A_610 = arith.addf %add3A_593, %mul3A_609 : vector<16xf32>
      %mul3A_611 = arith.mulf %gather3A_607, %gather3A_607 : vector<16xf32>
      %add3A_612 = arith.addf %add3A_595, %mul3A_611 : vector<16xf32>
      %mul3A_613 = arith.mulf %gather3A_608, %gather3A_608 : vector<16xf32>
      %add3A_614 = arith.addf %add3A_597, %mul3A_613 : vector<16xf32>
      %mul3A_615 = arith.mulf %gather3A_606, %gather3A_608 : vector<16xf32>
      %add3A_616 = arith.addf %add3A_599, %mul3A_615 : vector<16xf32>
      %mul3A_617 = arith.mulf %gather3A_607, %gather3A_608 : vector<16xf32>
      %add3A_618 = arith.addf %add3A_601, %mul3A_617 : vector<16xf32>
      %mul3A_619 = arith.mulf %gather3A_606, %gather3A_607 : vector<16xf32>
      %add3A_620 = arith.addf %add3A_603, %mul3A_619 : vector<16xf32>
      %broadcast_in_dim3A_621 = arith.constant 24 : i32
      %broadcast_in_dim3A_622 = vector.broadcast %broadcast_in_dim3A_621 : i32 to vector<16xi32>
      %gather3A_623 = tpu.vector_load_idx %arg11[%add3A_208, %broadcast_in_dim3A_622] : memref<256x128xf32, #tpu.memory_space<vmem>>[vector<16xi32>, vector<16xi32>], vector<16xf32>,
      %gather3A_624 = tpu.vector_load_idx %arg12[%add3A_208, %broadcast_in_dim3A_622] : memref<256x128xf32, #tpu.memory_space<vmem>>[vector<16xi32>, vector<16xi32>], vector<16xf32>,
      %gather3A_625 = tpu.vector_load_idx %arg13[%add3A_208, %broadcast_in_dim3A_622] : memref<256x128xf32, #tpu.memory_space<vmem>>[vector<16xi32>, vector<16xi32>], vector<16xf32>,
      %mul3A_626 = arith.mulf %gather3A_623, %gather3A_623 : vector<16xf32>
      %add3A_627 = arith.addf %add3A_610, %mul3A_626 : vector<16xf32>
      %mul3A_628 = arith.mulf %gather3A_624, %gather3A_624 : vector<16xf32>
      %add3A_629 = arith.addf %add3A_612, %mul3A_628 : vector<16xf32>
      %mul3A_630 = arith.mulf %gather3A_625, %gather3A_625 : vector<16xf32>
      %add3A_631 = arith.addf %add3A_614, %mul3A_630 : vector<16xf32>
      %mul3A_632 = arith.mulf %gather3A_623, %gather3A_625 : vector<16xf32>
      %add3A_633 = arith.addf %add3A_616, %mul3A_632 : vector<16xf32>
      %mul3A_634 = arith.mulf %gather3A_624, %gather3A_625 : vector<16xf32>
      %add3A_635 = arith.addf %add3A_618, %mul3A_634 : vector<16xf32>
      %mul3A_636 = arith.mulf %gather3A_623, %gather3A_624 : vector<16xf32>
      %add3A_637 = arith.addf %add3A_620, %mul3A_636 : vector<16xf32>
      %broadcast_in_dim3A_638 = arith.constant 25 : i32
      %broadcast_in_dim3A_639 = vector.broadcast %broadcast_in_dim3A_638 : i32 to vector<16xi32>
      %gather3A_640 = tpu.vector_load_idx %arg11[%add3A_208, %broadcast_in_dim3A_639] : memref<256x128xf32, #tpu.memory_space<vmem>>[vector<16xi32>, vector<16xi32>], vector<16xf32>,
      %gather3A_641 = tpu.vector_load_idx %arg12[%add3A_208, %broadcast_in_dim3A_639] : memref<256x128xf32, #tpu.memory_space<vmem>>[vector<16xi32>, vector<16xi32>], vector<16xf32>,
      %gather3A_642 = tpu.vector_load_idx %arg13[%add3A_208, %broadcast_in_dim3A_639] : memref<256x128xf32, #tpu.memory_space<vmem>>[vector<16xi32>, vector<16xi32>], vector<16xf32>,
      %mul3A_643 = arith.mulf %gather3A_640, %gather3A_640 : vector<16xf32>
      %add3A_644 = arith.addf %add3A_627, %mul3A_643 : vector<16xf32>
      %mul3A_645 = arith.mulf %gather3A_641, %gather3A_641 : vector<16xf32>
      %add3A_646 = arith.addf %add3A_629, %mul3A_645 : vector<16xf32>
      %mul3A_647 = arith.mulf %gather3A_642, %gather3A_642 : vector<16xf32>
      %add3A_648 = arith.addf %add3A_631, %mul3A_647 : vector<16xf32>
      %mul3A_649 = arith.mulf %gather3A_640, %gather3A_642 : vector<16xf32>
      %add3A_650 = arith.addf %add3A_633, %mul3A_649 : vector<16xf32>
      %mul3A_651 = arith.mulf %gather3A_641, %gather3A_642 : vector<16xf32>
      %add3A_652 = arith.addf %add3A_635, %mul3A_651 : vector<16xf32>
      %mul3A_653 = arith.mulf %gather3A_640, %gather3A_641 : vector<16xf32>
      %add3A_654 = arith.addf %add3A_637, %mul3A_653 : vector<16xf32>
      %broadcast_in_dim3A_655 = arith.constant 26 : i32
      %broadcast_in_dim3A_656 = vector.broadcast %broadcast_in_dim3A_655 : i32 to vector<16xi32>
      %gather3A_657 = tpu.vector_load_idx %arg11[%add3A_208, %broadcast_in_dim3A_656] : memref<256x128xf32, #tpu.memory_space<vmem>>[vector<16xi32>, vector<16xi32>], vector<16xf32>,
      %gather3A_658 = tpu.vector_load_idx %arg12[%add3A_208, %broadcast_in_dim3A_656] : memref<256x128xf32, #tpu.memory_space<vmem>>[vector<16xi32>, vector<16xi32>], vector<16xf32>,
      %gather3A_659 = tpu.vector_load_idx %arg13[%add3A_208, %broadcast_in_dim3A_656] : memref<256x128xf32, #tpu.memory_space<vmem>>[vector<16xi32>, vector<16xi32>], vector<16xf32>,
      %mul3A_660 = arith.mulf %gather3A_657, %gather3A_657 : vector<16xf32>
      %add3A_661 = arith.addf %add3A_644, %mul3A_660 : vector<16xf32>
      %mul3A_662 = arith.mulf %gather3A_658, %gather3A_658 : vector<16xf32>
      %add3A_663 = arith.addf %add3A_646, %mul3A_662 : vector<16xf32>
      %mul3A_664 = arith.mulf %gather3A_659, %gather3A_659 : vector<16xf32>
      %add3A_665 = arith.addf %add3A_648, %mul3A_664 : vector<16xf32>
      %mul3A_666 = arith.mulf %gather3A_657, %gather3A_659 : vector<16xf32>
      %add3A_667 = arith.addf %add3A_650, %mul3A_666 : vector<16xf32>
      %mul3A_668 = arith.mulf %gather3A_658, %gather3A_659 : vector<16xf32>
      %add3A_669 = arith.addf %add3A_652, %mul3A_668 : vector<16xf32>
      %mul3A_670 = arith.mulf %gather3A_657, %gather3A_658 : vector<16xf32>
      %add3A_671 = arith.addf %add3A_654, %mul3A_670 : vector<16xf32>
      %broadcast_in_dim3A_672 = arith.constant 27 : i32
      %broadcast_in_dim3A_673 = vector.broadcast %broadcast_in_dim3A_672 : i32 to vector<16xi32>
      %gather3A_674 = tpu.vector_load_idx %arg11[%add3A_208, %broadcast_in_dim3A_673] : memref<256x128xf32, #tpu.memory_space<vmem>>[vector<16xi32>, vector<16xi32>], vector<16xf32>,
      %gather3A_675 = tpu.vector_load_idx %arg12[%add3A_208, %broadcast_in_dim3A_673] : memref<256x128xf32, #tpu.memory_space<vmem>>[vector<16xi32>, vector<16xi32>], vector<16xf32>,
      %gather3A_676 = tpu.vector_load_idx %arg13[%add3A_208, %broadcast_in_dim3A_673] : memref<256x128xf32, #tpu.memory_space<vmem>>[vector<16xi32>, vector<16xi32>], vector<16xf32>,
      %mul3A_677 = arith.mulf %gather3A_674, %gather3A_674 : vector<16xf32>
      %add3A_678 = arith.addf %add3A_661, %mul3A_677 : vector<16xf32>
      %mul3A_679 = arith.mulf %gather3A_675, %gather3A_675 : vector<16xf32>
      %add3A_680 = arith.addf %add3A_663, %mul3A_679 : vector<16xf32>
      %mul3A_681 = arith.mulf %gather3A_676, %gather3A_676 : vector<16xf32>
      %add3A_682 = arith.addf %add3A_665, %mul3A_681 : vector<16xf32>
      %mul3A_683 = arith.mulf %gather3A_674, %gather3A_676 : vector<16xf32>
      %add3A_684 = arith.addf %add3A_667, %mul3A_683 : vector<16xf32>
      %mul3A_685 = arith.mulf %gather3A_675, %gather3A_676 : vector<16xf32>
      %add3A_686 = arith.addf %add3A_669, %mul3A_685 : vector<16xf32>
      %mul3A_687 = arith.mulf %gather3A_674, %gather3A_675 : vector<16xf32>
      %add3A_688 = arith.addf %add3A_671, %mul3A_687 : vector<16xf32>
      %broadcast_in_dim3A_689 = arith.constant 28 : i32
      %broadcast_in_dim3A_690 = vector.broadcast %broadcast_in_dim3A_689 : i32 to vector<16xi32>
      %gather3A_691 = tpu.vector_load_idx %arg11[%add3A_208, %broadcast_in_dim3A_690] : memref<256x128xf32, #tpu.memory_space<vmem>>[vector<16xi32>, vector<16xi32>], vector<16xf32>,
      %gather3A_692 = tpu.vector_load_idx %arg12[%add3A_208, %broadcast_in_dim3A_690] : memref<256x128xf32, #tpu.memory_space<vmem>>[vector<16xi32>, vector<16xi32>], vector<16xf32>,
      %gather3A_693 = tpu.vector_load_idx %arg13[%add3A_208, %broadcast_in_dim3A_690] : memref<256x128xf32, #tpu.memory_space<vmem>>[vector<16xi32>, vector<16xi32>], vector<16xf32>,
      %mul3A_694 = arith.mulf %gather3A_691, %gather3A_691 : vector<16xf32>
      %add3A_695 = arith.addf %add3A_678, %mul3A_694 : vector<16xf32>
      %mul3A_696 = arith.mulf %gather3A_692, %gather3A_692 : vector<16xf32>
      %add3A_697 = arith.addf %add3A_680, %mul3A_696 : vector<16xf32>
      %mul3A_698 = arith.mulf %gather3A_693, %gather3A_693 : vector<16xf32>
      %add3A_699 = arith.addf %add3A_682, %mul3A_698 : vector<16xf32>
      %mul3A_700 = arith.mulf %gather3A_691, %gather3A_693 : vector<16xf32>
      %add3A_701 = arith.addf %add3A_684, %mul3A_700 : vector<16xf32>
      %mul3A_702 = arith.mulf %gather3A_692, %gather3A_693 : vector<16xf32>
      %add3A_703 = arith.addf %add3A_686, %mul3A_702 : vector<16xf32>
      %mul3A_704 = arith.mulf %gather3A_691, %gather3A_692 : vector<16xf32>
      %add3A_705 = arith.addf %add3A_688, %mul3A_704 : vector<16xf32>
      %broadcast_in_dim3A_706 = arith.constant 29 : i32
      %broadcast_in_dim3A_707 = vector.broadcast %broadcast_in_dim3A_706 : i32 to vector<16xi32>
      %gather3A_708 = tpu.vector_load_idx %arg11[%add3A_208, %broadcast_in_dim3A_707] : memref<256x128xf32, #tpu.memory_space<vmem>>[vector<16xi32>, vector<16xi32>], vector<16xf32>,
      %gather3A_709 = tpu.vector_load_idx %arg12[%add3A_208, %broadcast_in_dim3A_707] : memref<256x128xf32, #tpu.memory_space<vmem>>[vector<16xi32>, vector<16xi32>], vector<16xf32>,
      %gather3A_710 = tpu.vector_load_idx %arg13[%add3A_208, %broadcast_in_dim3A_707] : memref<256x128xf32, #tpu.memory_space<vmem>>[vector<16xi32>, vector<16xi32>], vector<16xf32>,
      %mul3A_711 = arith.mulf %gather3A_708, %gather3A_708 : vector<16xf32>
      %add3A_712 = arith.addf %add3A_695, %mul3A_711 : vector<16xf32>
      %mul3A_713 = arith.mulf %gather3A_709, %gather3A_709 : vector<16xf32>
      %add3A_714 = arith.addf %add3A_697, %mul3A_713 : vector<16xf32>
      %mul3A_715 = arith.mulf %gather3A_710, %gather3A_710 : vector<16xf32>
      %add3A_716 = arith.addf %add3A_699, %mul3A_715 : vector<16xf32>
      %mul3A_717 = arith.mulf %gather3A_708, %gather3A_710 : vector<16xf32>
      %add3A_718 = arith.addf %add3A_701, %mul3A_717 : vector<16xf32>
      %mul3A_719 = arith.mulf %gather3A_709, %gather3A_710 : vector<16xf32>
      %add3A_720 = arith.addf %add3A_703, %mul3A_719 : vector<16xf32>
      %mul3A_721 = arith.mulf %gather3A_708, %gather3A_709 : vector<16xf32>
      %add3A_722 = arith.addf %add3A_705, %mul3A_721 : vector<16xf32>
      %broadcast_in_dim3A_723 = arith.constant 30 : i32
      %broadcast_in_dim3A_724 = vector.broadcast %broadcast_in_dim3A_723 : i32 to vector<16xi32>
      %gather3A_725 = tpu.vector_load_idx %arg11[%add3A_208, %broadcast_in_dim3A_724] : memref<256x128xf32, #tpu.memory_space<vmem>>[vector<16xi32>, vector<16xi32>], vector<16xf32>,
      %gather3A_726 = tpu.vector_load_idx %arg12[%add3A_208, %broadcast_in_dim3A_724] : memref<256x128xf32, #tpu.memory_space<vmem>>[vector<16xi32>, vector<16xi32>], vector<16xf32>,
      %gather3A_727 = tpu.vector_load_idx %arg13[%add3A_208, %broadcast_in_dim3A_724] : memref<256x128xf32, #tpu.memory_space<vmem>>[vector<16xi32>, vector<16xi32>], vector<16xf32>,
      %mul3A_728 = arith.mulf %gather3A_725, %gather3A_725 : vector<16xf32>
      %add3A_729 = arith.addf %add3A_712, %mul3A_728 : vector<16xf32>
      %mul3A_730 = arith.mulf %gather3A_726, %gather3A_726 : vector<16xf32>
      %add3A_731 = arith.addf %add3A_714, %mul3A_730 : vector<16xf32>
      %mul3A_732 = arith.mulf %gather3A_727, %gather3A_727 : vector<16xf32>
      %add3A_733 = arith.addf %add3A_716, %mul3A_732 : vector<16xf32>
      %mul3A_734 = arith.mulf %gather3A_725, %gather3A_727 : vector<16xf32>
      %add3A_735 = arith.addf %add3A_718, %mul3A_734 : vector<16xf32>
      %mul3A_736 = arith.mulf %gather3A_726, %gather3A_727 : vector<16xf32>
      %add3A_737 = arith.addf %add3A_720, %mul3A_736 : vector<16xf32>
      %mul3A_738 = arith.mulf %gather3A_725, %gather3A_726 : vector<16xf32>
      %add3A_739 = arith.addf %add3A_722, %mul3A_738 : vector<16xf32>
      %broadcast_in_dim3A_740 = arith.constant 31 : i32
      %broadcast_in_dim3A_741 = vector.broadcast %broadcast_in_dim3A_740 : i32 to vector<16xi32>
      %gather3A_742 = tpu.vector_load_idx %arg11[%add3A_208, %broadcast_in_dim3A_741] : memref<256x128xf32, #tpu.memory_space<vmem>>[vector<16xi32>, vector<16xi32>], vector<16xf32>,
      %gather3A_743 = tpu.vector_load_idx %arg12[%add3A_208, %broadcast_in_dim3A_741] : memref<256x128xf32, #tpu.memory_space<vmem>>[vector<16xi32>, vector<16xi32>], vector<16xf32>,
      %gather3A_744 = tpu.vector_load_idx %arg13[%add3A_208, %broadcast_in_dim3A_741] : memref<256x128xf32, #tpu.memory_space<vmem>>[vector<16xi32>, vector<16xi32>], vector<16xf32>,
      %mul3A_745 = arith.mulf %gather3A_742, %gather3A_742 : vector<16xf32>
      %add3A_746 = arith.addf %add3A_729, %mul3A_745 : vector<16xf32>
      %mul3A_747 = arith.mulf %gather3A_743, %gather3A_743 : vector<16xf32>
      %add3A_748 = arith.addf %add3A_731, %mul3A_747 : vector<16xf32>
      %mul3A_749 = arith.mulf %gather3A_744, %gather3A_744 : vector<16xf32>
      %add3A_750 = arith.addf %add3A_733, %mul3A_749 : vector<16xf32>
      %mul3A_751 = arith.mulf %gather3A_742, %gather3A_744 : vector<16xf32>
      %add3A_752 = arith.addf %add3A_735, %mul3A_751 : vector<16xf32>
      %mul3A_753 = arith.mulf %gather3A_743, %gather3A_744 : vector<16xf32>
      %add3A_754 = arith.addf %add3A_737, %mul3A_753 : vector<16xf32>
      %mul3A_755 = arith.mulf %gather3A_742, %gather3A_743 : vector<16xf32>
      %add3A_756 = arith.addf %add3A_739, %mul3A_755 : vector<16xf32>
      %broadcast_in_dim3A_757 = arith.constant 1.000000e+00 : f32
      %broadcast_in_dim3A_758 = vector.broadcast %broadcast_in_dim3A_757 : f32 to vector<16xf32>
      %gt3A = arith.constant 1.000000e+00 : f32
      %gt3A_759 = vector.broadcast %gt3A : f32 to vector<16xf32>
      %gt3A_760 = arith.cmpf ogt, %add3A_746, %gt3A_759 : vector<16xf32>
      %bitcast3A = vector.bitcast %add3A_746 : vector<16xf32> to vector<16xi32>
      %shift_right_logical3A = arith.constant 1 : i32
      %shift_right_logical3A_761 = vector.broadcast %shift_right_logical3A : i32 to vector<16xi32>
      %shift_right_logical3A_762 = arith.shrui %bitcast3A, %shift_right_logical3A_761 : vector<16xi32>
      %sub3A = arith.constant 1597463007 : i32
      %sub3A_763 = vector.broadcast %sub3A : i32 to vector<16xi32>
      %sub3A_764 = arith.subi %sub3A_763, %shift_right_logical3A_762 : vector<16xi32>
      %bitcast3A_765 = vector.bitcast %sub3A_764 : vector<16xi32> to vector<16xf32>
      %mul3A_766 = arith.constant 5.000000e-01 : f32
      %mul3A_767 = vector.broadcast %mul3A_766 : f32 to vector<16xf32>
      %mul3A_768 = arith.mulf %mul3A_767, %add3A_746 : vector<16xf32>
      %mul3A_769 = arith.mulf %mul3A_768, %bitcast3A_765 : vector<16xf32>
      %mul3A_770 = arith.mulf %mul3A_769, %bitcast3A_765 : vector<16xf32>
      %sub3A_771 = arith.constant 1.500000e+00 : f32
      %sub3A_772 = vector.broadcast %sub3A_771 : f32 to vector<16xf32>
      %sub3A_773 = arith.subf %sub3A_772, %mul3A_770 : vector<16xf32>
      %mul3A_774 = arith.mulf %bitcast3A_765, %sub3A_773 : vector<16xf32>
      %mul3A_775 = arith.constant 5.000000e-01 : f32
      %mul3A_776 = vector.broadcast %mul3A_775 : f32 to vector<16xf32>
      %mul3A_777 = arith.mulf %mul3A_776, %add3A_746 : vector<16xf32>
      %mul3A_778 = arith.mulf %mul3A_777, %mul3A_774 : vector<16xf32>
      %mul3A_779 = arith.mulf %mul3A_778, %mul3A_774 : vector<16xf32>
      %sub3A_780 = arith.constant 1.500000e+00 : f32
      %sub3A_781 = vector.broadcast %sub3A_780 : f32 to vector<16xf32>
      %sub3A_782 = arith.subf %sub3A_781, %mul3A_779 : vector<16xf32>
      %mul3A_783 = arith.mulf %mul3A_774, %sub3A_782 : vector<16xf32>
      %mul3A_784 = arith.constant 5.000000e-01 : f32
      %mul3A_785 = vector.broadcast %mul3A_784 : f32 to vector<16xf32>
      %mul3A_786 = arith.mulf %mul3A_785, %add3A_746 : vector<16xf32>
      %mul3A_787 = arith.mulf %mul3A_786, %mul3A_783 : vector<16xf32>
      %mul3A_788 = arith.mulf %mul3A_787, %mul3A_783 : vector<16xf32>
      %sub3A_789 = arith.constant 1.500000e+00 : f32
      %sub3A_790 = vector.broadcast %sub3A_789 : f32 to vector<16xf32>
      %sub3A_791 = arith.subf %sub3A_790, %mul3A_788 : vector<16xf32>
      %mul3A_792 = arith.mulf %mul3A_783, %sub3A_791 : vector<16xf32>
      %select_n3A = arith.select %gt3A_760, %mul3A_792, %broadcast_in_dim3A_758 : vector<16xi1>, vector<16xf32>
      %gt3A_793 = arith.constant 1.000000e+00 : f32
      %gt3A_794 = vector.broadcast %gt3A_793 : f32 to vector<16xf32>
      %gt3A_795 = arith.cmpf ogt, %add3A_748, %gt3A_794 : vector<16xf32>
      %bitcast3A_796 = vector.bitcast %add3A_748 : vector<16xf32> to vector<16xi32>
      %shift_right_logical3A_797 = arith.constant 1 : i32
      %shift_right_logical3A_798 = vector.broadcast %shift_right_logical3A_797 : i32 to vector<16xi32>
      %shift_right_logical3A_799 = arith.shrui %bitcast3A_796, %shift_right_logical3A_798 : vector<16xi32>
      %sub3A_800 = arith.constant 1597463007 : i32
      %sub3A_801 = vector.broadcast %sub3A_800 : i32 to vector<16xi32>
      %sub3A_802 = arith.subi %sub3A_801, %shift_right_logical3A_799 : vector<16xi32>
      %bitcast3A_803 = vector.bitcast %sub3A_802 : vector<16xi32> to vector<16xf32>
      %mul3A_804 = arith.constant 5.000000e-01 : f32
      %mul3A_805 = vector.broadcast %mul3A_804 : f32 to vector<16xf32>
      %mul3A_806 = arith.mulf %mul3A_805, %add3A_748 : vector<16xf32>
      %mul3A_807 = arith.mulf %mul3A_806, %bitcast3A_803 : vector<16xf32>
      %mul3A_808 = arith.mulf %mul3A_807, %bitcast3A_803 : vector<16xf32>
      %sub3A_809 = arith.constant 1.500000e+00 : f32
      %sub3A_810 = vector.broadcast %sub3A_809 : f32 to vector<16xf32>
      %sub3A_811 = arith.subf %sub3A_810, %mul3A_808 : vector<16xf32>
      %mul3A_812 = arith.mulf %bitcast3A_803, %sub3A_811 : vector<16xf32>
      %mul3A_813 = arith.constant 5.000000e-01 : f32
      %mul3A_814 = vector.broadcast %mul3A_813 : f32 to vector<16xf32>
      %mul3A_815 = arith.mulf %mul3A_814, %add3A_748 : vector<16xf32>
      %mul3A_816 = arith.mulf %mul3A_815, %mul3A_812 : vector<16xf32>
      %mul3A_817 = arith.mulf %mul3A_816, %mul3A_812 : vector<16xf32>
      %sub3A_818 = arith.constant 1.500000e+00 : f32
      %sub3A_819 = vector.broadcast %sub3A_818 : f32 to vector<16xf32>
      %sub3A_820 = arith.subf %sub3A_819, %mul3A_817 : vector<16xf32>
      %mul3A_821 = arith.mulf %mul3A_812, %sub3A_820 : vector<16xf32>
      %mul3A_822 = arith.constant 5.000000e-01 : f32
      %mul3A_823 = vector.broadcast %mul3A_822 : f32 to vector<16xf32>
      %mul3A_824 = arith.mulf %mul3A_823, %add3A_748 : vector<16xf32>
      %mul3A_825 = arith.mulf %mul3A_824, %mul3A_821 : vector<16xf32>
      %mul3A_826 = arith.mulf %mul3A_825, %mul3A_821 : vector<16xf32>
      %sub3A_827 = arith.constant 1.500000e+00 : f32
      %sub3A_828 = vector.broadcast %sub3A_827 : f32 to vector<16xf32>
      %sub3A_829 = arith.subf %sub3A_828, %mul3A_826 : vector<16xf32>
      %mul3A_830 = arith.mulf %mul3A_821, %sub3A_829 : vector<16xf32>
      %select_n3A_831 = arith.select %gt3A_795, %mul3A_830, %broadcast_in_dim3A_758 : vector<16xi1>, vector<16xf32>
      %mul3A_832 = arith.mulf %select_n3A, %select_n3A : vector<16xf32>
      %mul3A_833 = arith.mulf %mul3A_832, %add3A_746 : vector<16xf32>
      %mul3A_834 = arith.mulf %select_n3A_831, %select_n3A_831 : vector<16xf32>
      %mul3A_835 = arith.mulf %mul3A_834, %add3A_748 : vector<16xf32>
      %add3A_836 = arith.addf %mul3A_833, %mul3A_835 : vector<16xf32>
      %add3A_837 = arith.addf %add3A_836, %add3A_750 : vector<16xf32>
      %mul3A_838 = arith.mulf %select_n3A, %add3A_752 : vector<16xf32>
      %mul3A_839 = arith.constant 2.000000e+00 : f32
      %mul3A_840 = vector.broadcast %mul3A_839 : f32 to vector<16xf32>
      %mul3A_841 = arith.mulf %mul3A_840, %mul3A_838 : vector<16xf32>
      %add3A_842 = arith.addf %add3A_837, %mul3A_841 : vector<16xf32>
      %mul3A_843 = arith.mulf %select_n3A_831, %add3A_754 : vector<16xf32>
      %mul3A_844 = arith.constant 2.000000e+00 : f32
      %mul3A_845 = vector.broadcast %mul3A_844 : f32 to vector<16xf32>
      %mul3A_846 = arith.mulf %mul3A_845, %mul3A_843 : vector<16xf32>
      %sub3A_847 = arith.subf %add3A_842, %mul3A_846 : vector<16xf32>
      %mul3A_848 = arith.mulf %select_n3A_831, %add3A_756 : vector<16xf32>
      %mul3A_849 = arith.mulf %select_n3A, %mul3A_848 : vector<16xf32>
      %mul3A_850 = arith.constant 2.000000e+00 : f32
      %mul3A_851 = vector.broadcast %mul3A_850 : f32 to vector<16xf32>
      %mul3A_852 = arith.mulf %mul3A_851, %mul3A_849 : vector<16xf32>
      %sub3A_853 = arith.subf %sub3A_847, %mul3A_852 : vector<16xf32>
      %max3A = arith.constant 0.000000e+00 : f32
      %max3A_854 = vector.broadcast %max3A : f32 to vector<16xf32>
      %max3A_855 = arith.maximumf %sub3A_853, %max3A_854 : vector<16xf32>
      %gt3A_856 = arith.constant 0.000000e+00 : f32
      %gt3A_857 = vector.broadcast %gt3A_856 : f32 to vector<16xf32>
      %gt3A_858 = arith.cmpf ogt, %max3A_855, %gt3A_857 : vector<16xf32>
      %bitcast3A_859 = vector.bitcast %max3A_855 : vector<16xf32> to vector<16xi32>
      %shift_right_logical3A_860 = arith.constant 1 : i32
      %shift_right_logical3A_861 = vector.broadcast %shift_right_logical3A_860 : i32 to vector<16xi32>
      %shift_right_logical3A_862 = arith.shrui %bitcast3A_859, %shift_right_logical3A_861 : vector<16xi32>
      %sub3A_863 = arith.constant 1597463007 : i32
      %sub3A_864 = vector.broadcast %sub3A_863 : i32 to vector<16xi32>
      %sub3A_865 = arith.subi %sub3A_864, %shift_right_logical3A_862 : vector<16xi32>
      %bitcast3A_866 = vector.bitcast %sub3A_865 : vector<16xi32> to vector<16xf32>
      %mul3A_867 = arith.constant 5.000000e-01 : f32
      %mul3A_868 = vector.broadcast %mul3A_867 : f32 to vector<16xf32>
      %mul3A_869 = arith.mulf %mul3A_868, %max3A_855 : vector<16xf32>
      %mul3A_870 = arith.mulf %mul3A_869, %bitcast3A_866 : vector<16xf32>
      %mul3A_871 = arith.mulf %mul3A_870, %bitcast3A_866 : vector<16xf32>
      %sub3A_872 = arith.constant 1.500000e+00 : f32
      %sub3A_873 = vector.broadcast %sub3A_872 : f32 to vector<16xf32>
      %sub3A_874 = arith.subf %sub3A_873, %mul3A_871 : vector<16xf32>
      %mul3A_875 = arith.mulf %bitcast3A_866, %sub3A_874 : vector<16xf32>
      %mul3A_876 = arith.constant 5.000000e-01 : f32
      %mul3A_877 = vector.broadcast %mul3A_876 : f32 to vector<16xf32>
      %mul3A_878 = arith.mulf %mul3A_877, %max3A_855 : vector<16xf32>
      %mul3A_879 = arith.mulf %mul3A_878, %mul3A_875 : vector<16xf32>
      %mul3A_880 = arith.mulf %mul3A_879, %mul3A_875 : vector<16xf32>
      %sub3A_881 = arith.constant 1.500000e+00 : f32
      %sub3A_882 = vector.broadcast %sub3A_881 : f32 to vector<16xf32>
      %sub3A_883 = arith.subf %sub3A_882, %mul3A_880 : vector<16xf32>
      %mul3A_884 = arith.mulf %mul3A_875, %sub3A_883 : vector<16xf32>
      %mul3A_885 = arith.constant 5.000000e-01 : f32
      %mul3A_886 = vector.broadcast %mul3A_885 : f32 to vector<16xf32>
      %mul3A_887 = arith.mulf %mul3A_886, %max3A_855 : vector<16xf32>
      %mul3A_888 = arith.mulf %mul3A_887, %mul3A_884 : vector<16xf32>
      %mul3A_889 = arith.mulf %mul3A_888, %mul3A_884 : vector<16xf32>
      %sub3A_890 = arith.constant 1.500000e+00 : f32
      %sub3A_891 = vector.broadcast %sub3A_890 : f32 to vector<16xf32>
      %sub3A_892 = arith.subf %sub3A_891, %mul3A_889 : vector<16xf32>
      %mul3A_893 = arith.mulf %mul3A_884, %sub3A_892 : vector<16xf32>
      %mul3A_894 = arith.mulf %max3A_855, %mul3A_893 : vector<16xf32>
      %neg3A = arith.constant 0.000000e+00 : f32
      %neg3A_895 = vector.broadcast %neg3A : f32 to vector<16xf32>
      %neg3A_896 = arith.subf %neg3A_895, %mul3A_894 : vector<16xf32>
      %select_n3A_897 = arith.select %gt3A_858, %neg3A_896, %broadcast_in_dim3A_213 : vector<16xi1>, vector<16xf32>
      %swap3A = arith.index_cast %add3A_212 : i32 to index
      %swap3A_898 = tpu.vector_load %arg14[%swap3A] {strides = array<i32>} : memref<512xf32, #tpu.memory_space<vmem>>, vector<16xf32>,
      tpu.vector_store %arg14[%swap3A], %select_n3A_897 {strides = array<i32>} : memref<512xf32, #tpu.memory_space<vmem>>, vector<16xf32>,
    }
    %scan3A_203 = arith.constant 16 : i32
    "tpu.region"() ({
      %run_scoped3A = tpu.sem_alloc : memref<!tpu.dma_semaphore, #tpu.memory_space<semaphore_mem>>
      %dma_start3A_204 = tpu.memref_slice %arg7[%mul3A_2] : memref<16384xf32, #tpu.memory_space<hbm>> -> memref<512xf32, #tpu.memory_space<hbm>>
      %dma_start3A_205 = tpu.memref_slice %arg7[%mul3A_2] : memref<16384xf32, #tpu.memory_space<hbm>> -> memref<512xf32, #tpu.memory_space<hbm>>
      tpu.enqueue_dma source(%arg14 : memref<512xf32, #tpu.memory_space<vmem>>) target(%dma_start3A_205 : memref<512xf32, #tpu.memory_space<hbm>>) target_semaphore(%run_scoped3A : memref<!tpu.dma_semaphore, #tpu.memory_space<semaphore_mem>>)
      %dma_wait3A_206 = tpu.memref_slice %arg7[%mul3A_2] : memref<16384xf32, #tpu.memory_space<hbm>> -> memref<512xf32, #tpu.memory_space<hbm>>
      %dma_wait3A_207 = tpu.memref_slice %arg7[%mul3A_2] : memref<16384xf32, #tpu.memory_space<hbm>> -> memref<512xf32, #tpu.memory_space<hbm>>
      tpu.wait_dma2 semaphore(%run_scoped3A : memref<!tpu.dma_semaphore, #tpu.memory_space<semaphore_mem>>) src(%arg14 : memref<512xf32, #tpu.memory_space<vmem>>) dst(%dma_wait3A_207 : memref<512xf32, #tpu.memory_space<hbm>>)
      tpu.yield
    }) : () -> ()
    return
  }
}

</mosaic_0001>

<sc_bundles>
// kernel: kernel.3.cloned.1.call-start
scs
__scs_entry_jumppad:
0x0: {  	(pc) =	sbr.rel $0x88, $3  }
0x1: {  	(tag) =	ssettag $0x0;
	lr =	simm.s32 $0x1  }
0x2: {  	[smem:$0x3F9C] =	sst lr;
	_ =	strace $0xD0000000  }
0x3: {  	_ = 	snop  }
0x4: {  	_ = 	snop  }
0x5: {  	_ = 	snop  }
0x6: {  	_ = 	snop  }
0x7: {  	_ = 	snop  }
__scs_overlays_trampoline_lowered:
0x8: {  	[smem:$0x3FAB] =	sst s0  }
0x9: {  	[smem:$0x3FAC] =	sst s1  }
0xa: {  	[smem:$0x3FAD] =	sst s2  }
0xb: {  	[smem:$0x3FAE] =	sst s3  }
0xc: {  	[smem:$0x3FAF] =	sst s4  }
0xd: {  	[smem:$0x3FB0] =	sst s5  }
0xe: {  	[smem:$0x3FB1] =	sst s6  }
0xf: {  	[smem:$0x3FB2] =	sst s7  }
0x10: {  	[smem:$0x3FB3] =	sst s8  }
0x11: {  	[smem:$0x3FB4] =	sst s9;
	s0 =	simm.s32 @!p0 $0x0  }
0x12: {  	s1 =	sld [smem:$0x3F9A];
	s0 =	simm.s32 @p0 $0x1  }
0x13: {  	[smem:$0x3FB5] =	sst s0;
	s0 =	simm.s32 @!p1 $0x0  }
0x14: {  	s2 =	sld [smem:$0x3F99];
	s0 =	simm.s32 @p1 $0x1  }
0x15: {  	[smem:$0x3FB6] =	sst s0;
	s0 =	simm.s32 @!p2 $0x0  }
0x16: {  	s3 =	sld [smem:$0x3FDB];
	s0 =	simm.s32 @p2 $0x1  }
0x17: {  	s4 =	simm.s32 $0x1BF5;
	[smem:$0x3FB8] =	sst s0  }
0x18: {  	s0 =	sld [smem:$0x3F9B];
	_ =	swait.ge [sflag:s4], $0x0  }
0x19: {  	s7 =	sld [smem:$0x3F9C]  }
0x1a: {  	s8 =	sadd.s32 $0xFFFFE003, lr  }
0x1b: {  	s9 =	sadd.s32 $0xFFFFFEF7, lr;
	s5 =	simm.s32 $0xFFFFFFFF;
	p2 =	slt.u32 s8, $0xFFFFF086  }
0x1c: {  	p1 =	slt.u32 s9, $0xF7A;
	s5 =	simm.s32 @!p2 $0x0  }
0x1d: {  	s5 =	simm.s32 @p1 $0x1;
	p0 =	seq.s32 s7, s2  }
0x1e: {  	s7 =	smul.u32 @!p0 $0xF7A, s2;
	p2 =	seq.s32 @!p0 s5, $0x0  }
0x1f: {  	s9 =	smul.u32 $0xF7A, s1;
	s8 =	simm.s32 @!p0 $0x1BF5;
	p2 =	por !p2, p0  }
0x20: {  	[sflag:s8] =	ssyncset.s32 @!p0 $0xFFFFF086;
	s6 =	sadd.s32 @!p0 s3, s7;
	s7 =	simm.s32 @!p0 $0x108  }
0x21: {  	s3 =	sadd.s32 s3, s9;
	s6 =	sadd.s32 @!p0 $0x88, s6;
	s7 =	simm.s32 @p2 $0x1082  }
0x22: {  	[simem:s7], [sflag:s8] =	dma.local @!p0 [hbm:s6], $0xF7A  }
0x23: {  	s9 =	sor.u32 $0xD0000000, s2;
	s6 =	simm.s32 $0x108;
	_ =	swait.ge @!p0 [sflag:s8], $0x0  }
0x24: {  	s3 =	sadd.s32 $0x88, s3;
	s6 =	simm.s32 @!p1 $0x1082;
	[sflag:s4] =	ssyncset.s32 $0xFFFFF086  }
0x25: {  	[simem:s6], [sflag:s4] =	dma.local [hbm:s3], $0xF7A  }
0x26: {  	[smem:$0x3F9C] =	sst s1;
	(tag) =	ssettag s2;
	_ =	strace s9  }
0x27: {  	s1 =	sld [smem:$0x3FAC]  }
0x28: {  	s2 =	sld [smem:$0x3FAD]  }
0x29: {  	s4 =	sld [smem:$0x3FAF]  }
0x2a: {  	p0 =	seq.s32 s5, $0x0;
	s5 =	sld [smem:$0x3FB0]  }
0x2b: {  	s6 =	sld [smem:$0x3FB1]  }
0x2c: {  	s7 =	sld [smem:$0x3FB2]  }
0x2d: {  	s3 =	simm.s32 $0x108;
	s8 =	sld [smem:$0x3FB3]  }
0x2e: {  	s3 =	simm.s32 @!p0 $0x1082;
	s9 =	sld [smem:$0x3FB4]  }
0x2f: {  	lr =	sadd.s32 s0, s3;
	s0 =	sld [smem:$0x3FAB]  }
0x30: {  	s3 =	sld [smem:$0x3FAE]  }
0x31: {  	[smem:$0x3FB7] =	sst s10  }
0x32: {  	s10 =	sld [smem:$0x3FB5];
	_ =	sdelay $0x3  }
0x33: {  	p0 =	seq.s32 s10, $0x1;
	s10 =	sld [smem:$0x3FB7];
	_ =	sdelay $0x3  }
0x34: {  	[smem:$0x3FB7] =	sst s10  }
0x35: {  	s10 =	sld [smem:$0x3FB6];
	_ =	sdelay $0x3  }
0x36: {  	p1 =	seq.s32 s10, $0x1;
	s10 =	sld [smem:$0x3FB7];
	_ =	sdelay $0x3  }
0x37: {  	[smem:$0x3FB7] =	sst s10  }
0x38: {  	s10 =	sld [smem:$0x3FB8]  }
0x39: {  	_ = 	snop;
	(pc) =	sbr.ind lr, $3  }
0x3a: {  	_ = 	snop  }
0x3b: {  	_ = 	snop  }
0x3c: {  	p2 =	seq.s32 s10, $0x1;
	s10 =	sld [smem:$0x3FB7]  }
0x3d: {  	_ =	shalt  }
0x3e: {  	_ =	shalt  }
0x3f: {  	_ =	shalt  }
0x40: {  	_ =	shalt  }
0x41: {  	_ =	shalt  }
0x42: {  	_ =	shalt  }
0x43: {  	_ =	shalt  }
0x44: {  	_ =	shalt  }
0x45: {  	_ =	shalt  }
0x46: {  	_ =	shalt  }
0x47: {  	_ =	shalt  }
0x48: {  	_ =	shalt  }
0x49: {  	_ =	shalt  }
0x4a: {  	_ =	shalt  }
0x4b: {  	_ =	shalt  }
0x4c: {  	_ =	shalt  }
0x4d: {  	_ =	shalt  }
0x4e: {  	_ =	shalt  }
0x4f: {  	_ =	shalt  }
0x50: {  	_ =	shalt  }
0x51: {  	_ =	shalt  }
0x52: {  	_ =	shalt  }
0x53: {  	_ =	shalt  }
0x54: {  	_ =	shalt  }
0x55: {  	_ =	shalt  }
0x56: {  	_ =	shalt  }
0x57: {  	_ =	shalt  }
0x58: {  	_ =	shalt  }
0x59: {  	_ =	shalt  }
0x5a: {  	_ =	shalt  }
0x5b: {  	_ =	shalt  }
0x5c: {  	_ =	shalt  }
0x5d: {  	_ =	shalt  }
0x5e: {  	_ =	shalt  }
0x5f: {  	_ =	shalt  }
0x60: {  	_ =	shalt  }
0x61: {  	_ =	shalt  }
0x62: {  	_ =	shalt  }
0x63: {  	_ =	shalt  }
0x64: {  	_ =	shalt  }
0x65: {  	_ =	shalt  }
0x66: {  	_ =	shalt  }
0x67: {  	_ =	shalt  }
0x68: {  	_ =	shalt  }
0x69: {  	_ =	shalt  }
0x6a: {  	_ =	shalt  }
0x6b: {  	_ =	shalt  }
0x6c: {  	_ =	shalt  }
0x6d: {  	_ =	shalt  }
0x6e: {  	_ =	shalt  }
0x6f: {  	_ =	shalt  }
0x70: {  	_ =	shalt  }
0x71: {  	_ =	shalt  }
0x72: {  	_ =	shalt  }
0x73: {  	_ =	shalt  }
0x74: {  	_ =	shalt  }
0x75: {  	_ =	shalt  }
0x76: {  	_ =	shalt  }
0x77: {  	_ =	shalt  }
0x78: {  	_ =	shalt  }
0x79: {  	_ =	shalt  }
0x7a: {  	_ =	shalt  }
0x7b: {  	_ =	shalt  }
0x7c: {  	_ =	shalt  }
0x7d: {  	_ =	shalt  }
0x7e: {  	_ =	shalt  }
0x7f: {  	_ =	shalt  }
0x80: {  	_ =	shalt  }
0x81: {  	_ =	shalt  }
0x82: {  	_ =	shalt  }
0x83: {  	_ =	shalt  }
0x84: {  	_ =	shalt  }
0x85: {  	_ =	shalt  }
0x86: {  	_ =	shalt  }
0x87: {  	_ =	shalt  }
.Lfunc_end0:
.L_simem_size_0:
called_computation_lowered:
.L_overlay_start_0:
0x88: {  	s2 =	sld [smem:$0x3FD9]  }
0x89: {  	s3 =	sld [smem:$0x3FFE];
	_ =	sdelay $0x1  }
0x8a: {  	s1 =	srdreg.scid  }
0x8b: {  	s0 =	sand.u32 $0x1, s1  }
0x8c: {  	s17 =	sshll.u32 s0, $0xA;
	s2 =	sadd.s32 s3, s2  }
0x8d: {  	s2 =	sadd.s32 s2, s17  }
0x8e: {  	[smem:$0x3FC3] =	sst s2  }
0x8f: {  	_ = 	snop  }
0x90: {  	s2 =	sld [smem:$0x3FC9]  }
0x91: {  	s18 =	sld [smem:$0x3FC8]  }
0x92: {  	s4 =	sld [smem:$0x3FC7]  }
0x93: {  	s5 =	sld [smem:$0x3FD0];
	(tm) =	ssettm $0x1  }
0x94: {  	s6 =	sld [smem:$0x3FFB];
	_ =	sdelay $0x3  }
0x95: {  	_ =	strace s6  }
0x96: {  	s6 =	sld [smem:$0x3FFC];
	_ =	sdelay $0x3  }
0x97: {  	_ =	strace s6  }
0x98: {  	s6 =	sld [smem:$0x3FFD];
	_ =	sdelay $0x3  }
0x99: {  	_ =	strace s6  }
0x9a: {  	_ =	strace $0x8FFFFFFF  }
0x9b: {  	s19 =	sld [smem:$0x3FDB];
	_ =	sdelay $0x1  }
0x9c: {  	s7 =	simm.s32 $_scs_section_size  }
0x9d: {  	s8 =	simm.s32 $_size__tile_overlayer_lowered;
	s9 =	simm.s32 $_tile_overlayer_lowered  }
0x9e: {  	s22 =	simm.s32 $0x1BFF;
	s21 =	sshll.u32 s9, $0x1;
	s6 =	sadd.s32 s7, s19  }
0x9f: {  	s10 =	simm.s32 $0x0;
	s20 =	sshll.u32 s8, $0x1;
	s8 =	sadd.s32 s21, s6  }
0xa0: {  	[timem:s10], [sflag:s22] =	dma.local [hbm:s8], s20  }
0xa1: {  	_ =	swait.ge [sflag:s22], s20  }
0xa2: {  	s7 =	ssub.s32 $0x0, s20;
	[sflag:s22] =	ssyncset.done $0x0  }
0xa3: {  	[sflag:s22] =	ssyncadd.s32 s7;
	_ =	sdelay $0x1  }
0xa4: {  	s23 =	simm.s32 $0x1B8B  }
0xa5: {  	_ =	swait.ge [sflag:s23], $0x1  }
0xa6: {  	[sflag:s23] =	ssyncset.done $0x0  }
0xa7: {  	s25 =	simm.s32 $0x1B8E;
	s24 =	sld [smem:$0x3FFE];
	[sflag:s23] =	ssyncadd.s32 $0xFFFFFFFF  }
0xa8: {  	s26 =	simm.s32 $execute0_lowered;
	[smem:$0x3FD2] =	sst s25  }
0xa9: {  	s8 =	sshll.u32 s26, $0x1;
	_ =	strace $0x80000046;
	[dreg:$0x1] =	wrdreg $0xFFFFFFFF  }
0xaa: {  	s28 =	simm.s32 $_size_execute0_lowered;
	s6 =	sadd.s32 s6, s8;
	[dreg:$0x0] =	wrdreg $0x0  }
0xab: {  	s8 =	sshll.u32 s28, $0x1;
	[dreg:$0x2] =	wrdreg s6  }
0xac: {  	[dreg:$0x3] =	wrdreg s8  }
0xad: {  	[dreg:$0x4] =	wrdreg $0xC0  }
0xae: {  	_ =	task [dreg:s10], $0x5FFFF  }
0xaf: {  	[dreg:$0x1] =	wrdreg $0xFFFFFFFF  }
0xb0: {  	[dreg:$0x0] =	wrdreg $0x60  }
0xb1: {  	[dreg:$0x2] =	wrdreg s2  }
0xb2: {  	[dreg:$0x3] =	wrdreg s18  }
0xb3: {  	[dreg:$0x4] =	wrdreg s4  }
0xb4: {  	[dreg:$0x5] =	wrdreg s24  }
0xb5: {  	[dreg:$0x6] =	wrdreg s5  }
0xb6: {  	[dreg:$0x7] =	wrdreg $0x9  }
0xb7: {  	_ =	task.clear_ibuf [dreg:s10], $0x8FFFF;
	_ =	strace $0x90000046  }
0xb8: {  	s29 =	simm.s32 $0x9;
	_ =	strace $0x80000048  }
0xb9: {  	_ =	swait.ge [sflag:s29], $0x1  }
0xba: {  	[sflag:s29] =	ssyncadd.s32 $0xFFFFFFFF  }
0xbb: {  	_ =	strace $0x90000048  }
0xbc: {  	_ =	sfence  }
0xbd: {  	s30 =	sld [smem:$0x0];
	_ =	sdelay $0x2  }
0xbe: {  	s31 =	sshll.u32 s1, $0xD;
	s1 =	sshrl.u32 s1, $0x2  }
0xbf: {  	s3 =	sand.u32 $0x4000, s31;
	s1 =	sadd.s32 s1, s30  }
0xc0: {  	s0 =	sor.u32 s3, s0;
	s1 =	sshll.u32 s1, $0x11  }
0xc1: {  	s0 =	sor.u32 s1, s0  }
0xc2: {  	s0 =	sadd.s32 $0x8F2B, s0  }
0xc3: {  	[sflag:s0] =	ssyncadd.remote.s32 $0x1  }
0xc4: {  	_ =	sfence.sel $0xFFFF  }
0xc5: {  	[dreg:$0x0] =	wrdreg $0xFFFFFFFF;
	(pc) =	sbr.abs _section_cstart, $3  }
0xc6: {  	[dreg:$0x1] =	wrdreg $0xFFFFFFFF  }
0xc7: {  	_ =	task.clear_ibuf [dreg:s10], $0x2FFFF;
	_ =	strace $0x9FFFFFFF  }
0xc8: {  	(tm) =	ssettm $0x7FFFFFFF  }
0xc9: {  	_ =	shalt  }
tec
execute0_lowered:
.L_overlay_start_1:
0x0: {  	(tag) =	ssettag $0x1  }
0x1: {  	s0 =	rddreg [dreg:$0x0]  }
0x2: {  	s2 =	rddreg [dreg:$0x1]  }
0x3: {  	s6 =	rddreg [dreg:$0x2]  }
0x4: {  	s4 =	rddreg [dreg:$0x3]  }
0x5: {  	s8 =	rddreg [dreg:$0x4];
	s1 =	simm.s32 $0x0  }
0x6: {  	s5 =	srdreg.scid;
	s9 =	stileid.u32;
	s11 =	simm.s32 $0x200  }
0x7: {  	s12 =	simm.s32 $0x400;
	s13 =	simm.s32 $0x80;
	s14 =	simm.s32 $0x600  }
0x8: {  	s15 =	simm.s32 $0x8600;
	s16 =	simm.s32 $0x10600;
	s17 =	simm.s32 $0x4600  }
0x9: {  	s18 =	simm.s32 $0x280;
	s19 =	simm.s32 $0xC600;
	s20 =	simm.s32 $0x480  }
0xa: {  	s21 =	simm.s32 $0x14600;
	s22 =	simm.s32 $0x1;
	s23 =	simm.s32 $0x100  }
0xb: {  	s24 =	simm.s32 $0x300;
	s25 =	simm.s32 $0x500;
	s26 =	simm.s32 $0x180  }
0xc: {  	s28 =	simm.s32 $0x380;
	s29 =	simm.s32 $0x580;
	s30 =	simm.s32 $0x18600  }
0xd: {  	s31 =	simm.s32 $0x0;
	[smem:$0x7FF] =	sst s1;
	s5 =	sand.u32 $0x1, s5  }
0xe: {  	s3 =	sadd.s32 $0xF46C00, s4;
	s9 =	sshll.u32 s9, $0x7;
	s7 =	ssub.s32 $0x2, s5  }
0xf: {  	s4 =	sadd.s32 $0x800, s4;
	s5 =	sshll.u32 s5, $0x6;
	s10 =	sshrl.u32 s7, $0x1  }
0x10: {  	_ =	strace $0x80000047;
	s9 =	sor.u32 s5, s9;
	s10 =	ssub.s32 s7, s10  }
0x11: {  	v0 =	vlaneseq.u32;
	s5 =	sadd.s32 s0, s9;
	s6 =	sadd.s32 s6, s9;
	s7 =	sadd.s32 s2, s9  }
0x12: {  	v0 =	vmul.u32 $0x80, v0;
	s8 =	sadd.s32 s8, s9;
	s9 =	smax.u32 s10, $0x1;
	s10 =	simm.s32 $0x2  }
.LBB2_1:
0x13: {  	[tilespmem:s1], [sflag:$0x2] =	stream.linear.gather [hbm4b:s5+s1], $0x200, $0x38;
	[tilespmem:$0x18800] =	vst v63  }
0x14: {  	_ =	swait.ge [sflag:s10], $0x200  }
0x15: {  	[sflag:s10] =	ssyncset.done $0x0  }
0x16: {  	[sflag:s10] =	ssyncadd.s32 $0xFFFFFE00  }
0x17: {  	[tilespmem:s11], [sflag:$0x2] =	stream.linear.gather [hbm4b:s6+s1], $0x200, $0x38;
	[tilespmem:$0x18800] =	vst v63  }
0x18: {  	_ =	swait.ge [sflag:s10], $0x200  }
0x19: {  	[sflag:s10] =	ssyncset.done $0x0  }
0x1a: {  	[sflag:s10] =	ssyncadd.s32 $0xFFFFFE00  }
0x1b: {  	[tilespmem:s12], [sflag:$0x2] =	stream.linear.gather [hbm4b:s7+s1], $0x200, $0x38;
	[tilespmem:$0x18800] =	vst v63  }
0x1c: {  	_ =	swait.ge [sflag:s10], $0x200  }
0x1d: {  	[sflag:s10] =	ssyncset.done $0x0  }
0x1e: {  	[sflag:s10] =	ssyncadd.s32 $0xFFFFFE00  }
0x1f: {  	[tilespmem:s14], [sflag:$0x1] =	stream.indirect.gather [hbm4b:s3+s13], $0x80, s1, s13, $0xb8;
	[tilespmem:$0x18800] =	vst v63  }
0x20: {  	_ = 	snop  }
0x21: {  	[tilespmem:s15], [sflag:$0x1] =	stream.indirect.gather [hbm4b:s3+s13], $0x80, s11, s13, $0xb8;
	[tilespmem:$0x18800] =	vst v63  }
0x22: {  	_ = 	snop  }
0x23: {  	[tilespmem:s16], [sflag:$0x1] =	stream.indirect.gather [hbm4b:s4+s13], $0x80, s12, s13, $0xb8;
	[tilespmem:$0x18800] =	vst v63  }
0x24: {  	_ = 	snop  }
0x25: {  	[tilespmem:s17], [sflag:$0x1] =	stream.indirect.gather [hbm4b:s3+s13], $0x80, s13, s13, $0xb8;
	[tilespmem:$0x18800] =	vst v63  }
0x26: {  	_ = 	snop  }
0x27: {  	[tilespmem:s19], [sflag:$0x1] =	stream.indirect.gather [hbm4b:s3+s13], $0x80, s18, s13, $0xb8;
	[tilespmem:$0x18800] =	vst v63  }
0x28: {  	_ = 	snop  }
0x29: {  	[tilespmem:s21], [sflag:$0x1] =	stream.indirect.gather [hbm4b:s4+s13], $0x80, s20, s13, $0xb8;
	[tilespmem:$0x18800] =	vst v63  }
0x2a: {  	_ =	swait.ge [sflag:s22], $0x4000  }
0x2b: {  	[sflag:s22] =	ssyncset.done $0x0  }
0x2c: {  	[sflag:s22] =	ssyncadd.s32 $0xFFFFC000  }
0x2d: {  	_ =	swait.ge [sflag:s22], $0x4000  }
0x2e: {  	[sflag:s22] =	ssyncset.done $0x0  }
0x2f: {  	[sflag:s22] =	ssyncadd.s32 $0xFFFFC000  }
0x30: {  	_ =	swait.ge [sflag:s22], $0x4000  }
0x31: {  	[sflag:s22] =	ssyncset.done $0x0  }
0x32: {  	[sflag:s22] =	ssyncadd.s32 $0xFFFFC000  }
0x33: {  	_ =	swait.ge [sflag:s22], $0x4000  }
0x34: {  	[sflag:s22] =	ssyncset.done $0x0  }
0x35: {  	[sflag:s22] =	ssyncadd.s32 $0xFFFFC000  }
0x36: {  	_ =	swait.ge [sflag:s22], $0x4000  }
0x37: {  	[sflag:s22] =	ssyncset.done $0x0  }
0x38: {  	[sflag:s22] =	ssyncadd.s32 $0xFFFFC000  }
0x39: {  	_ =	swait.ge [sflag:s22], $0x4000  }
0x3a: {  	[sflag:s22] =	ssyncset.done $0x0  }
0x3b: {  	s0 =	simm.s32 $0x18600;
	s2 =	simm.s32 $0x0;
	[sflag:s22] =	ssyncadd.s32 $0xFFFFC000  }
.LBB2_2:
0x3c: {  	v1 =	vmov s2  }
0x3d: {  	v1 =	vshll.u32 v1, $0x7  }
0x3e: {  	v1 =	vor.u32 v0, v1;
	_ =	sdelay $0x2  }
0x3f: {  	v2 =	vor.u32 $0x1, v1;
	_ =	sdelay $0x1  }
0x40: {  	v3 =	vld.idx.msk [tilespmem:v1+s14+$0x0], $0xffff  }
0x41: {  	v7 =	vor.u32 $0x2, v1;
	v4 =	vld.idx.msk [tilespmem:v1+s15+$0x0], $0xffff  }
0x42: {  	v5 =	vld.idx.msk [tilespmem:v1+s16+$0x0], $0xffff  }
0x43: {  	v6 =	vld.idx.msk [tilespmem:v2+s14+$0x0], $0xffff  }
0x44: {  	v12 =	vor.u32 $0x3, v1;
	v8 =	vld.idx.msk [tilespmem:v2+s15+$0x0], $0xffff  }
0x45: {  	v2 =	vld.idx.msk [tilespmem:v2+s16+$0x0], $0xffff  }
0x46: {  	v43 =	vld.idx.msk [tilespmem:v7+s14+$0x0], $0xffff  }
0x47: {  	v18 =	vor.u32 $0x4, v1;
	v16 =	vld.idx.msk [tilespmem:v7+s15+$0x0], $0xffff;
	v9 =	vmul.f32 v3, v3  }
0x48: {  	v7 =	vld.idx.msk [tilespmem:v7+s16+$0x0], $0xffff;
	v10 =	vmul.f32 v4, v4;
	v11 =	vmul.f32 v5, v3  }
0x49: {  	v17 =	vld.idx.msk [tilespmem:v12+s14+$0x0], $0xffff;
	v13 =	vmul.f32 v5, v4;
	v3 =	vmul.f32 v4, v3  }
0x4a: {  	v53 =	vor.u32 $0x5, v1;
	v47 =	vld.idx.msk [tilespmem:v12+s15+$0x0], $0xffff;
	v5 =	vmul.f32 v5, v5;
	v14 =	vmul.f32 v6, v6  }
0x4b: {  	v51 =	vld.idx.msk [tilespmem:v12+s16+$0x0], $0xffff;
	v15 =	vmul.f32 v8, v8;
	v44 =	vmul.f32 v2, v2  }
0x4c: {  	v54 =	vld.idx.msk [tilespmem:v18+s14+$0x0], $0xffff;
	v45 =	vmul.f32 v2, v6;
	v2 =	vmul.f32 v2, v8  }
0x4d: {  	v57 =	vld.idx.msk [tilespmem:v18+s15+$0x0], $0xffff;
	v6 =	vmul.f32 v8, v6;
	v46 =	vmul.f32 v43, v43  }
0x4e: {  	v63 =	vor.u32 $0x6, v1;
	v58 =	vld.idx.msk [tilespmem:v18+s16+$0x0], $0xffff;
	v48 =	vmul.f32 v16, v16;
	v50 =	vmul.f32 v7, v7  }
0x4f: {  	v62 =	vld.idx.msk [tilespmem:v53+s14+$0x0], $0xffff;
	v52 =	vmul.f32 v7, v43;
	v7 =	vmul.f32 v7, v16  }
0x50: {  	v23 =	vld.idx.msk [tilespmem:v53+s15+$0x0], $0xffff;
	v4 =	vmul.f32 v16, v43;
	v55 =	vmul.f32 v17, v17  }
0x51: {  	v26 =	vld.idx.msk [tilespmem:v53+s16+$0x0], $0xffff;
	v56 =	vmul.f32 v47, v47;
	v60 =	vmul.f32 v51, v51  }
0x52: {  	v61 =	vmul.f32 v51, v17;
	v21 =	vmul.f32 v47, v17  }
0x53: {  	v29 =	vld.idx.msk [tilespmem:v63+s14+$0x0], $0xffff;
	v22 =	vmul.f32 v54, v54;
	v24 =	vmul.f32 v57, v57  }
0x54: {  	v28 =	vor.u32 $0x7, v1;
	v32 =	vld.idx.msk [tilespmem:v63+s15+$0x0], $0xffff;
	v25 =	vmul.f32 v58, v58;
	v27 =	vmul.f32 v58, v54  }
0x55: {  	v33 =	vld.idx.msk [tilespmem:v63+s16+$0x0], $0xffff;
	v8 =	vmul.f32 v57, v54;
	v30 =	vmul.f32 v62, v62  }
0x56: {  	v37 =	vor.u32 $0x8, v1;
	v31 =	vmul.f32 v23, v23;
	v34 =	vmul.f32 v26, v26  }
0x57: {  	v63 =	vor.u32 $0xB, v1;
	v35 =	vmul.f32 v26, v62;
	v12 =	vmul.f32 v26, v23  }
0x58: {  	v38 =	vmul.f32 v23, v62;
	v39 =	vmul.f32 v29, v29;
	v11 =	vadd.f32 $0.0e+00, v11  }
0x59: {  	v36 =	vld.idx.msk [tilespmem:v28+s14+$0x0], $0xffff;
	v41 =	vmul.f32 v32, v32;
	v13 =	vadd.f32 $0.0e+00, v13;
	v3 =	vadd.f32 $0.0e+00, v3  }
0x5a: {  	v42 =	vmul.f32 v33, v33;
	v9 =	vadd.f32 v14, v9;
	v10 =	vadd.f32 v15, v10  }
0x5b: {  	v40 =	vld.idx.msk [tilespmem:v28+s15+$0x0], $0xffff;
	v5 =	vadd.f32 v44, v5;
	v44 =	vmul.f32 v33, v29;
	v11 =	vadd.f32 v45, v11  }
0x5c: {  	v43 =	vld.idx.msk [tilespmem:v28+s16+$0x0], $0xffff;
	v2 =	vadd.f32 v2, v13;
	v3 =	vadd.f32 v6, v3;
	v45 =	vor.u32 $0x9, v1  }
0x5d: {  	v49 =	vadd.f32 v46, v9;
	v10 =	vadd.f32 v48, v10;
	v9 =	vmul.f32 v51, v47;
	v47 =	vld.idx.msk [tilespmem:v37+s14+$0x0], $0xffff  }
0x5e: {  	v5 =	vadd.f32 v50, v5;
	v46 =	vmul.f32 v32, v29;
	v48 =	vmul.f32 v36, v36;
	v50 =	vld.idx.msk [tilespmem:v37+s15+$0x0], $0xffff  }
0x5f: {  	v51 =	vld.idx.msk [tilespmem:v37+s16+$0x0], $0xffff;
	v29 =	vor.u32 $0xC, v1;
	v37 =	vor.u32 $0xD, v1;
	v11 =	vadd.f32 v52, v11  }
0x60: {  	v2 =	vadd.f32 v7, v2;
	v3 =	vadd.f32 v4, v3;
	v4 =	vmul.f32 v58, v57  }
0x61: {  	v52 =	vmul.f32 v43, v43;
	v6 =	vadd.f32 v55, v49;
	v59 =	vadd.f32 v56, v10  }
0x62: {  	v53 =	vmul.f32 v43, v36;
	v5 =	vadd.f32 v60, v5;
	v11 =	vadd.f32 v61, v11  }
0x63: {  	v49 =	vmul.f32 v40, v40;
	v2 =	vadd.f32 v9, v2;
	v3 =	vadd.f32 v21, v3  }
0x64: {  	v55 =	vor.u32 $0xA, v1;
	v6 =	vadd.f32 v22, v6;
	v7 =	vadd.f32 v24, v59  }
0x65: {  	v28 =	vld.idx.msk [tilespmem:v63+s14+$0x0], $0xffff;
	v56 =	vmul.f32 v40, v36;
	v5 =	vadd.f32 v25, v5;
	v9 =	vadd.f32 v27, v11  }
0x66: {  	v54 =	vld.idx.msk [tilespmem:v45+s14+$0x0], $0xffff;
	v2 =	vadd.f32 v4, v2;
	v4 =	vmul.f32 v33, v32;
	v57 =	vmul.f32 v47, v47  }
0x67: {  	v58 =	vld.idx.msk [tilespmem:v45+s15+$0x0], $0xffff;
	v3 =	vadd.f32 v8, v3;
	v59 =	vmul.f32 v50, v50;
	v60 =	vmul.f32 v51, v51  }
0x68: {  	v61 =	vld.idx.msk [tilespmem:v45+s16+$0x0], $0xffff;
	v62 =	vmul.f32 v51, v47;
	v6 =	vadd.f32 v30, v6;
	v7 =	vadd.f32 v31, v7  }
0x69: {  	v20 =	vmul.f32 v50, v47;
	v32 =	vld.idx.msk [tilespmem:v63+s15+$0x0], $0xffff;
	v5 =	vadd.f32 v34, v5;
	v9 =	vadd.f32 v35, v9  }
0x6a: {  	v47 =	vor.u32 $0xE, v1;
	v2 =	vadd.f32 v12, v2;
	v3 =	vadd.f32 v38, v3;
	v21 =	vld.idx.msk [tilespmem:v55+s14+$0x0], $0xffff  }
0x6b: {  	v12 =	vmul.f32 v43, v40;
	v24 =	vld.idx.msk [tilespmem:v55+s15+$0x0], $0xffff;
	v40 =	vmul.f32 v28, v28;
	v6 =	vadd.f32 v39, v6  }
0x6c: {  	v25 =	vld.idx.msk [tilespmem:v55+s16+$0x0], $0xffff;
	v55 =	vor.u32 $0xF, v1;
	v7 =	vadd.f32 v41, v7;
	v5 =	vadd.f32 v42, v5  }
0x6d: {  	v9 =	vadd.f32 v44, v9;
	v2 =	vadd.f32 v4, v2;
	v4 =	vmul.f32 v51, v50  }
0x6e: {  	v3 =	vadd.f32 v46, v3;
	v22 =	vmul.f32 v54, v54;
	v23 =	vmul.f32 v58, v58  }
0x6f: {  	v26 =	vmul.f32 v61, v61;
	v27 =	vmul.f32 v61, v54;
	v6 =	vadd.f32 v48, v6  }
0x70: {  	v35 =	vld.idx.msk [tilespmem:v63+s16+$0x0], $0xffff;
	v30 =	vmul.f32 v58, v54;
	v7 =	vadd.f32 v49, v7;
	v5 =	vadd.f32 v52, v5  }
0x71: {  	v43 =	vld.idx.msk [tilespmem:v29+s16+$0x0], $0xffff;
	v41 =	vmul.f32 v32, v32;
	v48 =	vmul.f32 v32, v28;
	v9 =	vadd.f32 v53, v9  }
0x72: {  	v39 =	vld.idx.msk [tilespmem:v29+s14+$0x0], $0xffff;
	v2 =	vadd.f32 v12, v2;
	v3 =	vadd.f32 v56, v3;
	v12 =	vmul.f32 v61, v58  }
0x73: {  	v42 =	vld.idx.msk [tilespmem:v29+s15+$0x0], $0xffff;
	v6 =	vadd.f32 v57, v6;
	v31 =	vmul.f32 v21, v21;
	v33 =	vmul.f32 v24, v24  }
0x74: {  	v46 =	vld.idx.msk [tilespmem:v37+s14+$0x0], $0xffff;
	v7 =	vadd.f32 v59, v7;
	v34 =	vmul.f32 v25, v25;
	v36 =	vmul.f32 v25, v21  }
0x75: {  	v50 =	vld.idx.msk [tilespmem:v37+s15+$0x0], $0xffff;
	v5 =	vadd.f32 v60, v5;
	v38 =	vmul.f32 v24, v21;
	v44 =	vmul.f32 v35, v35  }
0x76: {  	v45 =	vmul.f32 v35, v28;
	v52 =	vmul.f32 v43, v43;
	v9 =	vadd.f32 v62, v9  }
0x77: {  	v2 =	vadd.f32 v4, v2;
	v4 =	vmul.f32 v25, v24;
	v49 =	vmul.f32 v39, v39  }
0x78: {  	v53 =	vld.idx.msk [tilespmem:v37+s16+$0x0], $0xffff;
	v3 =	vadd.f32 v20, v3;
	v51 =	vmul.f32 v42, v42;
	v54 =	vmul.f32 v43, v39  }
0x79: {  	v61 =	vld.idx.msk [tilespmem:v47+s16+$0x0], $0xffff;
	v56 =	vmul.f32 v42, v39;
	v6 =	vadd.f32 v22, v6;
	v7 =	vadd.f32 v23, v7  }
0x7a: {  	v57 =	vld.idx.msk [tilespmem:v47+s14+$0x0], $0xffff;
	v5 =	vadd.f32 v26, v5;
	v58 =	vmul.f32 v46, v46;
	v59 =	vmul.f32 v50, v50  }
0x7b: {  	v60 =	vld.idx.msk [tilespmem:v47+s15+$0x0], $0xffff;
	v22 =	vor.u32 $0x10, v1;
	v23 =	vmul.f32 v50, v46;
	v9 =	vadd.f32 v27, v9  }
0x7c: {  	v21 =	vld.idx.msk [tilespmem:v55+s14+$0x0], $0xffff;
	v2 =	vadd.f32 v12, v2;
	v3 =	vadd.f32 v30, v3;
	v12 =	vmul.f32 v35, v32  }
0x7d: {  	v28 =	vld.idx.msk [tilespmem:v55+s16+$0x0], $0xffff;
	v30 =	vor.u32 $0x11, v1;
	v6 =	vadd.f32 v31, v6;
	v7 =	vadd.f32 v33, v7  }
0x7e: {  	v5 =	vadd.f32 v34, v5;
	v62 =	vmul.f32 v53, v53;
	v63 =	vmul.f32 v53, v46  }
0x7f: {  	v25 =	vld.idx.msk [tilespmem:v55+s15+$0x0], $0xffff;
	v27 =	vmul.f32 v61, v61;
	v2 =	vadd.f32 v4, v2;
	v4 =	vmul.f32 v43, v42  }
0x80: {  	v9 =	vadd.f32 v36, v9;
	v24 =	vmul.f32 v57, v57;
	v26 =	vmul.f32 v60, v60  }
0x81: {  	v3 =	vadd.f32 v38, v3;
	v29 =	vmul.f32 v61, v57;
	v31 =	vmul.f32 v60, v57  }
0x82: {  	v33 =	vmul.f32 v21, v21;
	v37 =	vmul.f32 v28, v28;
	v6 =	vadd.f32 v40, v6  }
0x83: {  	v38 =	vmul.f32 v28, v21;
	v7 =	vadd.f32 v41, v7;
	v5 =	vadd.f32 v44, v5;
	v32 =	vld.idx.msk [tilespmem:v22+s14+$0x0], $0xffff  }
0x84: {  	v34 =	vmul.f32 v25, v25;
	v40 =	vor.u32 $0x12, v1;
	v9 =	vadd.f32 v45, v9;
	v35 =	vld.idx.msk [tilespmem:v22+s15+$0x0], $0xffff  }
0x85: {  	v41 =	vmul.f32 v25, v21;
	v2 =	vadd.f32 v12, v2;
	v3 =	vadd.f32 v48, v3;
	v36 =	vld.idx.msk [tilespmem:v22+s16+$0x0], $0xffff  }
0x86: {  	v12 =	vmul.f32 v53, v50;
	v6 =	vadd.f32 v49, v6;
	v7 =	vadd.f32 v51, v7;
	v39 =	vld.idx.msk [tilespmem:v30+s14+$0x0], $0xffff  }
0x87: {  	v48 =	vor.u32 $0x13, v1;
	v5 =	vadd.f32 v52, v5;
	v43 =	vld.idx.msk [tilespmem:v30+s15+$0x0], $0xffff;
	v9 =	vadd.f32 v54, v9  }
0x88: {  	v46 =	vld.idx.msk [tilespmem:v30+s16+$0x0], $0xffff;
	v30 =	vor.u32 $0x16, v1;
	v2 =	vadd.f32 v4, v2;
	v3 =	vadd.f32 v56, v3  }
0x89: {  	v4 =	vmul.f32 v61, v60;
	v6 =	vadd.f32 v58, v6;
	v7 =	vadd.f32 v59, v7  }
0x8a: {  	v5 =	vadd.f32 v62, v5;
	v58 =	vor.u32 $0x14, v1;
	v9 =	vadd.f32 v63, v9  }
0x8b: {  	v2 =	vadd.f32 v12, v2;
	v3 =	vadd.f32 v23, v3;
	v12 =	vmul.f32 v28, v25  }
0x8c: {  	v23 =	vor.u32 $0x15, v1;
	v6 =	vadd.f32 v24, v6;
	v42 =	vmul.f32 v32, v32  }
0x8d: {  	v7 =	vadd.f32 v26, v7;
	v44 =	vmul.f32 v35, v35;
	v45 =	vmul.f32 v36, v36  }
0x8e: {  	v5 =	vadd.f32 v27, v5;
	v47 =	vmul.f32 v36, v32;
	v49 =	vmul.f32 v35, v32  }
0x8f: {  	v50 =	vld.idx.msk [tilespmem:v40+s14+$0x0], $0xffff;
	v9 =	vadd.f32 v29, v9;
	v2 =	vadd.f32 v4, v2;
	v4 =	vmul.f32 v36, v35  }
0x90: {  	v53 =	vld.idx.msk [tilespmem:v40+s15+$0x0], $0xffff;
	v3 =	vadd.f32 v31, v3;
	v51 =	vmul.f32 v39, v39;
	v52 =	vmul.f32 v43, v43  }
0x91: {  	v54 =	vld.idx.msk [tilespmem:v40+s16+$0x0], $0xffff;
	v55 =	vmul.f32 v46, v46;
	v6 =	vadd.f32 v33, v6;
	v7 =	vadd.f32 v34, v7  }
0x92: {  	v57 =	vld.idx.msk [tilespmem:v48+s14+$0x0], $0xffff;
	v56 =	vmul.f32 v46, v39;
	v5 =	vadd.f32 v37, v5;
	v9 =	vadd.f32 v38, v9  }
0x93: {  	v61 =	vld.idx.msk [tilespmem:v48+s15+$0x0], $0xffff;
	v59 =	vmul.f32 v43, v39;
	v2 =	vadd.f32 v12, v2;
	v3 =	vadd.f32 v41, v3  }
0x94: {  	v63 =	vld.idx.msk [tilespmem:v48+s16+$0x0], $0xffff;
	v12 =	vmul.f32 v46, v43;
	v43 =	vor.u32 $0x18, v1;
	v6 =	vadd.f32 v42, v6  }
0x95: {  	v40 =	vld.idx.msk [tilespmem:v30+s14+$0x0], $0xffff;
	v7 =	vadd.f32 v44, v7;
	v60 =	vmul.f32 v50, v50;
	v62 =	vmul.f32 v53, v53  }
0x96: {  	v5 =	vadd.f32 v45, v5;
	v19 =	vmul.f32 v54, v54;
	v20 =	vmul.f32 v54, v50;
	v42 =	vld.idx.msk [tilespmem:v30+s15+$0x0], $0xffff  }
0x97: {  	v21 =	vmul.f32 v53, v50;
	v45 =	vld.idx.msk [tilespmem:v30+s16+$0x0], $0xffff;
	v30 =	vor.u32 $0x1E, v1;
	v9 =	vadd.f32 v47, v9  }
0x98: {  	v22 =	vld.idx.msk [tilespmem:v58+s14+$0x0], $0xffff;
	v2 =	vadd.f32 v4, v2;
	v4 =	vmul.f32 v54, v53;
	v24 =	vmul.f32 v57, v57  }
0x99: {  	v25 =	vld.idx.msk [tilespmem:v58+s15+$0x0], $0xffff;
	v3 =	vadd.f32 v49, v3;
	v26 =	vmul.f32 v61, v61;
	v27 =	vmul.f32 v63, v63  }
0x9a: {  	v28 =	vld.idx.msk [tilespmem:v58+s16+$0x0], $0xffff;
	v29 =	vmul.f32 v63, v57;
	v6 =	vadd.f32 v51, v6;
	v7 =	vadd.f32 v52, v7  }
0x9b: {  	v31 =	vmul.f32 v63, v61;
	v5 =	vadd.f32 v55, v5;
	v9 =	vadd.f32 v56, v9  }
0x9c: {  	v33 =	vld.idx.msk [tilespmem:v23+s14+$0x0], $0xffff;
	v32 =	vmul.f32 v61, v57;
	v2 =	vadd.f32 v12, v2;
	v3 =	vadd.f32 v59, v3  }
0x9d: {  	v36 =	vld.idx.msk [tilespmem:v23+s15+$0x0], $0xffff;
	v52 =	vmul.f32 v40, v40;
	v6 =	vadd.f32 v60, v6;
	v7 =	vadd.f32 v62, v7  }
0x9e: {  	v38 =	vld.idx.msk [tilespmem:v23+s16+$0x0], $0xffff;
	v5 =	vadd.f32 v19, v5;
	v34 =	vmul.f32 v22, v22;
	v35 =	vmul.f32 v25, v25  }
0x9f: {  	v19 =	vor.u32 $0x17, v1;
	v37 =	vmul.f32 v28, v28;
	v39 =	vmul.f32 v28, v22  }
0xa0: {  	v41 =	vmul.f32 v28, v25;
	v10 =	vmul.f32 v25, v22;
	v22 =	vor.u32 $0x1B, v1  }
0xa1: {  	v28 =	vor.u32 $0x1D, v1;
	v9 =	vadd.f32 v20, v9;
	v2 =	vadd.f32 v4, v2  }
0xa2: {  	v3 =	vadd.f32 v21, v3;
	v44 =	vmul.f32 v33, v33;
	v46 =	vmul.f32 v36, v36  }
0xa3: {  	v20 =	vor.u32 $0x19, v1;
	v48 =	vmul.f32 v38, v38;
	v50 =	vmul.f32 v38, v33  }
0xa4: {  	v12 =	vld.idx.msk [tilespmem:v43+s14+$0x0], $0xffff;
	v21 =	vor.u32 $0x1A, v1;
	v51 =	vmul.f32 v36, v33;
	v4 =	vadd.f32 v24, v6  }
0xa5: {  	v17 =	vld.idx.msk [tilespmem:v43+s15+$0x0], $0xffff;
	v54 =	vmul.f32 v45, v45;
	v7 =	vadd.f32 v26, v7;
	v5 =	vadd.f32 v27, v5  }
0xa6: {  	v16 =	vld.idx.msk [tilespmem:v43+s16+$0x0], $0xffff;
	v13 =	vmul.f32 v45, v42;
	v6 =	vadd.f32 v29, v9;
	v2 =	vadd.f32 v31, v2  }
0xa7: {  	v14 =	vmul.f32 v42, v40;
	v3 =	vadd.f32 v32, v3;
	v4 =	vadd.f32 v34, v4;
	v47 =	vld.idx.msk [tilespmem:v19+s14+$0x0], $0xffff  }
0xa8: {  	v24 =	vor.u32 $0x1C, v1;
	v7 =	vadd.f32 v35, v7;
	v5 =	vadd.f32 v37, v5;
	v49 =	vld.idx.msk [tilespmem:v19+s15+$0x0], $0xffff  }
0xa9: {  	v15 =	vld.idx.msk [tilespmem:v30+s14+$0x0], $0xffff;
	v9 =	vmul.f32 v38, v36;
	v6 =	vadd.f32 v39, v6;
	v2 =	vadd.f32 v41, v2  }
0xaa: {  	v31 =	vmul.f32 v45, v40;
	v3 =	vadd.f32 v10, v3;
	v19 =	vld.idx.msk [tilespmem:v19+s16+$0x0], $0xffff;
	v4 =	vadd.f32 v44, v4  }
0xab: {  	v7 =	vadd.f32 v46, v7;
	v10 =	vld.idx.msk [tilespmem:v20+s14+$0x0], $0xffff;
	v9 =	vadd.f32 v9, v2;
	v2 =	vmul.f32 v42, v42  }
0xac: {  	v55 =	vmul.f32 v12, v12;
	v23 =	vld.idx.msk [tilespmem:v20+s15+$0x0], $0xffff;
	v4 =	vadd.f32 v52, v4;
	v53 =	vmul.f32 v47, v47  }
0xad: {  	v5 =	vadd.f32 v48, v5;
	v26 =	vld.idx.msk [tilespmem:v21+s14+$0x0], $0xffff;
	v2 =	vadd.f32 v2, v7;
	v25 =	vmul.f32 v49, v49  }
0xae: {  	v56 =	vmul.f32 v17, v17;
	v27 =	vld.idx.msk [tilespmem:v21+s15+$0x0], $0xffff;
	v6 =	vadd.f32 v50, v6;
	v4 =	vadd.f32 v53, v4  }
0xaf: {  	v46 =	vmul.f32 v16, v16;
	v3 =	vadd.f32 v51, v3;
	v2 =	vadd.f32 v25, v2;
	v25 =	vld.idx.msk [tilespmem:v22+s14+$0x0], $0xffff  }
0xb0: {  	v29 =	vld.idx.msk [tilespmem:v22+s15+$0x0], $0xffff;
	v42 =	vmul.f32 v15, v15;
	v57 =	vmul.f32 v10, v10;
	v4 =	vadd.f32 v55, v4  }
0xb1: {  	v33 =	vld.idx.msk [tilespmem:v24+s14+$0x0], $0xffff;
	v50 =	vmul.f32 v16, v12;
	v32 =	vmul.f32 v23, v23;
	v7 =	vadd.f32 v56, v2  }
0xb2: {  	v34 =	vld.idx.msk [tilespmem:v24+s15+$0x0], $0xffff;
	v58 =	vmul.f32 v26, v26;
	v2 =	vor.u32 $0x1F, v1;
	v4 =	vadd.f32 v57, v4  }
0xb3: {  	v6 =	vadd.f32 v31, v6;
	v31 =	vld.idx.msk [tilespmem:v28+s14+$0x0], $0xffff;
	v59 =	vmul.f32 v27, v27;
	v1 =	vadd.f32 v32, v7  }
0xb4: {  	v12 =	vmul.f32 v17, v12;
	v32 =	vld.idx.msk [tilespmem:v28+s15+$0x0], $0xffff;
	v60 =	vmul.f32 v25, v25;
	v4 =	vadd.f32 v58, v4  }
0xb5: {  	v5 =	vadd.f32 v54, v5;
	v61 =	vmul.f32 v29, v29;
	v1 =	vadd.f32 v59, v1  }
0xb6: {  	v9 =	vadd.f32 v13, v9;
	v13 =	vld.idx.msk [tilespmem:v30+s15+$0x0], $0xffff;
	v62 =	vmul.f32 v33, v33;
	v4 =	vadd.f32 v60, v4  }
0xb7: {  	v3 =	vadd.f32 v14, v3;
	v63 =	vmul.f32 v34, v34;
	v7 =	vadd.f32 v61, v1;
	v1 =	vld.idx.msk [tilespmem:v2+s14+$0x0], $0xffff  }
0xb8: {  	v35 =	vmul.f32 v19, v19;
	v40 =	vmul.f32 v31, v31;
	v36 =	vld.idx.msk [tilespmem:v2+s15+$0x0], $0xffff;
	v4 =	vadd.f32 v62, v4  }
0xb9: {  	v37 =	vmul.f32 v19, v47;
	v41 =	vmul.f32 v32, v32;
	v7 =	vadd.f32 v63, v7  }
0xba: {  	v19 =	vmul.f32 v19, v49;
	v11 =	vmul.f32 v49, v47;
	v4 =	vadd.f32 v40, v4  }
0xbb: {  	v47 =	vld.idx.msk [tilespmem:v20+s16+$0x0], $0xffff;
	v5 =	vadd.f32 v35, v5;
	v43 =	vmul.f32 v13, v13;
	v7 =	vadd.f32 v41, v7  }
0xbc: {  	v6 =	vadd.f32 v37, v6;
	v44 =	vmul.f32 v1, v1;
	v4 =	vadd.f32 v42, v4  }
0xbd: {  	v9 =	vadd.f32 v19, v9;
	v45 =	vmul.f32 v36, v36;
	v7 =	vadd.f32 v43, v7  }
0xbe: {  	v52 =	vmul.f32 v16, v17;
	v3 =	vadd.f32 v11, v3;
	v4 =	vadd.f32 v44, v4  }
0xbf: {  	v35 =	vmul.f32 v27, v26;
	v37 =	vld.idx.msk [tilespmem:v24+s16+$0x0], $0xffff;
	v5 =	vadd.f32 v46, v5;
	v7 =	vadd.f32 v45, v7  }
0xc0: {  	v56 =	vmul.f32 v47, v47;
	v57 =	vmul.f32 v47, v10;
	v48 =	vshrl.u32 v4, $0x1  }
0xc1: {  	v54 =	vld.idx.msk [tilespmem:v21+s16+$0x0], $0xffff;
	v18 =	vmul.f32 $5.000000000e-01, v4;
	v49 =	vshrl.u32 v7, $0x1;
	v20 =	vmul.f32 $5.000000000e-01, v7  }
0xc2: {  	v10 =	vmul.f32 v23, v10;
	v14 =	vsub.s32 $0x5F3759DF, v48;
	v19 =	vsub.s32 $0x5F3759DF, v49  }
0xc3: {  	v6 =	vadd.f32 v50, v6;
	v51 =	vmul.f32 v14, v18;
	v53 =	vmul.f32 v19, v20  }
0xc4: {  	v8 =	vadd.f32 v52, v9;
	v46 =	vmul.f32 v37, v34;
	v58 =	vmul.f32 v47, v23  }
0xc5: {  	v3 =	vadd.f32 v12, v3;
	v61 =	vld.idx.msk [tilespmem:v22+s16+$0x0], $0xffff;
	v55 =	vmul.f32 v14, v51;
	v16 =	vmul.f32 v19, v53  }
0xc6: {  	v5 =	vadd.f32 v56, v5;
	v47 =	vmul.f32 v34, v33;
	v22 =	vmul.f32 v54, v27  }
0xc7: {  	v2 =	vld.idx.msk [tilespmem:v2+s16+$0x0], $0xffff;
	v62 =	vmul.f32 v54, v54;
	v21 =	vsub.f32 $1.500000000e+00, v55;
	v59 =	vsub.f32 $1.500000000e+00, v16  }
0xc8: {  	v6 =	vadd.f32 v57, v6;
	v63 =	vmul.f32 v54, v26;
	v54 =	vmul.f32 v32, v31  }
0xc9: {  	v3 =	vadd.f32 v10, v3;
	v60 =	vmul.f32 v14, v21;
	v11 =	vmul.f32 v19, v59  }
0xca: {  	v8 =	vadd.f32 v58, v8;
	v38 =	vmul.f32 v61, v61;
	v39 =	vmul.f32 v61, v25  }
0xcb: {  	v3 =	vadd.f32 v35, v3;
	v21 =	vmul.f32 v60, v18;
	v23 =	vmul.f32 v11, v20  }
0xcc: {  	v8 =	vadd.f32 v22, v8;
	v40 =	vmul.f32 v61, v29;
	v61 =	vmul.f32 v2, v1  }
0xcd: {  	v5 =	vadd.f32 v62, v5;
	v16 =	vmul.f32 v21, v60;
	v17 =	vmul.f32 v23, v11  }
0xce: {  	v6 =	vadd.f32 v63, v6;
	v62 =	vmul.f32 v2, v2;
	v2 =	vmul.f32 v2, v36  }
0xcf: {  	v41 =	vld.idx.msk [tilespmem:v28+s16+$0x0], $0xffff;
	v42 =	vmul.f32 v29, v25;
	v16 =	vsub.f32 $1.500000000e+00, v16;
	v17 =	vsub.f32 $1.500000000e+00, v17  }
0xd0: {  	v5 =	vadd.f32 v38, v5;
	v8 =	vadd.f32 v40, v8;
	v44 =	vmul.f32 v37, v37  }
0xd1: {  	v6 =	vadd.f32 v39, v6;
	v12 =	vmul.f32 v16, v60;
	v43 =	vmul.f32 v17, v11  }
0xd2: {  	v3 =	vadd.f32 v42, v3;
	v45 =	vmul.f32 v37, v33;
	v8 =	vadd.f32 v46, v8;
	v48 =	vld.idx.msk [tilespmem:v30+s16+$0x0], $0xffff  }
0xd3: {  	v5 =	vadd.f32 v44, v5;
	v18 =	vmul.f32 v12, v18;
	v50 =	vmul.f32 v43, v20  }
0xd4: {  	v52 =	vmul.f32 v41, v31;
	v6 =	vadd.f32 v45, v6;
	v3 =	vadd.f32 v47, v3  }
0xd5: {  	vm0 =	vgt.f32 v4, $1.000000000e+00;
	v51 =	vmul.f32 v18, v12;
	v53 =	vmul.f32 v50, v43  }
0xd6: {  	vm14 =	vgt.f32 v7, $1.000000000e+00;
	v49 =	vmul.f32 v41, v41;
	v6 =	vadd.f32 v52, v6  }
0xd7: {  	v55 =	vmul.f32 v48, v48;
	v11 =	vsub.f32 $1.500000000e+00, v51;
	v16 =	vsub.f32 $1.500000000e+00, v53  }
0xd8: {  	v5 =	vadd.f32 v49, v5;
	v56 =	vmul.f32 v48, v15;
	v14 =	vmul.f32 v41, v32  }
0xd9: {  	v3 =	vadd.f32 v54, v3;
	v11 =	vmul.f32 v11, v12;
	v9 =	vmul.f32 v16, v43  }
0xda: {  	v57 =	vmul.f32 v48, v13;
	v5 =	vadd.f32 v55, v5;
	v59 =	vmul.f32 v13, v15  }
0xdb: {  	v8 =	vadd.f32 v14, v8;
	v11 =	vnsel vm0, $0x3F800000, v11;
	v9 =	vnsel vm14, $0x3F800000, v9  }
0xdc: {  	v6 =	vadd.f32 v56, v6;
	v58 =	vmul.f32 v11, v11;
	v60 =	vmul.f32 v9, v9  }
0xdd: {  	v1 =	vmul.f32 v36, v1;
	v3 =	vadd.f32 v59, v3;
	v8 =	vadd.f32 v57, v8  }
0xde: {  	v6 =	vadd.f32 v61, v6;
	v4 =	vmul.f32 v58, v4;
	v7 =	vmul.f32 v60, v7  }
0xdf: {  	v5 =	vadd.f32 v62, v5;
	v2 =	vadd.f32 v2, v8  }
0xe0: {  	v1 =	vadd.f32 v1, v3;
	v3 =	vmul.f32 v11, v6;
	v4 =	vadd.f32 v7, v4  }
0xe1: {  	v2 =	vmul.f32 v9, v2  }
0xe2: {  	v1 =	vmul.f32 v9, v1;
	v3 =	vadd.f32 v3, v3;
	v4 =	vadd.f32 v4, v5;
	_ =	sdelay $0x1  }
0xe3: {  	v2 =	vadd.f32 v2, v2;
	v1 =	vmul.f32 v1, v11;
	v3 =	vadd.f32 v4, v3;
	_ =	sdelay $0x1  }
0xe4: {  	v1 =	vadd.f32 v1, v1;
	v2 =	vsub.f32 v3, v2;
	_ =	sdelay $0x1  }
0xe5: {  	v1 =	vsub.f32 v2, v1;
	_ =	sdelay $0x1  }
0xe6: {  	v1 =	vmax.f32 v1, $0.0e+00  }
0xe7: {  	v2 =	vshrl.u32 v1, $0x1;
	v3 =	vmul.f32 $5.000000000e-01, v1  }
0xe8: {  	v2 =	vsub.s32 $0x5F3759DF, v2  }
0xe9: {  	v63 =	vmul.f32 v2, v3;
	_ =	sdelay $0x1  }
0xea: {  	v4 =	vmul.f32 v2, v63;
	_ =	sdelay $0x1  }
0xeb: {  	v4 =	vsub.f32 $1.500000000e+00, v4;
	_ =	sdelay $0x1  }
0xec: {  	v2 =	vmul.f32 v2, v4;
	_ =	sdelay $0x1  }
0xed: {  	v4 =	vmul.f32 v2, v3;
	_ =	sdelay $0x1  }
0xee: {  	v4 =	vmul.f32 v4, v2;
	_ =	sdelay $0x1  }
0xef: {  	v4 =	vsub.f32 $1.500000000e+00, v4;
	_ =	sdelay $0x1  }
0xf0: {  	v2 =	vmul.f32 v4, v2;
	_ =	sdelay $0x1  }
0xf1: {  	v3 =	vmul.f32 v2, v3;
	_ =	sdelay $0x1  }
0xf2: {  	v3 =	vmul.f32 v3, v2;
	_ =	sdelay $0x1  }
0xf3: {  	v3 =	vsub.f32 $1.500000000e+00, v3;
	_ =	sdelay $0x1  }
0xf4: {  	v2 =	vmul.f32 v3, v2;
	_ =	sdelay $0x1  }
0xf5: {  	p0 =	sne.s32 s2, $0xF0;
	v2 =	vmul.f32 v2, v1  }
.Ltmp0:
0xf6: {  	_ = 	snop;
	(pc) =	sbr.rel @p0 .LBB2_2-.Ltmp0, $4  }
0xf7: {  	v2 =	vsub.f32 $0.0e+00, v2  }
0xf8: {  	vm15 =	vgt.f32 v1, $0.0e+00  }
0xf9: {  	v1 =	vnsel vm15, $0x0, v2  }
0xfa: {  	s2 =	sadd.s32 $0x10, s2;
	[tilespmem:s0+$0x0] =	vst v1;
	s0 =	sadd.s32 $0x10, s0  }
0xfb: {  	[tilespmem:s14], [sflag:$0x1] =	stream.indirect.gather [hbm4b:s3+s13], $0x80, s23, s13, $0xb8;
	[tilespmem:$0x18800] =	vst v63  }
0xfc: {  	_ = 	snop  }
0xfd: {  	[tilespmem:s15], [sflag:$0x1] =	stream.indirect.gather [hbm4b:s3+s13], $0x80, s24, s13, $0xb8;
	[tilespmem:$0x18800] =	vst v63  }
0xfe: {  	_ = 	snop  }
0xff: {  	[tilespmem:s16], [sflag:$0x1] =	stream.indirect.gather [hbm4b:s4+s13], $0x80, s25, s13, $0xb8;
	[tilespmem:$0x18800] =	vst v63  }
0x100: {  	_ = 	snop  }
0x101: {  	[tilespmem:s17], [sflag:$0x1] =	stream.indirect.gather [hbm4b:s3+s13], $0x80, s26, s13, $0xb8;
	[tilespmem:$0x18800] =	vst v63  }
0x102: {  	_ = 	snop  }
0x103: {  	[tilespmem:s19], [sflag:$0x1] =	stream.indirect.gather [hbm4b:s3+s13], $0x80, s28, s13, $0xb8;
	[tilespmem:$0x18800] =	vst v63  }
0x104: {  	_ = 	snop  }
0x105: {  	[tilespmem:s21], [sflag:$0x1] =	stream.indirect.gather [hbm4b:s4+s13], $0x80, s29, s13, $0xb8;
	[tilespmem:$0x18800] =	vst v63  }
0x106: {  	_ =	swait.ge [sflag:s22], $0x4000  }
0x107: {  	[sflag:s22] =	ssyncset.done $0x0  }
0x108: {  	[sflag:s22] =	ssyncadd.s32 $0xFFFFC000  }
0x109: {  	_ =	swait.ge [sflag:s22], $0x4000  }
0x10a: {  	[sflag:s22] =	ssyncset.done $0x0  }
0x10b: {  	[sflag:s22] =	ssyncadd.s32 $0xFFFFC000  }
0x10c: {  	_ =	swait.ge [sflag:s22], $0x4000  }
0x10d: {  	[sflag:s22] =	ssyncset.done $0x0  }
0x10e: {  	[sflag:s22] =	ssyncadd.s32 $0xFFFFC000  }
0x10f: {  	_ =	swait.ge [sflag:s22], $0x4000  }
0x110: {  	[sflag:s22] =	ssyncset.done $0x0  }
0x111: {  	[sflag:s22] =	ssyncadd.s32 $0xFFFFC000  }
0x112: {  	_ =	swait.ge [sflag:s22], $0x4000  }
0x113: {  	[sflag:s22] =	ssyncset.done $0x0  }
0x114: {  	[sflag:s22] =	ssyncadd.s32 $0xFFFFC000  }
0x115: {  	_ =	swait.ge [sflag:s22], $0x4000  }
0x116: {  	[sflag:s22] =	ssyncset.done $0x0  }
0x117: {  	s0 =	simm.s32 $0x0;
	[sflag:s22] =	ssyncadd.s32 $0xFFFFC000  }
.LBB2_4:
0x118: {  	v1 =	vmov s0  }
0x119: {  	v1 =	vshll.u32 v1, $0x7  }
0x11a: {  	v1 =	vor.u32 v0, v1;
	_ =	sdelay $0x2  }
0x11b: {  	v2 =	vor.u32 $0x1, v1;
	_ =	sdelay $0x1  }
0x11c: {  	v3 =	vld.idx.msk [tilespmem:v1+s14+$0x0], $0xffff  }
0x11d: {  	v7 =	vor.u32 $0x2, v1;
	v4 =	vld.idx.msk [tilespmem:v1+s15+$0x0], $0xffff  }
0x11e: {  	v5 =	vld.idx.msk [tilespmem:v1+s16+$0x0], $0xffff  }
0x11f: {  	v6 =	vld.idx.msk [tilespmem:v2+s14+$0x0], $0xffff  }
0x120: {  	v12 =	vor.u32 $0x3, v1;
	v8 =	vld.idx.msk [tilespmem:v2+s15+$0x0], $0xffff  }
0x121: {  	v2 =	vld.idx.msk [tilespmem:v2+s16+$0x0], $0xffff  }
0x122: {  	v43 =	vld.idx.msk [tilespmem:v7+s14+$0x0], $0xffff  }
0x123: {  	v18 =	vor.u32 $0x4, v1;
	v16 =	vld.idx.msk [tilespmem:v7+s15+$0x0], $0xffff;
	v9 =	vmul.f32 v3, v3  }
0x124: {  	v7 =	vld.idx.msk [tilespmem:v7+s16+$0x0], $0xffff;
	v10 =	vmul.f32 v4, v4;
	v11 =	vmul.f32 v5, v3  }
0x125: {  	v17 =	vld.idx.msk [tilespmem:v12+s14+$0x0], $0xffff;
	v13 =	vmul.f32 v5, v4;
	v3 =	vmul.f32 v4, v3  }
0x126: {  	v53 =	vor.u32 $0x5, v1;
	v47 =	vld.idx.msk [tilespmem:v12+s15+$0x0], $0xffff;
	v5 =	vmul.f32 v5, v5;
	v14 =	vmul.f32 v6, v6  }
0x127: {  	v51 =	vld.idx.msk [tilespmem:v12+s16+$0x0], $0xffff;
	v15 =	vmul.f32 v8, v8;
	v44 =	vmul.f32 v2, v2  }
0x128: {  	v54 =	vld.idx.msk [tilespmem:v18+s14+$0x0], $0xffff;
	v45 =	vmul.f32 v2, v6;
	v2 =	vmul.f32 v2, v8  }
0x129: {  	v57 =	vld.idx.msk [tilespmem:v18+s15+$0x0], $0xffff;
	v6 =	vmul.f32 v8, v6;
	v46 =	vmul.f32 v43, v43  }
0x12a: {  	v63 =	vor.u32 $0x6, v1;
	v58 =	vld.idx.msk [tilespmem:v18+s16+$0x0], $0xffff;
	v48 =	vmul.f32 v16, v16;
	v50 =	vmul.f32 v7, v7  }
0x12b: {  	v62 =	vld.idx.msk [tilespmem:v53+s14+$0x0], $0xffff;
	v52 =	vmul.f32 v7, v43;
	v7 =	vmul.f32 v7, v16  }
0x12c: {  	v23 =	vld.idx.msk [tilespmem:v53+s15+$0x0], $0xffff;
	v4 =	vmul.f32 v16, v43;
	v55 =	vmul.f32 v17, v17  }
0x12d: {  	v26 =	vld.idx.msk [tilespmem:v53+s16+$0x0], $0xffff;
	v56 =	vmul.f32 v47, v47;
	v60 =	vmul.f32 v51, v51  }
0x12e: {  	v61 =	vmul.f32 v51, v17;
	v21 =	vmul.f32 v47, v17  }
0x12f: {  	v29 =	vld.idx.msk [tilespmem:v63+s14+$0x0], $0xffff;
	v22 =	vmul.f32 v54, v54;
	v24 =	vmul.f32 v57, v57  }
0x130: {  	v28 =	vor.u32 $0x7, v1;
	v32 =	vld.idx.msk [tilespmem:v63+s15+$0x0], $0xffff;
	v25 =	vmul.f32 v58, v58;
	v27 =	vmul.f32 v58, v54  }
0x131: {  	v33 =	vld.idx.msk [tilespmem:v63+s16+$0x0], $0xffff;
	v8 =	vmul.f32 v57, v54;
	v30 =	vmul.f32 v62, v62  }
0x132: {  	v37 =	vor.u32 $0x8, v1;
	v31 =	vmul.f32 v23, v23;
	v34 =	vmul.f32 v26, v26  }
0x133: {  	v63 =	vor.u32 $0xB, v1;
	v35 =	vmul.f32 v26, v62;
	v12 =	vmul.f32 v26, v23  }
0x134: {  	v38 =	vmul.f32 v23, v62;
	v39 =	vmul.f32 v29, v29;
	v11 =	vadd.f32 $0.0e+00, v11  }
0x135: {  	v36 =	vld.idx.msk [tilespmem:v28+s14+$0x0], $0xffff;
	v41 =	vmul.f32 v32, v32;
	v13 =	vadd.f32 $0.0e+00, v13;
	v3 =	vadd.f32 $0.0e+00, v3  }
0x136: {  	v42 =	vmul.f32 v33, v33;
	v9 =	vadd.f32 v14, v9;
	v10 =	vadd.f32 v15, v10  }
0x137: {  	v40 =	vld.idx.msk [tilespmem:v28+s15+$0x0], $0xffff;
	v5 =	vadd.f32 v44, v5;
	v44 =	vmul.f32 v33, v29;
	v11 =	vadd.f32 v45, v11  }
0x138: {  	v43 =	vld.idx.msk [tilespmem:v28+s16+$0x0], $0xffff;
	v2 =	vadd.f32 v2, v13;
	v3 =	vadd.f32 v6, v3;
	v45 =	vor.u32 $0x9, v1  }
0x139: {  	v49 =	vadd.f32 v46, v9;
	v10 =	vadd.f32 v48, v10;
	v9 =	vmul.f32 v51, v47;
	v47 =	vld.idx.msk [tilespmem:v37+s14+$0x0], $0xffff  }
0x13a: {  	v5 =	vadd.f32 v50, v5;
	v46 =	vmul.f32 v32, v29;
	v48 =	vmul.f32 v36, v36;
	v50 =	vld.idx.msk [tilespmem:v37+s15+$0x0], $0xffff  }
0x13b: {  	v51 =	vld.idx.msk [tilespmem:v37+s16+$0x0], $0xffff;
	v29 =	vor.u32 $0xC, v1;
	v37 =	vor.u32 $0xD, v1;
	v11 =	vadd.f32 v52, v11  }
0x13c: {  	v2 =	vadd.f32 v7, v2;
	v3 =	vadd.f32 v4, v3;
	v4 =	vmul.f32 v58, v57  }
0x13d: {  	v52 =	vmul.f32 v43, v43;
	v6 =	vadd.f32 v55, v49;
	v59 =	vadd.f32 v56, v10  }
0x13e: {  	v53 =	vmul.f32 v43, v36;
	v5 =	vadd.f32 v60, v5;
	v11 =	vadd.f32 v61, v11  }
0x13f: {  	v49 =	vmul.f32 v40, v40;
	v2 =	vadd.f32 v9, v2;
	v3 =	vadd.f32 v21, v3  }
0x140: {  	v55 =	vor.u32 $0xA, v1;
	v6 =	vadd.f32 v22, v6;
	v7 =	vadd.f32 v24, v59  }
0x141: {  	v28 =	vld.idx.msk [tilespmem:v63+s14+$0x0], $0xffff;
	v56 =	vmul.f32 v40, v36;
	v5 =	vadd.f32 v25, v5;
	v9 =	vadd.f32 v27, v11  }
0x142: {  	v54 =	vld.idx.msk [tilespmem:v45+s14+$0x0], $0xffff;
	v2 =	vadd.f32 v4, v2;
	v4 =	vmul.f32 v33, v32;
	v57 =	vmul.f32 v47, v47  }
0x143: {  	v58 =	vld.idx.msk [tilespmem:v45+s15+$0x0], $0xffff;
	v3 =	vadd.f32 v8, v3;
	v59 =	vmul.f32 v50, v50;
	v60 =	vmul.f32 v51, v51  }
0x144: {  	v61 =	vld.idx.msk [tilespmem:v45+s16+$0x0], $0xffff;
	v62 =	vmul.f32 v51, v47;
	v6 =	vadd.f32 v30, v6;
	v7 =	vadd.f32 v31, v7  }
0x145: {  	v20 =	vmul.f32 v50, v47;
	v32 =	vld.idx.msk [tilespmem:v63+s15+$0x0], $0xffff;
	v5 =	vadd.f32 v34, v5;
	v9 =	vadd.f32 v35, v9  }
0x146: {  	v47 =	vor.u32 $0xE, v1;
	v2 =	vadd.f32 v12, v2;
	v3 =	vadd.f32 v38, v3;
	v21 =	vld.idx.msk [tilespmem:v55+s14+$0x0], $0xffff  }
0x147: {  	v12 =	vmul.f32 v43, v40;
	v24 =	vld.idx.msk [tilespmem:v55+s15+$0x0], $0xffff;
	v40 =	vmul.f32 v28, v28;
	v6 =	vadd.f32 v39, v6  }
0x148: {  	v25 =	vld.idx.msk [tilespmem:v55+s16+$0x0], $0xffff;
	v55 =	vor.u32 $0xF, v1;
	v7 =	vadd.f32 v41, v7;
	v5 =	vadd.f32 v42, v5  }
0x149: {  	v9 =	vadd.f32 v44, v9;
	v2 =	vadd.f32 v4, v2;
	v4 =	vmul.f32 v51, v50  }
0x14a: {  	v3 =	vadd.f32 v46, v3;
	v22 =	vmul.f32 v54, v54;
	v23 =	vmul.f32 v58, v58  }
0x14b: {  	v26 =	vmul.f32 v61, v61;
	v27 =	vmul.f32 v61, v54;
	v6 =	vadd.f32 v48, v6  }
0x14c: {  	v35 =	vld.idx.msk [tilespmem:v63+s16+$0x0], $0xffff;
	v30 =	vmul.f32 v58, v54;
	v7 =	vadd.f32 v49, v7;
	v5 =	vadd.f32 v52, v5  }
0x14d: {  	v43 =	vld.idx.msk [tilespmem:v29+s16+$0x0], $0xffff;
	v41 =	vmul.f32 v32, v32;
	v48 =	vmul.f32 v32, v28;
	v9 =	vadd.f32 v53, v9  }
0x14e: {  	v39 =	vld.idx.msk [tilespmem:v29+s14+$0x0], $0xffff;
	v2 =	vadd.f32 v12, v2;
	v3 =	vadd.f32 v56, v3;
	v12 =	vmul.f32 v61, v58  }
0x14f: {  	v42 =	vld.idx.msk [tilespmem:v29+s15+$0x0], $0xffff;
	v6 =	vadd.f32 v57, v6;
	v31 =	vmul.f32 v21, v21;
	v33 =	vmul.f32 v24, v24  }
0x150: {  	v46 =	vld.idx.msk [tilespmem:v37+s14+$0x0], $0xffff;
	v7 =	vadd.f32 v59, v7;
	v34 =	vmul.f32 v25, v25;
	v36 =	vmul.f32 v25, v21  }
0x151: {  	v50 =	vld.idx.msk [tilespmem:v37+s15+$0x0], $0xffff;
	v5 =	vadd.f32 v60, v5;
	v38 =	vmul.f32 v24, v21;
	v44 =	vmul.f32 v35, v35  }
0x152: {  	v45 =	vmul.f32 v35, v28;
	v52 =	vmul.f32 v43, v43;
	v9 =	vadd.f32 v62, v9  }
0x153: {  	v2 =	vadd.f32 v4, v2;
	v4 =	vmul.f32 v25, v24;
	v49 =	vmul.f32 v39, v39  }
0x154: {  	v53 =	vld.idx.msk [tilespmem:v37+s16+$0x0], $0xffff;
	v3 =	vadd.f32 v20, v3;
	v51 =	vmul.f32 v42, v42;
	v54 =	vmul.f32 v43, v39  }
0x155: {  	v61 =	vld.idx.msk [tilespmem:v47+s16+$0x0], $0xffff;
	v56 =	vmul.f32 v42, v39;
	v6 =	vadd.f32 v22, v6;
	v7 =	vadd.f32 v23, v7  }
0x156: {  	v57 =	vld.idx.msk [tilespmem:v47+s14+$0x0], $0xffff;
	v5 =	vadd.f32 v26, v5;
	v58 =	vmul.f32 v46, v46;
	v59 =	vmul.f32 v50, v50  }
0x157: {  	v60 =	vld.idx.msk [tilespmem:v47+s15+$0x0], $0xffff;
	v22 =	vor.u32 $0x10, v1;
	v23 =	vmul.f32 v50, v46;
	v9 =	vadd.f32 v27, v9  }
0x158: {  	v21 =	vld.idx.msk [tilespmem:v55+s14+$0x0], $0xffff;
	v2 =	vadd.f32 v12, v2;
	v3 =	vadd.f32 v30, v3;
	v12 =	vmul.f32 v35, v32  }
0x159: {  	v28 =	vld.idx.msk [tilespmem:v55+s16+$0x0], $0xffff;
	v30 =	vor.u32 $0x11, v1;
	v6 =	vadd.f32 v31, v6;
	v7 =	vadd.f32 v33, v7  }
0x15a: {  	v5 =	vadd.f32 v34, v5;
	v62 =	vmul.f32 v53, v53;
	v63 =	vmul.f32 v53, v46  }
0x15b: {  	v25 =	vld.idx.msk [tilespmem:v55+s15+$0x0], $0xffff;
	v27 =	vmul.f32 v61, v61;
	v2 =	vadd.f32 v4, v2;
	v4 =	vmul.f32 v43, v42  }
0x15c: {  	v9 =	vadd.f32 v36, v9;
	v24 =	vmul.f32 v57, v57;
	v26 =	vmul.f32 v60, v60  }
0x15d: {  	v3 =	vadd.f32 v38, v3;
	v29 =	vmul.f32 v61, v57;
	v31 =	vmul.f32 v60, v57  }
0x15e: {  	v33 =	vmul.f32 v21, v21;
	v37 =	vmul.f32 v28, v28;
	v6 =	vadd.f32 v40, v6  }
0x15f: {  	v38 =	vmul.f32 v28, v21;
	v7 =	vadd.f32 v41, v7;
	v5 =	vadd.f32 v44, v5;
	v32 =	vld.idx.msk [tilespmem:v22+s14+$0x0], $0xffff  }
0x160: {  	v34 =	vmul.f32 v25, v25;
	v40 =	vor.u32 $0x12, v1;
	v9 =	vadd.f32 v45, v9;
	v35 =	vld.idx.msk [tilespmem:v22+s15+$0x0], $0xffff  }
0x161: {  	v41 =	vmul.f32 v25, v21;
	v2 =	vadd.f32 v12, v2;
	v3 =	vadd.f32 v48, v3;
	v36 =	vld.idx.msk [tilespmem:v22+s16+$0x0], $0xffff  }
0x162: {  	v12 =	vmul.f32 v53, v50;
	v6 =	vadd.f32 v49, v6;
	v7 =	vadd.f32 v51, v7;
	v39 =	vld.idx.msk [tilespmem:v30+s14+$0x0], $0xffff  }
0x163: {  	v48 =	vor.u32 $0x13, v1;
	v5 =	vadd.f32 v52, v5;
	v43 =	vld.idx.msk [tilespmem:v30+s15+$0x0], $0xffff;
	v9 =	vadd.f32 v54, v9  }
0x164: {  	v46 =	vld.idx.msk [tilespmem:v30+s16+$0x0], $0xffff;
	v30 =	vor.u32 $0x16, v1;
	v2 =	vadd.f32 v4, v2;
	v3 =	vadd.f32 v56, v3  }
0x165: {  	v4 =	vmul.f32 v61, v60;
	v6 =	vadd.f32 v58, v6;
	v7 =	vadd.f32 v59, v7  }
0x166: {  	v5 =	vadd.f32 v62, v5;
	v58 =	vor.u32 $0x14, v1;
	v9 =	vadd.f32 v63, v9  }
0x167: {  	v2 =	vadd.f32 v12, v2;
	v3 =	vadd.f32 v23, v3;
	v12 =	vmul.f32 v28, v25  }
0x168: {  	v23 =	vor.u32 $0x15, v1;
	v6 =	vadd.f32 v24, v6;
	v42 =	vmul.f32 v32, v32  }
0x169: {  	v7 =	vadd.f32 v26, v7;
	v44 =	vmul.f32 v35, v35;
	v45 =	vmul.f32 v36, v36  }
0x16a: {  	v5 =	vadd.f32 v27, v5;
	v47 =	vmul.f32 v36, v32;
	v49 =	vmul.f32 v35, v32  }
0x16b: {  	v50 =	vld.idx.msk [tilespmem:v40+s14+$0x0], $0xffff;
	v9 =	vadd.f32 v29, v9;
	v2 =	vadd.f32 v4, v2;
	v4 =	vmul.f32 v36, v35  }
0x16c: {  	v53 =	vld.idx.msk [tilespmem:v40+s15+$0x0], $0xffff;
	v3 =	vadd.f32 v31, v3;
	v51 =	vmul.f32 v39, v39;
	v52 =	vmul.f32 v43, v43  }
0x16d: {  	v54 =	vld.idx.msk [tilespmem:v40+s16+$0x0], $0xffff;
	v55 =	vmul.f32 v46, v46;
	v6 =	vadd.f32 v33, v6;
	v7 =	vadd.f32 v34, v7  }
0x16e: {  	v57 =	vld.idx.msk [tilespmem:v48+s14+$0x0], $0xffff;
	v56 =	vmul.f32 v46, v39;
	v5 =	vadd.f32 v37, v5;
	v9 =	vadd.f32 v38, v9  }
0x16f: {  	v61 =	vld.idx.msk [tilespmem:v48+s15+$0x0], $0xffff;
	v59 =	vmul.f32 v43, v39;
	v2 =	vadd.f32 v12, v2;
	v3 =	vadd.f32 v41, v3  }
0x170: {  	v63 =	vld.idx.msk [tilespmem:v48+s16+$0x0], $0xffff;
	v12 =	vmul.f32 v46, v43;
	v43 =	vor.u32 $0x18, v1;
	v6 =	vadd.f32 v42, v6  }
0x171: {  	v40 =	vld.idx.msk [tilespmem:v30+s14+$0x0], $0xffff;
	v7 =	vadd.f32 v44, v7;
	v60 =	vmul.f32 v50, v50;
	v62 =	vmul.f32 v53, v53  }
0x172: {  	v5 =	vadd.f32 v45, v5;
	v19 =	vmul.f32 v54, v54;
	v20 =	vmul.f32 v54, v50;
	v42 =	vld.idx.msk [tilespmem:v30+s15+$0x0], $0xffff  }
0x173: {  	v21 =	vmul.f32 v53, v50;
	v45 =	vld.idx.msk [tilespmem:v30+s16+$0x0], $0xffff;
	v30 =	vor.u32 $0x1E, v1;
	v9 =	vadd.f32 v47, v9  }
0x174: {  	v22 =	vld.idx.msk [tilespmem:v58+s14+$0x0], $0xffff;
	v2 =	vadd.f32 v4, v2;
	v4 =	vmul.f32 v54, v53;
	v24 =	vmul.f32 v57, v57  }
0x175: {  	v25 =	vld.idx.msk [tilespmem:v58+s15+$0x0], $0xffff;
	v3 =	vadd.f32 v49, v3;
	v26 =	vmul.f32 v61, v61;
	v27 =	vmul.f32 v63, v63  }
0x176: {  	v28 =	vld.idx.msk [tilespmem:v58+s16+$0x0], $0xffff;
	v29 =	vmul.f32 v63, v57;
	v6 =	vadd.f32 v51, v6;
	v7 =	vadd.f32 v52, v7  }
0x177: {  	v31 =	vmul.f32 v63, v61;
	v5 =	vadd.f32 v55, v5;
	v9 =	vadd.f32 v56, v9  }
0x178: {  	v33 =	vld.idx.msk [tilespmem:v23+s14+$0x0], $0xffff;
	v32 =	vmul.f32 v61, v57;
	v2 =	vadd.f32 v12, v2;
	v3 =	vadd.f32 v59, v3  }
0x179: {  	v36 =	vld.idx.msk [tilespmem:v23+s15+$0x0], $0xffff;
	v52 =	vmul.f32 v40, v40;
	v6 =	vadd.f32 v60, v6;
	v7 =	vadd.f32 v62, v7  }
0x17a: {  	v38 =	vld.idx.msk [tilespmem:v23+s16+$0x0], $0xffff;
	v5 =	vadd.f32 v19, v5;
	v34 =	vmul.f32 v22, v22;
	v35 =	vmul.f32 v25, v25  }
0x17b: {  	v19 =	vor.u32 $0x17, v1;
	v37 =	vmul.f32 v28, v28;
	v39 =	vmul.f32 v28, v22  }
0x17c: {  	v41 =	vmul.f32 v28, v25;
	v10 =	vmul.f32 v25, v22;
	v22 =	vor.u32 $0x1B, v1  }
0x17d: {  	v28 =	vor.u32 $0x1D, v1;
	v9 =	vadd.f32 v20, v9;
	v2 =	vadd.f32 v4, v2  }
0x17e: {  	v3 =	vadd.f32 v21, v3;
	v44 =	vmul.f32 v33, v33;
	v46 =	vmul.f32 v36, v36  }
0x17f: {  	v20 =	vor.u32 $0x19, v1;
	v48 =	vmul.f32 v38, v38;
	v50 =	vmul.f32 v38, v33  }
0x180: {  	v12 =	vld.idx.msk [tilespmem:v43+s14+$0x0], $0xffff;
	v21 =	vor.u32 $0x1A, v1;
	v51 =	vmul.f32 v36, v33;
	v4 =	vadd.f32 v24, v6  }
0x181: {  	v17 =	vld.idx.msk [tilespmem:v43+s15+$0x0], $0xffff;
	v54 =	vmul.f32 v45, v45;
	v7 =	vadd.f32 v26, v7;
	v5 =	vadd.f32 v27, v5  }
0x182: {  	v16 =	vld.idx.msk [tilespmem:v43+s16+$0x0], $0xffff;
	v13 =	vmul.f32 v45, v42;
	v6 =	vadd.f32 v29, v9;
	v2 =	vadd.f32 v31, v2  }
0x183: {  	v14 =	vmul.f32 v42, v40;
	v3 =	vadd.f32 v32, v3;
	v4 =	vadd.f32 v34, v4;
	v47 =	vld.idx.msk [tilespmem:v19+s14+$0x0], $0xffff  }
0x184: {  	v24 =	vor.u32 $0x1C, v1;
	v7 =	vadd.f32 v35, v7;
	v5 =	vadd.f32 v37, v5;
	v49 =	vld.idx.msk [tilespmem:v19+s15+$0x0], $0xffff  }
0x185: {  	v15 =	vld.idx.msk [tilespmem:v30+s14+$0x0], $0xffff;
	v9 =	vmul.f32 v38, v36;
	v6 =	vadd.f32 v39, v6;
	v2 =	vadd.f32 v41, v2  }
0x186: {  	v31 =	vmul.f32 v45, v40;
	v3 =	vadd.f32 v10, v3;
	v19 =	vld.idx.msk [tilespmem:v19+s16+$0x0], $0xffff;
	v4 =	vadd.f32 v44, v4  }
0x187: {  	v7 =	vadd.f32 v46, v7;
	v10 =	vld.idx.msk [tilespmem:v20+s14+$0x0], $0xffff;
	v9 =	vadd.f32 v9, v2;
	v2 =	vmul.f32 v42, v42  }
0x188: {  	v55 =	vmul.f32 v12, v12;
	v23 =	vld.idx.msk [tilespmem:v20+s15+$0x0], $0xffff;
	v4 =	vadd.f32 v52, v4;
	v53 =	vmul.f32 v47, v47  }
0x189: {  	v5 =	vadd.f32 v48, v5;
	v26 =	vld.idx.msk [tilespmem:v21+s14+$0x0], $0xffff;
	v2 =	vadd.f32 v2, v7;
	v25 =	vmul.f32 v49, v49  }
0x18a: {  	v56 =	vmul.f32 v17, v17;
	v27 =	vld.idx.msk [tilespmem:v21+s15+$0x0], $0xffff;
	v6 =	vadd.f32 v50, v6;
	v4 =	vadd.f32 v53, v4  }
0x18b: {  	v46 =	vmul.f32 v16, v16;
	v3 =	vadd.f32 v51, v3;
	v2 =	vadd.f32 v25, v2;
	v25 =	vld.idx.msk [tilespmem:v22+s14+$0x0], $0xffff  }
0x18c: {  	v29 =	vld.idx.msk [tilespmem:v22+s15+$0x0], $0xffff;
	v42 =	vmul.f32 v15, v15;
	v57 =	vmul.f32 v10, v10;
	v4 =	vadd.f32 v55, v4  }
0x18d: {  	v33 =	vld.idx.msk [tilespmem:v24+s14+$0x0], $0xffff;
	v50 =	vmul.f32 v16, v12;
	v32 =	vmul.f32 v23, v23;
	v7 =	vadd.f32 v56, v2  }
0x18e: {  	v34 =	vld.idx.msk [tilespmem:v24+s15+$0x0], $0xffff;
	v58 =	vmul.f32 v26, v26;
	v2 =	vor.u32 $0x1F, v1;
	v4 =	vadd.f32 v57, v4  }
0x18f: {  	v6 =	vadd.f32 v31, v6;
	v31 =	vld.idx.msk [tilespmem:v28+s14+$0x0], $0xffff;
	v59 =	vmul.f32 v27, v27;
	v1 =	vadd.f32 v32, v7  }
0x190: {  	v12 =	vmul.f32 v17, v12;
	v32 =	vld.idx.msk [tilespmem:v28+s15+$0x0], $0xffff;
	v60 =	vmul.f32 v25, v25;
	v4 =	vadd.f32 v58, v4  }
0x191: {  	v5 =	vadd.f32 v54, v5;
	v61 =	vmul.f32 v29, v29;
	v1 =	vadd.f32 v59, v1  }
0x192: {  	v9 =	vadd.f32 v13, v9;
	v13 =	vld.idx.msk [tilespmem:v30+s15+$0x0], $0xffff;
	v62 =	vmul.f32 v33, v33;
	v4 =	vadd.f32 v60, v4  }
0x193: {  	v3 =	vadd.f32 v14, v3;
	v63 =	vmul.f32 v34, v34;
	v7 =	vadd.f32 v61, v1;
	v1 =	vld.idx.msk [tilespmem:v2+s14+$0x0], $0xffff  }
0x194: {  	v35 =	vmul.f32 v19, v19;
	v40 =	vmul.f32 v31, v31;
	v36 =	vld.idx.msk [tilespmem:v2+s15+$0x0], $0xffff;
	v4 =	vadd.f32 v62, v4  }
0x195: {  	v37 =	vmul.f32 v19, v47;
	v41 =	vmul.f32 v32, v32;
	v7 =	vadd.f32 v63, v7  }
0x196: {  	v19 =	vmul.f32 v19, v49;
	v11 =	vmul.f32 v49, v47;
	v4 =	vadd.f32 v40, v4  }
0x197: {  	v47 =	vld.idx.msk [tilespmem:v20+s16+$0x0], $0xffff;
	v5 =	vadd.f32 v35, v5;
	v43 =	vmul.f32 v13, v13;
	v7 =	vadd.f32 v41, v7  }
0x198: {  	v6 =	vadd.f32 v37, v6;
	v44 =	vmul.f32 v1, v1;
	v4 =	vadd.f32 v42, v4  }
0x199: {  	v9 =	vadd.f32 v19, v9;
	v45 =	vmul.f32 v36, v36;
	v7 =	vadd.f32 v43, v7  }
0x19a: {  	v52 =	vmul.f32 v16, v17;
	v3 =	vadd.f32 v11, v3;
	v4 =	vadd.f32 v44, v4  }
0x19b: {  	v35 =	vmul.f32 v27, v26;
	v37 =	vld.idx.msk [tilespmem:v24+s16+$0x0], $0xffff;
	v5 =	vadd.f32 v46, v5;
	v7 =	vadd.f32 v45, v7  }
0x19c: {  	v56 =	vmul.f32 v47, v47;
	v57 =	vmul.f32 v47, v10;
	v48 =	vshrl.u32 v4, $0x1  }
0x19d: {  	v54 =	vld.idx.msk [tilespmem:v21+s16+$0x0], $0xffff;
	v18 =	vmul.f32 $5.000000000e-01, v4;
	v49 =	vshrl.u32 v7, $0x1;
	v20 =	vmul.f32 $5.000000000e-01, v7  }
0x19e: {  	v10 =	vmul.f32 v23, v10;
	v14 =	vsub.s32 $0x5F3759DF, v48;
	v19 =	vsub.s32 $0x5F3759DF, v49  }
0x19f: {  	v6 =	vadd.f32 v50, v6;
	v51 =	vmul.f32 v14, v18;
	v53 =	vmul.f32 v19, v20  }
0x1a0: {  	v8 =	vadd.f32 v52, v9;
	v46 =	vmul.f32 v37, v34;
	v58 =	vmul.f32 v47, v23  }
0x1a1: {  	v3 =	vadd.f32 v12, v3;
	v61 =	vld.idx.msk [tilespmem:v22+s16+$0x0], $0xffff;
	v55 =	vmul.f32 v14, v51;
	v16 =	vmul.f32 v19, v53  }
0x1a2: {  	v5 =	vadd.f32 v56, v5;
	v47 =	vmul.f32 v34, v33;
	v22 =	vmul.f32 v54, v27  }
0x1a3: {  	v2 =	vld.idx.msk [tilespmem:v2+s16+$0x0], $0xffff;
	v62 =	vmul.f32 v54, v54;
	v21 =	vsub.f32 $1.500000000e+00, v55;
	v59 =	vsub.f32 $1.500000000e+00, v16  }
0x1a4: {  	v6 =	vadd.f32 v57, v6;
	v63 =	vmul.f32 v54, v26;
	v54 =	vmul.f32 v32, v31  }
0x1a5: {  	v3 =	vadd.f32 v10, v3;
	v60 =	vmul.f32 v14, v21;
	v11 =	vmul.f32 v19, v59  }
0x1a6: {  	v8 =	vadd.f32 v58, v8;
	v38 =	vmul.f32 v61, v61;
	v39 =	vmul.f32 v61, v25  }
0x1a7: {  	v3 =	vadd.f32 v35, v3;
	v21 =	vmul.f32 v60, v18;
	v23 =	vmul.f32 v11, v20  }
0x1a8: {  	v8 =	vadd.f32 v22, v8;
	v40 =	vmul.f32 v61, v29;
	v61 =	vmul.f32 v2, v1  }
0x1a9: {  	v5 =	vadd.f32 v62, v5;
	v16 =	vmul.f32 v21, v60;
	v17 =	vmul.f32 v23, v11  }
0x1aa: {  	v6 =	vadd.f32 v63, v6;
	v62 =	vmul.f32 v2, v2;
	v2 =	vmul.f32 v2, v36  }
0x1ab: {  	v41 =	vld.idx.msk [tilespmem:v28+s16+$0x0], $0xffff;
	v42 =	vmul.f32 v29, v25;
	v16 =	vsub.f32 $1.500000000e+00, v16;
	v17 =	vsub.f32 $1.500000000e+00, v17  }
0x1ac: {  	v5 =	vadd.f32 v38, v5;
	v8 =	vadd.f32 v40, v8;
	v44 =	vmul.f32 v37, v37  }
0x1ad: {  	v6 =	vadd.f32 v39, v6;
	v12 =	vmul.f32 v16, v60;
	v43 =	vmul.f32 v17, v11  }
0x1ae: {  	v3 =	vadd.f32 v42, v3;
	v45 =	vmul.f32 v37, v33;
	v8 =	vadd.f32 v46, v8;
	v48 =	vld.idx.msk [tilespmem:v30+s16+$0x0], $0xffff  }
0x1af: {  	v5 =	vadd.f32 v44, v5;
	v18 =	vmul.f32 v12, v18;
	v50 =	vmul.f32 v43, v20  }
0x1b0: {  	v52 =	vmul.f32 v41, v31;
	v6 =	vadd.f32 v45, v6;
	v3 =	vadd.f32 v47, v3  }
0x1b1: {  	vm0 =	vgt.f32 v4, $1.000000000e+00;
	v51 =	vmul.f32 v18, v12;
	v53 =	vmul.f32 v50, v43  }
0x1b2: {  	vm14 =	vgt.f32 v7, $1.000000000e+00;
	v49 =	vmul.f32 v41, v41;
	v6 =	vadd.f32 v52, v6  }
0x1b3: {  	v55 =	vmul.f32 v48, v48;
	v11 =	vsub.f32 $1.500000000e+00, v51;
	v16 =	vsub.f32 $1.500000000e+00, v53  }
0x1b4: {  	v5 =	vadd.f32 v49, v5;
	v56 =	vmul.f32 v48, v15;
	v14 =	vmul.f32 v41, v32  }
0x1b5: {  	v3 =	vadd.f32 v54, v3;
	v11 =	vmul.f32 v11, v12;
	v9 =	vmul.f32 v16, v43  }
0x1b6: {  	v57 =	vmul.f32 v48, v13;
	v5 =	vadd.f32 v55, v5;
	v59 =	vmul.f32 v13, v15  }
0x1b7: {  	v8 =	vadd.f32 v14, v8;
	v11 =	vnsel vm0, $0x3F800000, v11;
	v9 =	vnsel vm14, $0x3F800000, v9  }
0x1b8: {  	v6 =	vadd.f32 v56, v6;
	v58 =	vmul.f32 v11, v11;
	v60 =	vmul.f32 v9, v9  }
0x1b9: {  	v1 =	vmul.f32 v36, v1;
	v3 =	vadd.f32 v59, v3;
	v8 =	vadd.f32 v57, v8  }
0x1ba: {  	v6 =	vadd.f32 v61, v6;
	v4 =	vmul.f32 v58, v4;
	v7 =	vmul.f32 v60, v7  }
0x1bb: {  	v5 =	vadd.f32 v62, v5;
	v2 =	vadd.f32 v2, v8  }
0x1bc: {  	v1 =	vadd.f32 v1, v3;
	v3 =	vmul.f32 v11, v6;
	v4 =	vadd.f32 v7, v4  }
0x1bd: {  	v2 =	vmul.f32 v9, v2  }
0x1be: {  	v1 =	vmul.f32 v9, v1;
	v3 =	vadd.f32 v3, v3;
	v4 =	vadd.f32 v4, v5;
	_ =	sdelay $0x1  }
0x1bf: {  	v2 =	vadd.f32 v2, v2;
	v1 =	vmul.f32 v1, v11;
	v3 =	vadd.f32 v4, v3;
	_ =	sdelay $0x1  }
0x1c0: {  	v1 =	vadd.f32 v1, v1;
	v2 =	vsub.f32 v3, v2;
	_ =	sdelay $0x1  }
0x1c1: {  	v1 =	vsub.f32 v2, v1;
	_ =	sdelay $0x1  }
0x1c2: {  	v1 =	vmax.f32 v1, $0.0e+00  }
0x1c3: {  	v2 =	vshrl.u32 v1, $0x1;
	v3 =	vmul.f32 $5.000000000e-01, v1  }
0x1c4: {  	v2 =	vsub.s32 $0x5F3759DF, v2  }
0x1c5: {  	v63 =	vmul.f32 v2, v3;
	_ =	sdelay $0x1  }
0x1c6: {  	v4 =	vmul.f32 v2, v63;
	_ =	sdelay $0x1  }
0x1c7: {  	v4 =	vsub.f32 $1.500000000e+00, v4;
	_ =	sdelay $0x1  }
0x1c8: {  	v2 =	vmul.f32 v2, v4;
	_ =	sdelay $0x1  }
0x1c9: {  	v4 =	vmul.f32 v2, v3;
	_ =	sdelay $0x1  }
0x1ca: {  	v4 =	vmul.f32 v4, v2;
	_ =	sdelay $0x1  }
0x1cb: {  	v4 =	vsub.f32 $1.500000000e+00, v4;
	_ =	sdelay $0x1  }
0x1cc: {  	v2 =	vmul.f32 v4, v2;
	_ =	sdelay $0x1  }
0x1cd: {  	v3 =	vmul.f32 v2, v3;
	_ =	sdelay $0x1  }
0x1ce: {  	v3 =	vmul.f32 v3, v2;
	_ =	sdelay $0x1  }
0x1cf: {  	v3 =	vsub.f32 $1.500000000e+00, v3;
	_ =	sdelay $0x1  }
0x1d0: {  	v2 =	vmul.f32 v3, v2;
	_ =	sdelay $0x1  }
0x1d1: {  	p0 =	sne.s32 s0, $0xF0;
	v2 =	vmul.f32 v2, v1  }
.Ltmp1:
0x1d2: {  	_ = 	snop;
	(pc) =	sbr.rel @p0 .LBB2_4-.Ltmp1, $4  }
0x1d3: {  	v2 =	vsub.f32 $0.0e+00, v2  }
0x1d4: {  	vm15 =	vgt.f32 v1, $0.0e+00  }
0x1d5: {  	s2 =	sand.u32 $0xF0, s0;
	v1 =	vnsel vm15, $0x0, v2  }
0x1d6: {  	s0 =	sadd.s32 $0x10, s0;
	[tilespmem:s2+$0x18700] =	vst v1  }
0x1d7: {  	s31 =	sadd.s32 $0x1, s31  }
0x1d8: {  	p0 =	sne.s32 s31, s9  }
.Ltmp2:
0x1d9: {  	_ = 	snop;
	(pc) =	sbr.rel @p0 .LBB2_1-.Ltmp2, $4  }
0x1da: {  	[hbm4b:s8+s1] =	stream.linear.scatter [tilespmem:s30], [sflag:$0x2], $0x200, $0x38;
	[tilespmem:$0x18800] =	vst v63  }
0x1db: {  	_ =	swait.ge [sflag:s10], $0x200  }
0x1dc: {  	[sflag:s10] =	ssyncset.done $0x0  }
0x1dd: {  	[sflag:s10] =	ssyncadd.s32 $0xFFFFFE00  }
0x1de: {  	_ =	sfence.sel $0x180000  }
0x1df: {  	[bflag:$0x0] =	sbarrier.arrive $0xFFFF  }
0x1e0: {  	_ =	strace $0x90000047  }
0x1e1: {  	s0 =	stileid.u32;
	[bflag:$0x2] =	sbarrier.arrive $0xFFFF  }
0x1e2: {  	p0 =	sne.s32 s0, $0x0;
	s0 =	rddreg [dreg:$0x5]  }
0x1e3: {  	s0 =	sadd.s32 @!p0 $0x100000, s0  }
0x1e4: {  	[sflag:s0] =	ssyncadd.tile.s32 @!p0 $0x1;
	_ =	shalt  }
.Lfunc_end2:
_tile_overlayer_lowered:
.L_overlay_start_2:
0x1e5: {  	(tag) =	ssettag $0x2  }
0x1e6: {  	s0 =	rddreg [dreg:$0x0];
	s2 =	stileid.u32  }
0x1e7: {  	s1 =	rddreg [dreg:$0x1];
	p0 =	sne.s32 s2, $0x0  }
0x1e8: {  	s3 =	rddreg [dreg:$0x2];
	[bflag:$0x3] =	sbarrier.arrive $0xFFFF;
	s2 =	simm.s32 @!p0 $0x1C02  }
0x1e9: {  	[timem:s3], [sflag:s2] =	dma.local @!p0 [hbm:s0], s1  }
0x1ea: {  	s0 =	simm.s32 @!p0 $0x2  }
0x1eb: {  	_ =	swait.ge @!p0 [sflag:s0], s1  }
0x1ec: {  	s1 =	ssub.s32 @!p0 $0x0, s1;
	[sflag:s0] =	ssyncset.done @!p0 $0x0  }
0x1ed: {  	[sflag:s0] =	ssyncadd.s32 @!p0 s1  }
0x1ee: {  	[bflag:$0x3] =	sbarrier.arrive $0xFFFF  }
0x1ef: {  	_ =	shalt  }

</sc_bundles>
